<compile_context>
chip_gen: v7x
topology: tpu7x:2x2x1
jax: 0.10.2.dev20260603
libtpu: 0.0.44.dev20260713+nightly
codegen_flags: <defaults>
</compile_context>

<pallas_src>
import jax
import jax.numpy as jnp
from jax import lax
from jax.experimental import pallas as pl
from jax.experimental.pallas import tpu as pltpu
from jax.experimental.pallas import tpu_sc as plsc

N_FIELDS = 26
BATCH = 4096
L = 20
D = 64

NC = 2
NS = 16
NW = NC * NS
BPW = BATCH // NW
CB = 32
CHUNKS_PER_FIELD = BPW // CB
TOT_CHUNKS = N_FIELDS * CHUNKS_PER_FIELD
IPC = CB * L
IDX_ROWS = IPC // 128


def _sc_body(idx_hbm, table_hbm, offs_hbm, out_hbm,
             idx_v0, idx_v1, rows_v0, rows_v1, out_v, offs_v,
             sem0, sem1, isem0, isem1):
    c = lax.axis_index("c")
    s = lax.axis_index("s")
    wid = s * NC + c

    idx_vs = (idx_v0, idx_v1)
    rows_vs = (rows_v0, rows_v1)
    sems = (sem0, sem1)
    isems = (isem0, isem1)

    pltpu.sync_copy(offs_hbm, offs_v)

    def base_bag_of(t):
        f = t // CHUNKS_PER_FIELD
        cc = lax.rem(t, CHUNKS_PER_FIELD)
        return f, f * BATCH + wid * BPW + cc * CB

    def fire_idx(t, ib):
        _, base_bag = base_bag_of(t)
        pltpu.async_copy(idx_hbm.at[pl.ds(base_bag * L, IPC)],
                         idx_vs[ib], isems[ib])

    def fire_gather(t, ib):
        f, _ = base_bag_of(t)
        pltpu.make_async_copy(idx_hbm.at[pl.ds(0, IPC)],
                              idx_vs[ib], isems[ib]).wait()
        off = offs_v[pl.ds(f * 16, 16)]
        for i in range(IPC // 16):
            sl = pl.ds(i * 16, 16)
            idx_vs[ib][sl] = idx_vs[ib][sl] + off
        for i in range(IDX_ROWS):
            pltpu.async_copy(table_hbm.at[idx_vs[ib].at[pl.ds(i * 128, 128)]],
                             rows_vs[ib].at[pl.ds(i * 128, 128)], sems[ib])

    def drain(ib):
        pltpu.make_async_copy(table_hbm.at[pl.ds(0, IPC)],
                              rows_vs[ib], sems[ib]).wait()

    def reduce_store(t, ib):
        _, base_bag = base_bag_of(t)
        rows_v = rows_vs[ib]

        @pl.loop(0, CB)
        def bag_loop(j):
            row0 = j * L
            for k in range(4):
                sl = pl.ds(k * 16, 16)
                a0 = rows_v[row0 + 0, sl] + rows_v[row0 + 1, sl]
                a1 = rows_v[row0 + 2, sl] + rows_v[row0 + 3, sl]
                a2 = rows_v[row0 + 4, sl] + rows_v[row0 + 5, sl]
                a3 = rows_v[row0 + 6, sl] + rows_v[row0 + 7, sl]
                for l in range(8, L, 4):
                    a0 = a0 + rows_v[row0 + l + 0, sl]
                    a1 = a1 + rows_v[row0 + l + 1, sl]
                    a2 = a2 + rows_v[row0 + l + 2, sl]
                    a3 = a3 + rows_v[row0 + l + 3, sl]
                out_v[j, sl] = (a0 + a1) + (a2 + a3)

        pltpu.sync_copy(out_v, out_hbm.at[pl.ds(base_bag, CB)])

    fire_idx(0, 0)
    fire_gather(0, 0)
    fire_idx(1, 1)

    @pl.loop(0, TOT_CHUNKS, step=2)
    def chunk_loop(t):
        for b in range(2):
            tb = t + b
            nxt = tb + 1

            @pl.when(nxt < TOT_CHUNKS)
            def _():
                fire_gather(nxt, 1 - b)

            drain(b)

            @pl.when(tb + 2 < TOT_CHUNKS)
            def _():
                fire_idx(tb + 2, b)

            reduce_store(tb, b)


@jax.jit
def _fused_bag_sum(idx1d, table, offs_rep):
    mesh = plsc.VectorSubcoreMesh(core_axis_name="c", subcore_axis_name="s")
    fn = pl.kernel(
        _sc_body,
        out_type=jax.ShapeDtypeStruct((N_FIELDS * BATCH, D), jnp.float32),
        mesh=mesh,
        compiler_params=pltpu.CompilerParams(use_tc_tiling_on_sc=False),
        scratch_types=[
            pltpu.VMEM((IPC,), jnp.int32),
            pltpu.VMEM((IPC,), jnp.int32),
            pltpu.VMEM((IPC, D), jnp.float32),
            pltpu.VMEM((IPC, D), jnp.float32),
            pltpu.VMEM((CB, D), jnp.float32),
            pltpu.VMEM((512,), jnp.int32),
            pltpu.SemaphoreType.DMA,
            pltpu.SemaphoreType.DMA,
            pltpu.SemaphoreType.DMA,
            pltpu.SemaphoreType.DMA,
        ],
    )
    return fn(idx1d, table, offs_rep)


def kernel(indices, table, offsets):
    idx1d = indices.reshape(-1)
    offs_rep = jnp.pad(jnp.repeat(offsets, 16), (0, 16 * (32 - N_FIELDS)))
    out = _fused_bag_sum(idx1d, table, offs_rep)
    return out.reshape(BATCH, N_FIELDS, D)

# --- scband reference (transcript-rebuilt; emitter-appended) ---
"""Pipeline reference for scband-fused-sparse-modules-75247827026707 (READ-ONLY COPY).

The authoritative reference and input builder live on the scoring server;
editing this copy changes nothing except your own understanding.
"""

import jax, jax.numpy as jnp
import numpy as np

N_FIELDS = 26
BATCH = 4096
L = 20
VOCAB_PER_FEATURE = 100000
EMBED_DIM = 64
TOTAL_ROWS = N_FIELDS * VOCAB_PER_FEATURE


def setup_inputs(seed: int = 0) -> dict:
    key = jax.random.key(seed)
    k1, k2 = jax.random.split(key)
    # Multi-hot sparse indices: per-field, per-batch, L values each, in [0, vocab_per_feature)
    indices = jax.random.randint(k1, (N_FIELDS, BATCH, L), 0, VOCAB_PER_FEATURE, dtype=jnp.int32)
    # Fused embedding table: sum(num_embeddings_per_feature) rows (nn.EmbeddingBag weight)
    table = jax.random.normal(k2, (TOTAL_ROWS, EMBED_DIM), dtype=jnp.float32) * 0.01
    # Registered buffer: cumulative row offsets per feature ([0, cumsum(...)[:-1]])
    offsets = jnp.arange(N_FIELDS, dtype=jnp.int32) * VOCAB_PER_FEATURE
    return {"indices": indices, "table": table, "offsets": offsets}


def reference(indices, table, offsets):
    # torch.cat([values + offset for key, offset in zip(keys, offsets)]) -> key-major flattening
    flat = (indices + offsets[:, None, None]).reshape(-1)  # [N_FIELDS * BATCH * L]
    # nn.EmbeddingBag(mode='sum', include_last_offset=True) with uniform bag size L:
    gathered = jnp.take(table, flat, axis=0)               # [N_FIELDS * BATCH * L, D]
    bags = gathered.reshape(N_FIELDS * BATCH, L, EMBED_DIM).sum(axis=1)  # [N_FIELDS*BATCH, D]
    # .view(batch_size, len(keys), -1) applied to the key-major flat output (faithful to source)
    out = bags.reshape(BATCH, N_FIELDS, EMBED_DIM)
    return out

if __name__ == "__main__":
    import jax
    _d = setup_inputs()
    print(jax.jit(kernel)(*tuple(_d.values())))

</pallas_src>

<mosaic_0001>
#map = affine_map<(d0, d1) -> (0)>
#map1 = affine_map<(d0, d1) -> (0, 0)>
module attributes {stable_mosaic.version = 14 : i64} {
  func.func @_sc_body(%arg0: i32, %arg1: i32, %arg2: memref<2129920xi32, #tpu.memory_space<hbm>>, %arg3: memref<2600000x64xf32, #tpu.memory_space<hbm>>, %arg4: memref<512xi32, #tpu.memory_space<hbm>>, %arg5: memref<106496x64xf32, #tpu.memory_space<hbm>>, %arg6: memref<640xi32, #tpu.memory_space<vmem>>, %arg7: memref<640xi32, #tpu.memory_space<vmem>>, %arg8: memref<640x64xf32, #tpu.memory_space<vmem>>, %arg9: memref<640x64xf32, #tpu.memory_space<vmem>>, %arg10: memref<32x64xf32, #tpu.memory_space<vmem>>, %arg11: memref<512xi32, #tpu.memory_space<vmem>>, %arg12: memref<!tpu.dma_semaphore, #tpu.memory_space<semaphore_mem>>, %arg13: memref<!tpu.dma_semaphore, #tpu.memory_space<semaphore_mem>>, %arg14: memref<!tpu.dma_semaphore, #tpu.memory_space<semaphore_mem>>, %arg15: memref<!tpu.dma_semaphore, #tpu.memory_space<semaphore_mem>>) attributes {dimension_semantics = [#tpu.dimension_semantics<core_parallel>, #tpu.dimension_semantics<subcore_parallel>], iteration_bounds = array<i64: 2, 16>, scalar_prefetch = 0 : i64, scratch_operands = 10 : i64, tpu.core_type = #tpu.core_type<sc_vector_subcore>, window_params = [{transform_indices = #map}, {transform_indices = #map1}, {transform_indices = #map}, {transform_indices = #map1}]} {
    %mul3A = arith.constant 2 : i32
    %mul3A_0 = arith.muli %arg1, %mul3A : i32
    %add3A = arith.addi %mul3A_0, %arg0 : i32
    "tpu.region"() ({
      %run_scoped3A = tpu.sem_alloc : memref<!tpu.dma_semaphore, #tpu.memory_space<semaphore_mem>>
      tpu.enqueue_dma source(%arg4 : memref<512xi32, #tpu.memory_space<hbm>>) target(%arg11 : memref<512xi32, #tpu.memory_space<vmem>>) target_semaphore(%run_scoped3A : memref<!tpu.dma_semaphore, #tpu.memory_space<semaphore_mem>>)
      tpu.wait_dma2 semaphore(%run_scoped3A : memref<!tpu.dma_semaphore, #tpu.memory_space<semaphore_mem>>) src(%arg4 : memref<512xi32, #tpu.memory_space<hbm>>) dst(%arg11 : memref<512xi32, #tpu.memory_space<vmem>>)
      tpu.yield
    }) : () -> ()
    %rem3A = arith.constant 0 : i32
    %rem3A_1 = arith.constant 4 : i32
    %rem3A_2 = arith.remsi %rem3A, %rem3A_1 : i32
    %mul3A_3 = arith.constant 128 : i32
    %mul3A_4 = arith.muli %add3A, %mul3A_3 : i32
    %add3A_5 = arith.constant 0 : i32
    %add3A_6 = arith.addi %add3A_5, %mul3A_4 : i32
    %mul3A_7 = arith.constant 32 : i32
    %mul3A_8 = arith.muli %rem3A_2, %mul3A_7 : i32
    %add3A_9 = arith.addi %add3A_6, %mul3A_8 : i32
    %mul3A_10 = arith.constant 20 : i32
    %mul3A_11 = arith.muli %add3A_9, %mul3A_10 : i32
    %dma_start3A = tpu.memref_slice %arg2[%mul3A_11] : memref<2129920xi32, #tpu.memory_space<hbm>> -> memref<640xi32, #tpu.memory_space<hbm>>
    %dma_start3A_12 = tpu.memref_slice %arg2[%mul3A_11] : memref<2129920xi32, #tpu.memory_space<hbm>> -> memref<640xi32, #tpu.memory_space<hbm>>
    tpu.enqueue_dma source(%dma_start3A_12 : memref<640xi32, #tpu.memory_space<hbm>>) target(%arg6 : memref<640xi32, #tpu.memory_space<vmem>>) target_semaphore(%arg14 : memref<!tpu.dma_semaphore, #tpu.memory_space<semaphore_mem>>)
    %rem3A_13 = arith.constant 0 : i32
    %rem3A_14 = arith.constant 4 : i32
    %rem3A_15 = arith.remsi %rem3A_13, %rem3A_14 : i32
    %mul3A_16 = arith.constant 128 : i32
    %mul3A_17 = arith.muli %add3A, %mul3A_16 : i32
    %add3A_18 = arith.constant 0 : i32
    %add3A_19 = arith.addi %add3A_18, %mul3A_17 : i32
    %mul3A_20 = arith.constant 32 : i32
    %mul3A_21 = arith.muli %rem3A_15, %mul3A_20 : i32
    %add3A_22 = arith.addi %add3A_19, %mul3A_21 : i32
    %dma_wait3A = arith.constant 0 : i32
    %dma_wait3A_23 = tpu.memref_slice %arg2[%dma_wait3A] : memref<2129920xi32, #tpu.memory_space<hbm>> -> memref<640xi32, #tpu.memory_space<hbm>>
    %dma_wait3A_24 = arith.constant 0 : i32
    %dma_wait3A_25 = tpu.memref_slice %arg2[%dma_wait3A_24] : memref<2129920xi32, #tpu.memory_space<hbm>> -> memref<640xi32, #tpu.memory_space<hbm>>
    tpu.wait_dma2 semaphore(%arg14 : memref<!tpu.dma_semaphore, #tpu.memory_space<semaphore_mem>>) src(%dma_wait3A_25 : memref<640xi32, #tpu.memory_space<hbm>>) dst(%arg6 : memref<640xi32, #tpu.memory_space<vmem>>)
    %get3A = arith.constant 0 : index
    %get3A_26 = tpu.vector_load %arg11[%get3A] {strides = array<i32>} : memref<512xi32, #tpu.memory_space<vmem>>, vector<16xi32>,
    %get3A_27 = vector.shape_cast %get3A_26 : vector<16xi32> to vector<16xi32>
    %get3A_28 = arith.constant 0 : index
    %get3A_29 = tpu.vector_load %arg6[%get3A_28] {strides = array<i32>} : memref<640xi32, #tpu.memory_space<vmem>>, vector<16xi32>,
    %get3A_30 = vector.shape_cast %get3A_29 : vector<16xi32> to vector<16xi32>
    %add3A_31 = arith.addi %get3A_30, %get3A_27 : vector<16xi32>
    %swap3A = arith.constant 0 : index
    %swap3A_32 = tpu.vector_load %arg6[%swap3A] {strides = array<i32>} : memref<640xi32, #tpu.memory_space<vmem>>, vector<16xi32>,
    %swap3A_33 = vector.shape_cast %swap3A_32 : vector<16xi32> to vector<16xi32>
    %swap3A_34 = vector.shape_cast %add3A_31 : vector<16xi32> to vector<16xi32>
    tpu.vector_store %arg6[%swap3A], %swap3A_34 {strides = array<i32>} : memref<640xi32, #tpu.memory_space<vmem>>, vector<16xi32>,
    %get3A_35 = arith.constant 16 : index
    %get3A_36 = tpu.vector_load %arg6[%get3A_35] {strides = array<i32>} : memref<640xi32, #tpu.memory_space<vmem>>, vector<16xi32>,
    %get3A_37 = vector.shape_cast %get3A_36 : vector<16xi32> to vector<16xi32>
    %add3A_38 = arith.addi %get3A_37, %get3A_27 : vector<16xi32>
    %swap3A_39 = arith.constant 16 : index
    %swap3A_40 = tpu.vector_load %arg6[%swap3A_39] {strides = array<i32>} : memref<640xi32, #tpu.memory_space<vmem>>, vector<16xi32>,
    %swap3A_41 = vector.shape_cast %swap3A_40 : vector<16xi32> to vector<16xi32>
    %swap3A_42 = vector.shape_cast %add3A_38 : vector<16xi32> to vector<16xi32>
    tpu.vector_store %arg6[%swap3A_39], %swap3A_42 {strides = array<i32>} : memref<640xi32, #tpu.memory_space<vmem>>, vector<16xi32>,
    %get3A_43 = arith.constant 32 : index
    %get3A_44 = tpu.vector_load %arg6[%get3A_43] {strides = array<i32>} : memref<640xi32, #tpu.memory_space<vmem>>, vector<16xi32>,
    %get3A_45 = vector.shape_cast %get3A_44 : vector<16xi32> to vector<16xi32>
    %add3A_46 = arith.addi %get3A_45, %get3A_27 : vector<16xi32>
    %swap3A_47 = arith.constant 32 : index
    %swap3A_48 = tpu.vector_load %arg6[%swap3A_47] {strides = array<i32>} : memref<640xi32, #tpu.memory_space<vmem>>, vector<16xi32>,
    %swap3A_49 = vector.shape_cast %swap3A_48 : vector<16xi32> to vector<16xi32>
    %swap3A_50 = vector.shape_cast %add3A_46 : vector<16xi32> to vector<16xi32>
    tpu.vector_store %arg6[%swap3A_47], %swap3A_50 {strides = array<i32>} : memref<640xi32, #tpu.memory_space<vmem>>, vector<16xi32>,
    %get3A_51 = arith.constant 48 : index
    %get3A_52 = tpu.vector_load %arg6[%get3A_51] {strides = array<i32>} : memref<640xi32, #tpu.memory_space<vmem>>, vector<16xi32>,
    %get3A_53 = vector.shape_cast %get3A_52 : vector<16xi32> to vector<16xi32>
    %add3A_54 = arith.addi %get3A_53, %get3A_27 : vector<16xi32>
    %swap3A_55 = arith.constant 48 : index
    %swap3A_56 = tpu.vector_load %arg6[%swap3A_55] {strides = array<i32>} : memref<640xi32, #tpu.memory_space<vmem>>, vector<16xi32>,
    %swap3A_57 = vector.shape_cast %swap3A_56 : vector<16xi32> to vector<16xi32>
    %swap3A_58 = vector.shape_cast %add3A_54 : vector<16xi32> to vector<16xi32>
    tpu.vector_store %arg6[%swap3A_55], %swap3A_58 {strides = array<i32>} : memref<640xi32, #tpu.memory_space<vmem>>, vector<16xi32>,
    %get3A_59 = arith.constant 64 : index
    %get3A_60 = tpu.vector_load %arg6[%get3A_59] {strides = array<i32>} : memref<640xi32, #tpu.memory_space<vmem>>, vector<16xi32>,
    %get3A_61 = vector.shape_cast %get3A_60 : vector<16xi32> to vector<16xi32>
    %add3A_62 = arith.addi %get3A_61, %get3A_27 : vector<16xi32>
    %swap3A_63 = arith.constant 64 : index
    %swap3A_64 = tpu.vector_load %arg6[%swap3A_63] {strides = array<i32>} : memref<640xi32, #tpu.memory_space<vmem>>, vector<16xi32>,
    %swap3A_65 = vector.shape_cast %swap3A_64 : vector<16xi32> to vector<16xi32>
    %swap3A_66 = vector.shape_cast %add3A_62 : vector<16xi32> to vector<16xi32>
    tpu.vector_store %arg6[%swap3A_63], %swap3A_66 {strides = array<i32>} : memref<640xi32, #tpu.memory_space<vmem>>, vector<16xi32>,
    %get3A_67 = arith.constant 80 : index
    %get3A_68 = tpu.vector_load %arg6[%get3A_67] {strides = array<i32>} : memref<640xi32, #tpu.memory_space<vmem>>, vector<16xi32>,
    %get3A_69 = vector.shape_cast %get3A_68 : vector<16xi32> to vector<16xi32>
    %add3A_70 = arith.addi %get3A_69, %get3A_27 : vector<16xi32>
    %swap3A_71 = arith.constant 80 : index
    %swap3A_72 = tpu.vector_load %arg6[%swap3A_71] {strides = array<i32>} : memref<640xi32, #tpu.memory_space<vmem>>, vector<16xi32>,
    %swap3A_73 = vector.shape_cast %swap3A_72 : vector<16xi32> to vector<16xi32>
    %swap3A_74 = vector.shape_cast %add3A_70 : vector<16xi32> to vector<16xi32>
    tpu.vector_store %arg6[%swap3A_71], %swap3A_74 {strides = array<i32>} : memref<640xi32, #tpu.memory_space<vmem>>, vector<16xi32>,
    %get3A_75 = arith.constant 96 : index
    %get3A_76 = tpu.vector_load %arg6[%get3A_75] {strides = array<i32>} : memref<640xi32, #tpu.memory_space<vmem>>, vector<16xi32>,
    %get3A_77 = vector.shape_cast %get3A_76 : vector<16xi32> to vector<16xi32>
    %add3A_78 = arith.addi %get3A_77, %get3A_27 : vector<16xi32>
    %swap3A_79 = arith.constant 96 : index
    %swap3A_80 = tpu.vector_load %arg6[%swap3A_79] {strides = array<i32>} : memref<640xi32, #tpu.memory_space<vmem>>, vector<16xi32>,
    %swap3A_81 = vector.shape_cast %swap3A_80 : vector<16xi32> to vector<16xi32>
    %swap3A_82 = vector.shape_cast %add3A_78 : vector<16xi32> to vector<16xi32>
    tpu.vector_store %arg6[%swap3A_79], %swap3A_82 {strides = array<i32>} : memref<640xi32, #tpu.memory_space<vmem>>, vector<16xi32>,
    %get3A_83 = arith.constant 112 : index
    %get3A_84 = tpu.vector_load %arg6[%get3A_83] {strides = array<i32>} : memref<640xi32, #tpu.memory_space<vmem>>, vector<16xi32>,
    %get3A_85 = vector.shape_cast %get3A_84 : vector<16xi32> to vector<16xi32>
    %add3A_86 = arith.addi %get3A_85, %get3A_27 : vector<16xi32>
    %swap3A_87 = arith.constant 112 : index
    %swap3A_88 = tpu.vector_load %arg6[%swap3A_87] {strides = array<i32>} : memref<640xi32, #tpu.memory_space<vmem>>, vector<16xi32>,
    %swap3A_89 = vector.shape_cast %swap3A_88 : vector<16xi32> to vector<16xi32>
    %swap3A_90 = vector.shape_cast %add3A_86 : vector<16xi32> to vector<16xi32>
    tpu.vector_store %arg6[%swap3A_87], %swap3A_90 {strides = array<i32>} : memref<640xi32, #tpu.memory_space<vmem>>, vector<16xi32>,
    %get3A_91 = arith.constant 128 : index
    %get3A_92 = tpu.vector_load %arg6[%get3A_91] {strides = array<i32>} : memref<640xi32, #tpu.memory_space<vmem>>, vector<16xi32>,
    %get3A_93 = vector.shape_cast %get3A_92 : vector<16xi32> to vector<16xi32>
    %add3A_94 = arith.addi %get3A_93, %get3A_27 : vector<16xi32>
    %swap3A_95 = arith.constant 128 : index
    %swap3A_96 = tpu.vector_load %arg6[%swap3A_95] {strides = array<i32>} : memref<640xi32, #tpu.memory_space<vmem>>, vector<16xi32>,
    %swap3A_97 = vector.shape_cast %swap3A_96 : vector<16xi32> to vector<16xi32>
    %swap3A_98 = vector.shape_cast %add3A_94 : vector<16xi32> to vector<16xi32>
    tpu.vector_store %arg6[%swap3A_95], %swap3A_98 {strides = array<i32>} : memref<640xi32, #tpu.memory_space<vmem>>, vector<16xi32>,
    %get3A_99 = arith.constant 144 : index
    %get3A_100 = tpu.vector_load %arg6[%get3A_99] {strides = array<i32>} : memref<640xi32, #tpu.memory_space<vmem>>, vector<16xi32>,
    %get3A_101 = vector.shape_cast %get3A_100 : vector<16xi32> to vector<16xi32>
    %add3A_102 = arith.addi %get3A_101, %get3A_27 : vector<16xi32>
    %swap3A_103 = arith.constant 144 : index
    %swap3A_104 = tpu.vector_load %arg6[%swap3A_103] {strides = array<i32>} : memref<640xi32, #tpu.memory_space<vmem>>, vector<16xi32>,
    %swap3A_105 = vector.shape_cast %swap3A_104 : vector<16xi32> to vector<16xi32>
    %swap3A_106 = vector.shape_cast %add3A_102 : vector<16xi32> to vector<16xi32>
    tpu.vector_store %arg6[%swap3A_103], %swap3A_106 {strides = array<i32>} : memref<640xi32, #tpu.memory_space<vmem>>, vector<16xi32>,
    %get3A_107 = arith.constant 160 : index
    %get3A_108 = tpu.vector_load %arg6[%get3A_107] {strides = array<i32>} : memref<640xi32, #tpu.memory_space<vmem>>, vector<16xi32>,
    %get3A_109 = vector.shape_cast %get3A_108 : vector<16xi32> to vector<16xi32>
    %add3A_110 = arith.addi %get3A_109, %get3A_27 : vector<16xi32>
    %swap3A_111 = arith.constant 160 : index
    %swap3A_112 = tpu.vector_load %arg6[%swap3A_111] {strides = array<i32>} : memref<640xi32, #tpu.memory_space<vmem>>, vector<16xi32>,
    %swap3A_113 = vector.shape_cast %swap3A_112 : vector<16xi32> to vector<16xi32>
    %swap3A_114 = vector.shape_cast %add3A_110 : vector<16xi32> to vector<16xi32>
    tpu.vector_store %arg6[%swap3A_111], %swap3A_114 {strides = array<i32>} : memref<640xi32, #tpu.memory_space<vmem>>, vector<16xi32>,
    %get3A_115 = arith.constant 176 : index
    %get3A_116 = tpu.vector_load %arg6[%get3A_115] {strides = array<i32>} : memref<640xi32, #tpu.memory_space<vmem>>, vector<16xi32>,
    %get3A_117 = vector.shape_cast %get3A_116 : vector<16xi32> to vector<16xi32>
    %add3A_118 = arith.addi %get3A_117, %get3A_27 : vector<16xi32>
    %swap3A_119 = arith.constant 176 : index
    %swap3A_120 = tpu.vector_load %arg6[%swap3A_119] {strides = array<i32>} : memref<640xi32, #tpu.memory_space<vmem>>, vector<16xi32>,
    %swap3A_121 = vector.shape_cast %swap3A_120 : vector<16xi32> to vector<16xi32>
    %swap3A_122 = vector.shape_cast %add3A_118 : vector<16xi32> to vector<16xi32>
    tpu.vector_store %arg6[%swap3A_119], %swap3A_122 {strides = array<i32>} : memref<640xi32, #tpu.memory_space<vmem>>, vector<16xi32>,
    %get3A_123 = arith.constant 192 : index
    %get3A_124 = tpu.vector_load %arg6[%get3A_123] {strides = array<i32>} : memref<640xi32, #tpu.memory_space<vmem>>, vector<16xi32>,
    %get3A_125 = vector.shape_cast %get3A_124 : vector<16xi32> to vector<16xi32>
    %add3A_126 = arith.addi %get3A_125, %get3A_27 : vector<16xi32>
    %swap3A_127 = arith.constant 192 : index
    %swap3A_128 = tpu.vector_load %arg6[%swap3A_127] {strides = array<i32>} : memref<640xi32, #tpu.memory_space<vmem>>, vector<16xi32>,
    %swap3A_129 = vector.shape_cast %swap3A_128 : vector<16xi32> to vector<16xi32>
    %swap3A_130 = vector.shape_cast %add3A_126 : vector<16xi32> to vector<16xi32>
    tpu.vector_store %arg6[%swap3A_127], %swap3A_130 {strides = array<i32>} : memref<640xi32, #tpu.memory_space<vmem>>, vector<16xi32>,
    %get3A_131 = arith.constant 208 : index
    %get3A_132 = tpu.vector_load %arg6[%get3A_131] {strides = array<i32>} : memref<640xi32, #tpu.memory_space<vmem>>, vector<16xi32>,
    %get3A_133 = vector.shape_cast %get3A_132 : vector<16xi32> to vector<16xi32>
    %add3A_134 = arith.addi %get3A_133, %get3A_27 : vector<16xi32>
    %swap3A_135 = arith.constant 208 : index
    %swap3A_136 = tpu.vector_load %arg6[%swap3A_135] {strides = array<i32>} : memref<640xi32, #tpu.memory_space<vmem>>, vector<16xi32>,
    %swap3A_137 = vector.shape_cast %swap3A_136 : vector<16xi32> to vector<16xi32>
    %swap3A_138 = vector.shape_cast %add3A_134 : vector<16xi32> to vector<16xi32>
    tpu.vector_store %arg6[%swap3A_135], %swap3A_138 {strides = array<i32>} : memref<640xi32, #tpu.memory_space<vmem>>, vector<16xi32>,
    %get3A_139 = arith.constant 224 : index
    %get3A_140 = tpu.vector_load %arg6[%get3A_139] {strides = array<i32>} : memref<640xi32, #tpu.memory_space<vmem>>, vector<16xi32>,
    %get3A_141 = vector.shape_cast %get3A_140 : vector<16xi32> to vector<16xi32>
    %add3A_142 = arith.addi %get3A_141, %get3A_27 : vector<16xi32>
    %swap3A_143 = arith.constant 224 : index
    %swap3A_144 = tpu.vector_load %arg6[%swap3A_143] {strides = array<i32>} : memref<640xi32, #tpu.memory_space<vmem>>, vector<16xi32>,
    %swap3A_145 = vector.shape_cast %swap3A_144 : vector<16xi32> to vector<16xi32>
    %swap3A_146 = vector.shape_cast %add3A_142 : vector<16xi32> to vector<16xi32>
    tpu.vector_store %arg6[%swap3A_143], %swap3A_146 {strides = array<i32>} : memref<640xi32, #tpu.memory_space<vmem>>, vector<16xi32>,
    %get3A_147 = arith.constant 240 : index
    %get3A_148 = tpu.vector_load %arg6[%get3A_147] {strides = array<i32>} : memref<640xi32, #tpu.memory_space<vmem>>, vector<16xi32>,
    %get3A_149 = vector.shape_cast %get3A_148 : vector<16xi32> to vector<16xi32>
    %add3A_150 = arith.addi %get3A_149, %get3A_27 : vector<16xi32>
    %swap3A_151 = arith.constant 240 : index
    %swap3A_152 = tpu.vector_load %arg6[%swap3A_151] {strides = array<i32>} : memref<640xi32, #tpu.memory_space<vmem>>, vector<16xi32>,
    %swap3A_153 = vector.shape_cast %swap3A_152 : vector<16xi32> to vector<16xi32>
    %swap3A_154 = vector.shape_cast %add3A_150 : vector<16xi32> to vector<16xi32>
    tpu.vector_store %arg6[%swap3A_151], %swap3A_154 {strides = array<i32>} : memref<640xi32, #tpu.memory_space<vmem>>, vector<16xi32>,
    %get3A_155 = arith.constant 256 : index
    %get3A_156 = tpu.vector_load %arg6[%get3A_155] {strides = array<i32>} : memref<640xi32, #tpu.memory_space<vmem>>, vector<16xi32>,
    %get3A_157 = vector.shape_cast %get3A_156 : vector<16xi32> to vector<16xi32>
    %add3A_158 = arith.addi %get3A_157, %get3A_27 : vector<16xi32>
    %swap3A_159 = arith.constant 256 : index
    %swap3A_160 = tpu.vector_load %arg6[%swap3A_159] {strides = array<i32>} : memref<640xi32, #tpu.memory_space<vmem>>, vector<16xi32>,
    %swap3A_161 = vector.shape_cast %swap3A_160 : vector<16xi32> to vector<16xi32>
    %swap3A_162 = vector.shape_cast %add3A_158 : vector<16xi32> to vector<16xi32>
    tpu.vector_store %arg6[%swap3A_159], %swap3A_162 {strides = array<i32>} : memref<640xi32, #tpu.memory_space<vmem>>, vector<16xi32>,
    %get3A_163 = arith.constant 272 : index
    %get3A_164 = tpu.vector_load %arg6[%get3A_163] {strides = array<i32>} : memref<640xi32, #tpu.memory_space<vmem>>, vector<16xi32>,
    %get3A_165 = vector.shape_cast %get3A_164 : vector<16xi32> to vector<16xi32>
    %add3A_166 = arith.addi %get3A_165, %get3A_27 : vector<16xi32>
    %swap3A_167 = arith.constant 272 : index
    %swap3A_168 = tpu.vector_load %arg6[%swap3A_167] {strides = array<i32>} : memref<640xi32, #tpu.memory_space<vmem>>, vector<16xi32>,
    %swap3A_169 = vector.shape_cast %swap3A_168 : vector<16xi32> to vector<16xi32>
    %swap3A_170 = vector.shape_cast %add3A_166 : vector<16xi32> to vector<16xi32>
    tpu.vector_store %arg6[%swap3A_167], %swap3A_170 {strides = array<i32>} : memref<640xi32, #tpu.memory_space<vmem>>, vector<16xi32>,
    %get3A_171 = arith.constant 288 : index
    %get3A_172 = tpu.vector_load %arg6[%get3A_171] {strides = array<i32>} : memref<640xi32, #tpu.memory_space<vmem>>, vector<16xi32>,
    %get3A_173 = vector.shape_cast %get3A_172 : vector<16xi32> to vector<16xi32>
    %add3A_174 = arith.addi %get3A_173, %get3A_27 : vector<16xi32>
    %swap3A_175 = arith.constant 288 : index
    %swap3A_176 = tpu.vector_load %arg6[%swap3A_175] {strides = array<i32>} : memref<640xi32, #tpu.memory_space<vmem>>, vector<16xi32>,
    %swap3A_177 = vector.shape_cast %swap3A_176 : vector<16xi32> to vector<16xi32>
    %swap3A_178 = vector.shape_cast %add3A_174 : vector<16xi32> to vector<16xi32>
    tpu.vector_store %arg6[%swap3A_175], %swap3A_178 {strides = array<i32>} : memref<640xi32, #tpu.memory_space<vmem>>, vector<16xi32>,
    %get3A_179 = arith.constant 304 : index
    %get3A_180 = tpu.vector_load %arg6[%get3A_179] {strides = array<i32>} : memref<640xi32, #tpu.memory_space<vmem>>, vector<16xi32>,
    %get3A_181 = vector.shape_cast %get3A_180 : vector<16xi32> to vector<16xi32>
    %add3A_182 = arith.addi %get3A_181, %get3A_27 : vector<16xi32>
    %swap3A_183 = arith.constant 304 : index
    %swap3A_184 = tpu.vector_load %arg6[%swap3A_183] {strides = array<i32>} : memref<640xi32, #tpu.memory_space<vmem>>, vector<16xi32>,
    %swap3A_185 = vector.shape_cast %swap3A_184 : vector<16xi32> to vector<16xi32>
    %swap3A_186 = vector.shape_cast %add3A_182 : vector<16xi32> to vector<16xi32>
    tpu.vector_store %arg6[%swap3A_183], %swap3A_186 {strides = array<i32>} : memref<640xi32, #tpu.memory_space<vmem>>, vector<16xi32>,
    %get3A_187 = arith.constant 320 : index
    %get3A_188 = tpu.vector_load %arg6[%get3A_187] {strides = array<i32>} : memref<640xi32, #tpu.memory_space<vmem>>, vector<16xi32>,
    %get3A_189 = vector.shape_cast %get3A_188 : vector<16xi32> to vector<16xi32>
    %add3A_190 = arith.addi %get3A_189, %get3A_27 : vector<16xi32>
    %swap3A_191 = arith.constant 320 : index
    %swap3A_192 = tpu.vector_load %arg6[%swap3A_191] {strides = array<i32>} : memref<640xi32, #tpu.memory_space<vmem>>, vector<16xi32>,
    %swap3A_193 = vector.shape_cast %swap3A_192 : vector<16xi32> to vector<16xi32>
    %swap3A_194 = vector.shape_cast %add3A_190 : vector<16xi32> to vector<16xi32>
    tpu.vector_store %arg6[%swap3A_191], %swap3A_194 {strides = array<i32>} : memref<640xi32, #tpu.memory_space<vmem>>, vector<16xi32>,
    %get3A_195 = arith.constant 336 : index
    %get3A_196 = tpu.vector_load %arg6[%get3A_195] {strides = array<i32>} : memref<640xi32, #tpu.memory_space<vmem>>, vector<16xi32>,
    %get3A_197 = vector.shape_cast %get3A_196 : vector<16xi32> to vector<16xi32>
    %add3A_198 = arith.addi %get3A_197, %get3A_27 : vector<16xi32>
    %swap3A_199 = arith.constant 336 : index
    %swap3A_200 = tpu.vector_load %arg6[%swap3A_199] {strides = array<i32>} : memref<640xi32, #tpu.memory_space<vmem>>, vector<16xi32>,
    %swap3A_201 = vector.shape_cast %swap3A_200 : vector<16xi32> to vector<16xi32>
    %swap3A_202 = vector.shape_cast %add3A_198 : vector<16xi32> to vector<16xi32>
    tpu.vector_store %arg6[%swap3A_199], %swap3A_202 {strides = array<i32>} : memref<640xi32, #tpu.memory_space<vmem>>, vector<16xi32>,
    %get3A_203 = arith.constant 352 : index
    %get3A_204 = tpu.vector_load %arg6[%get3A_203] {strides = array<i32>} : memref<640xi32, #tpu.memory_space<vmem>>, vector<16xi32>,
    %get3A_205 = vector.shape_cast %get3A_204 : vector<16xi32> to vector<16xi32>
    %add3A_206 = arith.addi %get3A_205, %get3A_27 : vector<16xi32>
    %swap3A_207 = arith.constant 352 : index
    %swap3A_208 = tpu.vector_load %arg6[%swap3A_207] {strides = array<i32>} : memref<640xi32, #tpu.memory_space<vmem>>, vector<16xi32>,
    %swap3A_209 = vector.shape_cast %swap3A_208 : vector<16xi32> to vector<16xi32>
    %swap3A_210 = vector.shape_cast %add3A_206 : vector<16xi32> to vector<16xi32>
    tpu.vector_store %arg6[%swap3A_207], %swap3A_210 {strides = array<i32>} : memref<640xi32, #tpu.memory_space<vmem>>, vector<16xi32>,
    %get3A_211 = arith.constant 368 : index
    %get3A_212 = tpu.vector_load %arg6[%get3A_211] {strides = array<i32>} : memref<640xi32, #tpu.memory_space<vmem>>, vector<16xi32>,
    %get3A_213 = vector.shape_cast %get3A_212 : vector<16xi32> to vector<16xi32>
    %add3A_214 = arith.addi %get3A_213, %get3A_27 : vector<16xi32>
    %swap3A_215 = arith.constant 368 : index
    %swap3A_216 = tpu.vector_load %arg6[%swap3A_215] {strides = array<i32>} : memref<640xi32, #tpu.memory_space<vmem>>, vector<16xi32>,
    %swap3A_217 = vector.shape_cast %swap3A_216 : vector<16xi32> to vector<16xi32>
    %swap3A_218 = vector.shape_cast %add3A_214 : vector<16xi32> to vector<16xi32>
    tpu.vector_store %arg6[%swap3A_215], %swap3A_218 {strides = array<i32>} : memref<640xi32, #tpu.memory_space<vmem>>, vector<16xi32>,
    %get3A_219 = arith.constant 384 : index
    %get3A_220 = tpu.vector_load %arg6[%get3A_219] {strides = array<i32>} : memref<640xi32, #tpu.memory_space<vmem>>, vector<16xi32>,
    %get3A_221 = vector.shape_cast %get3A_220 : vector<16xi32> to vector<16xi32>
    %add3A_222 = arith.addi %get3A_221, %get3A_27 : vector<16xi32>
    %swap3A_223 = arith.constant 384 : index
    %swap3A_224 = tpu.vector_load %arg6[%swap3A_223] {strides = array<i32>} : memref<640xi32, #tpu.memory_space<vmem>>, vector<16xi32>,
    %swap3A_225 = vector.shape_cast %swap3A_224 : vector<16xi32> to vector<16xi32>
    %swap3A_226 = vector.shape_cast %add3A_222 : vector<16xi32> to vector<16xi32>
    tpu.vector_store %arg6[%swap3A_223], %swap3A_226 {strides = array<i32>} : memref<640xi32, #tpu.memory_space<vmem>>, vector<16xi32>,
    %get3A_227 = arith.constant 400 : index
    %get3A_228 = tpu.vector_load %arg6[%get3A_227] {strides = array<i32>} : memref<640xi32, #tpu.memory_space<vmem>>, vector<16xi32>,
    %get3A_229 = vector.shape_cast %get3A_228 : vector<16xi32> to vector<16xi32>
    %add3A_230 = arith.addi %get3A_229, %get3A_27 : vector<16xi32>
    %swap3A_231 = arith.constant 400 : index
    %swap3A_232 = tpu.vector_load %arg6[%swap3A_231] {strides = array<i32>} : memref<640xi32, #tpu.memory_space<vmem>>, vector<16xi32>,
    %swap3A_233 = vector.shape_cast %swap3A_232 : vector<16xi32> to vector<16xi32>
    %swap3A_234 = vector.shape_cast %add3A_230 : vector<16xi32> to vector<16xi32>
    tpu.vector_store %arg6[%swap3A_231], %swap3A_234 {strides = array<i32>} : memref<640xi32, #tpu.memory_space<vmem>>, vector<16xi32>,
    %get3A_235 = arith.constant 416 : index
    %get3A_236 = tpu.vector_load %arg6[%get3A_235] {strides = array<i32>} : memref<640xi32, #tpu.memory_space<vmem>>, vector<16xi32>,
    %get3A_237 = vector.shape_cast %get3A_236 : vector<16xi32> to vector<16xi32>
    %add3A_238 = arith.addi %get3A_237, %get3A_27 : vector<16xi32>
    %swap3A_239 = arith.constant 416 : index
    %swap3A_240 = tpu.vector_load %arg6[%swap3A_239] {strides = array<i32>} : memref<640xi32, #tpu.memory_space<vmem>>, vector<16xi32>,
    %swap3A_241 = vector.shape_cast %swap3A_240 : vector<16xi32> to vector<16xi32>
    %swap3A_242 = vector.shape_cast %add3A_238 : vector<16xi32> to vector<16xi32>
    tpu.vector_store %arg6[%swap3A_239], %swap3A_242 {strides = array<i32>} : memref<640xi32, #tpu.memory_space<vmem>>, vector<16xi32>,
    %get3A_243 = arith.constant 432 : index
    %get3A_244 = tpu.vector_load %arg6[%get3A_243] {strides = array<i32>} : memref<640xi32, #tpu.memory_space<vmem>>, vector<16xi32>,
    %get3A_245 = vector.shape_cast %get3A_244 : vector<16xi32> to vector<16xi32>
    %add3A_246 = arith.addi %get3A_245, %get3A_27 : vector<16xi32>
    %swap3A_247 = arith.constant 432 : index
    %swap3A_248 = tpu.vector_load %arg6[%swap3A_247] {strides = array<i32>} : memref<640xi32, #tpu.memory_space<vmem>>, vector<16xi32>,
    %swap3A_249 = vector.shape_cast %swap3A_248 : vector<16xi32> to vector<16xi32>
    %swap3A_250 = vector.shape_cast %add3A_246 : vector<16xi32> to vector<16xi32>
    tpu.vector_store %arg6[%swap3A_247], %swap3A_250 {strides = array<i32>} : memref<640xi32, #tpu.memory_space<vmem>>, vector<16xi32>,
    %get3A_251 = arith.constant 448 : index
    %get3A_252 = tpu.vector_load %arg6[%get3A_251] {strides = array<i32>} : memref<640xi32, #tpu.memory_space<vmem>>, vector<16xi32>,
    %get3A_253 = vector.shape_cast %get3A_252 : vector<16xi32> to vector<16xi32>
    %add3A_254 = arith.addi %get3A_253, %get3A_27 : vector<16xi32>
    %swap3A_255 = arith.constant 448 : index
    %swap3A_256 = tpu.vector_load %arg6[%swap3A_255] {strides = array<i32>} : memref<640xi32, #tpu.memory_space<vmem>>, vector<16xi32>,
    %swap3A_257 = vector.shape_cast %swap3A_256 : vector<16xi32> to vector<16xi32>
    %swap3A_258 = vector.shape_cast %add3A_254 : vector<16xi32> to vector<16xi32>
    tpu.vector_store %arg6[%swap3A_255], %swap3A_258 {strides = array<i32>} : memref<640xi32, #tpu.memory_space<vmem>>, vector<16xi32>,
    %get3A_259 = arith.constant 464 : index
    %get3A_260 = tpu.vector_load %arg6[%get3A_259] {strides = array<i32>} : memref<640xi32, #tpu.memory_space<vmem>>, vector<16xi32>,
    %get3A_261 = vector.shape_cast %get3A_260 : vector<16xi32> to vector<16xi32>
    %add3A_262 = arith.addi %get3A_261, %get3A_27 : vector<16xi32>
    %swap3A_263 = arith.constant 464 : index
    %swap3A_264 = tpu.vector_load %arg6[%swap3A_263] {strides = array<i32>} : memref<640xi32, #tpu.memory_space<vmem>>, vector<16xi32>,
    %swap3A_265 = vector.shape_cast %swap3A_264 : vector<16xi32> to vector<16xi32>
    %swap3A_266 = vector.shape_cast %add3A_262 : vector<16xi32> to vector<16xi32>
    tpu.vector_store %arg6[%swap3A_263], %swap3A_266 {strides = array<i32>} : memref<640xi32, #tpu.memory_space<vmem>>, vector<16xi32>,
    %get3A_267 = arith.constant 480 : index
    %get3A_268 = tpu.vector_load %arg6[%get3A_267] {strides = array<i32>} : memref<640xi32, #tpu.memory_space<vmem>>, vector<16xi32>,
    %get3A_269 = vector.shape_cast %get3A_268 : vector<16xi32> to vector<16xi32>
    %add3A_270 = arith.addi %get3A_269, %get3A_27 : vector<16xi32>
    %swap3A_271 = arith.constant 480 : index
    %swap3A_272 = tpu.vector_load %arg6[%swap3A_271] {strides = array<i32>} : memref<640xi32, #tpu.memory_space<vmem>>, vector<16xi32>,
    %swap3A_273 = vector.shape_cast %swap3A_272 : vector<16xi32> to vector<16xi32>
    %swap3A_274 = vector.shape_cast %add3A_270 : vector<16xi32> to vector<16xi32>
    tpu.vector_store %arg6[%swap3A_271], %swap3A_274 {strides = array<i32>} : memref<640xi32, #tpu.memory_space<vmem>>, vector<16xi32>,
    %get3A_275 = arith.constant 496 : index
    %get3A_276 = tpu.vector_load %arg6[%get3A_275] {strides = array<i32>} : memref<640xi32, #tpu.memory_space<vmem>>, vector<16xi32>,
    %get3A_277 = vector.shape_cast %get3A_276 : vector<16xi32> to vector<16xi32>
    %add3A_278 = arith.addi %get3A_277, %get3A_27 : vector<16xi32>
    %swap3A_279 = arith.constant 496 : index
    %swap3A_280 = tpu.vector_load %arg6[%swap3A_279] {strides = array<i32>} : memref<640xi32, #tpu.memory_space<vmem>>, vector<16xi32>,
    %swap3A_281 = vector.shape_cast %swap3A_280 : vector<16xi32> to vector<16xi32>
    %swap3A_282 = vector.shape_cast %add3A_278 : vector<16xi32> to vector<16xi32>
    tpu.vector_store %arg6[%swap3A_279], %swap3A_282 {strides = array<i32>} : memref<640xi32, #tpu.memory_space<vmem>>, vector<16xi32>,
    %get3A_283 = arith.constant 512 : index
    %get3A_284 = tpu.vector_load %arg6[%get3A_283] {strides = array<i32>} : memref<640xi32, #tpu.memory_space<vmem>>, vector<16xi32>,
    %get3A_285 = vector.shape_cast %get3A_284 : vector<16xi32> to vector<16xi32>
    %add3A_286 = arith.addi %get3A_285, %get3A_27 : vector<16xi32>
    %swap3A_287 = arith.constant 512 : index
    %swap3A_288 = tpu.vector_load %arg6[%swap3A_287] {strides = array<i32>} : memref<640xi32, #tpu.memory_space<vmem>>, vector<16xi32>,
    %swap3A_289 = vector.shape_cast %swap3A_288 : vector<16xi32> to vector<16xi32>
    %swap3A_290 = vector.shape_cast %add3A_286 : vector<16xi32> to vector<16xi32>
    tpu.vector_store %arg6[%swap3A_287], %swap3A_290 {strides = array<i32>} : memref<640xi32, #tpu.memory_space<vmem>>, vector<16xi32>,
    %get3A_291 = arith.constant 528 : index
    %get3A_292 = tpu.vector_load %arg6[%get3A_291] {strides = array<i32>} : memref<640xi32, #tpu.memory_space<vmem>>, vector<16xi32>,
    %get3A_293 = vector.shape_cast %get3A_292 : vector<16xi32> to vector<16xi32>
    %add3A_294 = arith.addi %get3A_293, %get3A_27 : vector<16xi32>
    %swap3A_295 = arith.constant 528 : index
    %swap3A_296 = tpu.vector_load %arg6[%swap3A_295] {strides = array<i32>} : memref<640xi32, #tpu.memory_space<vmem>>, vector<16xi32>,
    %swap3A_297 = vector.shape_cast %swap3A_296 : vector<16xi32> to vector<16xi32>
    %swap3A_298 = vector.shape_cast %add3A_294 : vector<16xi32> to vector<16xi32>
    tpu.vector_store %arg6[%swap3A_295], %swap3A_298 {strides = array<i32>} : memref<640xi32, #tpu.memory_space<vmem>>, vector<16xi32>,
    %get3A_299 = arith.constant 544 : index
    %get3A_300 = tpu.vector_load %arg6[%get3A_299] {strides = array<i32>} : memref<640xi32, #tpu.memory_space<vmem>>, vector<16xi32>,
    %get3A_301 = vector.shape_cast %get3A_300 : vector<16xi32> to vector<16xi32>
    %add3A_302 = arith.addi %get3A_301, %get3A_27 : vector<16xi32>
    %swap3A_303 = arith.constant 544 : index
    %swap3A_304 = tpu.vector_load %arg6[%swap3A_303] {strides = array<i32>} : memref<640xi32, #tpu.memory_space<vmem>>, vector<16xi32>,
    %swap3A_305 = vector.shape_cast %swap3A_304 : vector<16xi32> to vector<16xi32>
    %swap3A_306 = vector.shape_cast %add3A_302 : vector<16xi32> to vector<16xi32>
    tpu.vector_store %arg6[%swap3A_303], %swap3A_306 {strides = array<i32>} : memref<640xi32, #tpu.memory_space<vmem>>, vector<16xi32>,
    %get3A_307 = arith.constant 560 : index
    %get3A_308 = tpu.vector_load %arg6[%get3A_307] {strides = array<i32>} : memref<640xi32, #tpu.memory_space<vmem>>, vector<16xi32>,
    %get3A_309 = vector.shape_cast %get3A_308 : vector<16xi32> to vector<16xi32>
    %add3A_310 = arith.addi %get3A_309, %get3A_27 : vector<16xi32>
    %swap3A_311 = arith.constant 560 : index
    %swap3A_312 = tpu.vector_load %arg6[%swap3A_311] {strides = array<i32>} : memref<640xi32, #tpu.memory_space<vmem>>, vector<16xi32>,
    %swap3A_313 = vector.shape_cast %swap3A_312 : vector<16xi32> to vector<16xi32>
    %swap3A_314 = vector.shape_cast %add3A_310 : vector<16xi32> to vector<16xi32>
    tpu.vector_store %arg6[%swap3A_311], %swap3A_314 {strides = array<i32>} : memref<640xi32, #tpu.memory_space<vmem>>, vector<16xi32>,
    %get3A_315 = arith.constant 576 : index
    %get3A_316 = tpu.vector_load %arg6[%get3A_315] {strides = array<i32>} : memref<640xi32, #tpu.memory_space<vmem>>, vector<16xi32>,
    %get3A_317 = vector.shape_cast %get3A_316 : vector<16xi32> to vector<16xi32>
    %add3A_318 = arith.addi %get3A_317, %get3A_27 : vector<16xi32>
    %swap3A_319 = arith.constant 576 : index
    %swap3A_320 = tpu.vector_load %arg6[%swap3A_319] {strides = array<i32>} : memref<640xi32, #tpu.memory_space<vmem>>, vector<16xi32>,
    %swap3A_321 = vector.shape_cast %swap3A_320 : vector<16xi32> to vector<16xi32>
    %swap3A_322 = vector.shape_cast %add3A_318 : vector<16xi32> to vector<16xi32>
    tpu.vector_store %arg6[%swap3A_319], %swap3A_322 {strides = array<i32>} : memref<640xi32, #tpu.memory_space<vmem>>, vector<16xi32>,
    %get3A_323 = arith.constant 592 : index
    %get3A_324 = tpu.vector_load %arg6[%get3A_323] {strides = array<i32>} : memref<640xi32, #tpu.memory_space<vmem>>, vector<16xi32>,
    %get3A_325 = vector.shape_cast %get3A_324 : vector<16xi32> to vector<16xi32>
    %add3A_326 = arith.addi %get3A_325, %get3A_27 : vector<16xi32>
    %swap3A_327 = arith.constant 592 : index
    %swap3A_328 = tpu.vector_load %arg6[%swap3A_327] {strides = array<i32>} : memref<640xi32, #tpu.memory_space<vmem>>, vector<16xi32>,
    %swap3A_329 = vector.shape_cast %swap3A_328 : vector<16xi32> to vector<16xi32>
    %swap3A_330 = vector.shape_cast %add3A_326 : vector<16xi32> to vector<16xi32>
    tpu.vector_store %arg6[%swap3A_327], %swap3A_330 {strides = array<i32>} : memref<640xi32, #tpu.memory_space<vmem>>, vector<16xi32>,
    %get3A_331 = arith.constant 608 : index
    %get3A_332 = tpu.vector_load %arg6[%get3A_331] {strides = array<i32>} : memref<640xi32, #tpu.memory_space<vmem>>, vector<16xi32>,
    %get3A_333 = vector.shape_cast %get3A_332 : vector<16xi32> to vector<16xi32>
    %add3A_334 = arith.addi %get3A_333, %get3A_27 : vector<16xi32>
    %swap3A_335 = arith.constant 608 : index
    %swap3A_336 = tpu.vector_load %arg6[%swap3A_335] {strides = array<i32>} : memref<640xi32, #tpu.memory_space<vmem>>, vector<16xi32>,
    %swap3A_337 = vector.shape_cast %swap3A_336 : vector<16xi32> to vector<16xi32>
    %swap3A_338 = vector.shape_cast %add3A_334 : vector<16xi32> to vector<16xi32>
    tpu.vector_store %arg6[%swap3A_335], %swap3A_338 {strides = array<i32>} : memref<640xi32, #tpu.memory_space<vmem>>, vector<16xi32>,
    %get3A_339 = arith.constant 624 : index
    %get3A_340 = tpu.vector_load %arg6[%get3A_339] {strides = array<i32>} : memref<640xi32, #tpu.memory_space<vmem>>, vector<16xi32>,
    %get3A_341 = vector.shape_cast %get3A_340 : vector<16xi32> to vector<16xi32>
    %add3A_342 = arith.addi %get3A_341, %get3A_27 : vector<16xi32>
    %swap3A_343 = arith.constant 624 : index
    %swap3A_344 = tpu.vector_load %arg6[%swap3A_343] {strides = array<i32>} : memref<640xi32, #tpu.memory_space<vmem>>, vector<16xi32>,
    %swap3A_345 = vector.shape_cast %swap3A_344 : vector<16xi32> to vector<16xi32>
    %swap3A_346 = vector.shape_cast %add3A_342 : vector<16xi32> to vector<16xi32>
    tpu.vector_store %arg6[%swap3A_343], %swap3A_346 {strides = array<i32>} : memref<640xi32, #tpu.memory_space<vmem>>, vector<16xi32>,
    %dma_start3A_347 = arith.constant 0 : i32
    %dma_start3A_348 = arith.constant 0 : i32
    %dma_start3A_349 = tpu.memref_slice %arg8[%dma_start3A_347, %dma_start3A_348] : memref<640x64xf32, #tpu.memory_space<vmem>> -> memref<128x64xf32, #tpu.memory_space<vmem>>
    %dma_start3A_350 = arith.constant 0 : i32
    %dma_start3A_351 = tpu.memref_slice %arg6[%dma_start3A_350] : memref<640xi32, #tpu.memory_space<vmem>> -> memref<128xi32, #tpu.memory_space<vmem>>
    %dma_start3A_352 = arith.constant 0 : i32
    %dma_start3A_353 = arith.constant 0 : i32
    %dma_start3A_354 = tpu.memref_slice %arg3[%dma_start3A_352, %dma_start3A_353] : memref<2600000x64xf32, #tpu.memory_space<hbm>> -> memref<2600000x64xf32, #tpu.memory_space<hbm>>
    tpu.enqueue_indirect_dma source(%dma_start3A_354 : memref<2600000x64xf32, #tpu.memory_space<hbm>>) target(%dma_start3A_349 : memref<128x64xf32, #tpu.memory_space<vmem>>) offsets(%dma_start3A_351 : memref<128xi32, #tpu.memory_space<vmem>>) semaphore(%arg12 : memref<!tpu.dma_semaphore, #tpu.memory_space<semaphore_mem>>)
    %dma_start3A_355 = arith.constant 128 : i32
    %dma_start3A_356 = arith.constant 0 : i32
    %dma_start3A_357 = tpu.memref_slice %arg8[%dma_start3A_355, %dma_start3A_356] : memref<640x64xf32, #tpu.memory_space<vmem>> -> memref<128x64xf32, #tpu.memory_space<vmem>>
    %dma_start3A_358 = arith.constant 128 : i32
    %dma_start3A_359 = tpu.memref_slice %arg6[%dma_start3A_358] : memref<640xi32, #tpu.memory_space<vmem>> -> memref<128xi32, #tpu.memory_space<vmem>>
    %dma_start3A_360 = arith.constant 0 : i32
    %dma_start3A_361 = arith.constant 0 : i32
    %dma_start3A_362 = tpu.memref_slice %arg3[%dma_start3A_360, %dma_start3A_361] : memref<2600000x64xf32, #tpu.memory_space<hbm>> -> memref<2600000x64xf32, #tpu.memory_space<hbm>>
    tpu.enqueue_indirect_dma source(%dma_start3A_362 : memref<2600000x64xf32, #tpu.memory_space<hbm>>) target(%dma_start3A_357 : memref<128x64xf32, #tpu.memory_space<vmem>>) offsets(%dma_start3A_359 : memref<128xi32, #tpu.memory_space<vmem>>) semaphore(%arg12 : memref<!tpu.dma_semaphore, #tpu.memory_space<semaphore_mem>>)
    %dma_start3A_363 = arith.constant 256 : i32
    %dma_start3A_364 = arith.constant 0 : i32
    %dma_start3A_365 = tpu.memref_slice %arg8[%dma_start3A_363, %dma_start3A_364] : memref<640x64xf32, #tpu.memory_space<vmem>> -> memref<128x64xf32, #tpu.memory_space<vmem>>
    %dma_start3A_366 = arith.constant 256 : i32
    %dma_start3A_367 = tpu.memref_slice %arg6[%dma_start3A_366] : memref<640xi32, #tpu.memory_space<vmem>> -> memref<128xi32, #tpu.memory_space<vmem>>
    %dma_start3A_368 = arith.constant 0 : i32
    %dma_start3A_369 = arith.constant 0 : i32
    %dma_start3A_370 = tpu.memref_slice %arg3[%dma_start3A_368, %dma_start3A_369] : memref<2600000x64xf32, #tpu.memory_space<hbm>> -> memref<2600000x64xf32, #tpu.memory_space<hbm>>
    tpu.enqueue_indirect_dma source(%dma_start3A_370 : memref<2600000x64xf32, #tpu.memory_space<hbm>>) target(%dma_start3A_365 : memref<128x64xf32, #tpu.memory_space<vmem>>) offsets(%dma_start3A_367 : memref<128xi32, #tpu.memory_space<vmem>>) semaphore(%arg12 : memref<!tpu.dma_semaphore, #tpu.memory_space<semaphore_mem>>)
    %dma_start3A_371 = arith.constant 384 : i32
    %dma_start3A_372 = arith.constant 0 : i32
    %dma_start3A_373 = tpu.memref_slice %arg8[%dma_start3A_371, %dma_start3A_372] : memref<640x64xf32, #tpu.memory_space<vmem>> -> memref<128x64xf32, #tpu.memory_space<vmem>>
    %dma_start3A_374 = arith.constant 384 : i32
    %dma_start3A_375 = tpu.memref_slice %arg6[%dma_start3A_374] : memref<640xi32, #tpu.memory_space<vmem>> -> memref<128xi32, #tpu.memory_space<vmem>>
    %dma_start3A_376 = arith.constant 0 : i32
    %dma_start3A_377 = arith.constant 0 : i32
    %dma_start3A_378 = tpu.memref_slice %arg3[%dma_start3A_376, %dma_start3A_377] : memref<2600000x64xf32, #tpu.memory_space<hbm>> -> memref<2600000x64xf32, #tpu.memory_space<hbm>>
    tpu.enqueue_indirect_dma source(%dma_start3A_378 : memref<2600000x64xf32, #tpu.memory_space<hbm>>) target(%dma_start3A_373 : memref<128x64xf32, #tpu.memory_space<vmem>>) offsets(%dma_start3A_375 : memref<128xi32, #tpu.memory_space<vmem>>) semaphore(%arg12 : memref<!tpu.dma_semaphore, #tpu.memory_space<semaphore_mem>>)
    %dma_start3A_379 = arith.constant 512 : i32
    %dma_start3A_380 = arith.constant 0 : i32
    %dma_start3A_381 = tpu.memref_slice %arg8[%dma_start3A_379, %dma_start3A_380] : memref<640x64xf32, #tpu.memory_space<vmem>> -> memref<128x64xf32, #tpu.memory_space<vmem>>
    %dma_start3A_382 = arith.constant 512 : i32
    %dma_start3A_383 = tpu.memref_slice %arg6[%dma_start3A_382] : memref<640xi32, #tpu.memory_space<vmem>> -> memref<128xi32, #tpu.memory_space<vmem>>
    %dma_start3A_384 = arith.constant 0 : i32
    %dma_start3A_385 = arith.constant 0 : i32
    %dma_start3A_386 = tpu.memref_slice %arg3[%dma_start3A_384, %dma_start3A_385] : memref<2600000x64xf32, #tpu.memory_space<hbm>> -> memref<2600000x64xf32, #tpu.memory_space<hbm>>
    tpu.enqueue_indirect_dma source(%dma_start3A_386 : memref<2600000x64xf32, #tpu.memory_space<hbm>>) target(%dma_start3A_381 : memref<128x64xf32, #tpu.memory_space<vmem>>) offsets(%dma_start3A_383 : memref<128xi32, #tpu.memory_space<vmem>>) semaphore(%arg12 : memref<!tpu.dma_semaphore, #tpu.memory_space<semaphore_mem>>)
    %rem3A_387 = arith.constant 1 : i32
    %rem3A_388 = arith.constant 4 : i32
    %rem3A_389 = arith.remsi %rem3A_387, %rem3A_388 : i32
    %mul3A_390 = arith.constant 128 : i32
    %mul3A_391 = arith.muli %add3A, %mul3A_390 : i32
    %add3A_392 = arith.constant 0 : i32
    %add3A_393 = arith.addi %add3A_392, %mul3A_391 : i32
    %mul3A_394 = arith.constant 32 : i32
    %mul3A_395 = arith.muli %rem3A_389, %mul3A_394 : i32
    %add3A_396 = arith.addi %add3A_393, %mul3A_395 : i32
    %mul3A_397 = arith.constant 20 : i32
    %mul3A_398 = arith.muli %add3A_396, %mul3A_397 : i32
    %dma_start3A_399 = tpu.memref_slice %arg2[%mul3A_398] : memref<2129920xi32, #tpu.memory_space<hbm>> -> memref<640xi32, #tpu.memory_space<hbm>>
    %dma_start3A_400 = tpu.memref_slice %arg2[%mul3A_398] : memref<2129920xi32, #tpu.memory_space<hbm>> -> memref<640xi32, #tpu.memory_space<hbm>>
    tpu.enqueue_dma source(%dma_start3A_400 : memref<640xi32, #tpu.memory_space<hbm>>) target(%arg7 : memref<640xi32, #tpu.memory_space<vmem>>) target_semaphore(%arg15 : memref<!tpu.dma_semaphore, #tpu.memory_space<semaphore_mem>>)
    %scan3A = arith.constant 0 : i32
    %scan3A_401 = arith.constant 52 : i32
    %scan3A_402 = arith.addi %scan3A, %scan3A_401 : i32
    %scan3A_403 = arith.constant 1 : i32
    scf.for %scan3A_405 = %scan3A to %scan3A_402 step %scan3A_403  : i32 {
      %mul3A_406 = arith.constant 2 : i32
      %mul3A_407 = arith.muli %scan3A_405, %mul3A_406 : i32
      %add3A_408 = arith.constant 0 : i32
      %add3A_409 = arith.addi %add3A_408, %mul3A_407 : i32
      %add3A_410 = arith.constant 0 : i32
      %add3A_411 = arith.addi %add3A_409, %add3A_410 : i32
      %add3A_412 = arith.constant 1 : i32
      %add3A_413 = arith.addi %add3A_411, %add3A_412 : i32
      %lt3A = arith.constant 104 : i32
      %lt3A_414 = arith.cmpi slt, %add3A_413, %lt3A : i32
      %convert_element_type3A = arith.extui %lt3A_414 : i1 to i32
      %cond3A = arith.constant 0 : i32
      %cond3A_415 = arith.cmpi ne, %convert_element_type3A, %cond3A : i32
      scf.if %cond3A_415 {
        %jit3A_522 = arith.constant 4 : i32
        %div3A_523 = arith.divsi %add3A_413, %jit3A_522 : i32
        %sign3A_524 = arith.constant 0 : i32
        %sign3A_525 = arith.cmpi sgt, %add3A_413, %sign3A_524 : i32
        %sign3A_526 = arith.extui %sign3A_525 : i1 to i32
        %sign3A_527 = arith.constant 0 : i32
        %sign3A_528 = arith.cmpi slt, %add3A_413, %sign3A_527 : i32
        %sign3A_529 = arith.extui %sign3A_528 : i1 to i32
        %sign3A_530 = arith.subi %sign3A_526, %sign3A_529 : i32
        %sign3A_531 = arith.constant 0 : i32
        %sign3A_532 = arith.cmpi sgt, %jit3A_522, %sign3A_531 : i32
        %sign3A_533 = arith.extui %sign3A_532 : i1 to i32
        %sign3A_534 = arith.constant 0 : i32
        %sign3A_535 = arith.cmpi slt, %jit3A_522, %sign3A_534 : i32
        %sign3A_536 = arith.extui %sign3A_535 : i1 to i32
        %sign3A_537 = arith.subi %sign3A_533, %sign3A_536 : i32
        %ne3A_538 = arith.cmpi ne, %sign3A_530, %sign3A_537 : i32
        %rem3A_539 = arith.remsi %add3A_413, %jit3A_522 : i32
        %ne3A_540 = arith.constant 0 : i32
        %ne3A_541 = arith.cmpi ne, %rem3A_539, %ne3A_540 : i32
        %and3A_542 = arith.andi %ne3A_538, %ne3A_541 : i1
        %sub3A_543 = arith.constant 1 : i32
        %sub3A_544 = arith.subi %div3A_523, %sub3A_543 : i32
        %select_n3A_545 = arith.select %and3A_542, %sub3A_544, %div3A_523 : i32
        %rem3A_546 = arith.constant 4 : i32
        %rem3A_547 = arith.remsi %add3A_413, %rem3A_546 : i32
        %mul3A_548 = arith.constant 4096 : i32
        %mul3A_549 = arith.muli %select_n3A_545, %mul3A_548 : i32
        %mul3A_550 = arith.constant 128 : i32
        %mul3A_551 = arith.muli %add3A, %mul3A_550 : i32
        %add3A_552 = arith.addi %mul3A_549, %mul3A_551 : i32
        %mul3A_553 = arith.constant 32 : i32
        %mul3A_554 = arith.muli %rem3A_547, %mul3A_553 : i32
        %add3A_555 = arith.addi %add3A_552, %mul3A_554 : i32
        %dma_wait3A_556 = arith.constant 0 : i32
        %dma_wait3A_557 = tpu.memref_slice %arg2[%dma_wait3A_556] : memref<2129920xi32, #tpu.memory_space<hbm>> -> memref<640xi32, #tpu.memory_space<hbm>>
        %dma_wait3A_558 = arith.constant 0 : i32
        %dma_wait3A_559 = tpu.memref_slice %arg2[%dma_wait3A_558] : memref<2129920xi32, #tpu.memory_space<hbm>> -> memref<640xi32, #tpu.memory_space<hbm>>
        tpu.wait_dma2 semaphore(%arg15 : memref<!tpu.dma_semaphore, #tpu.memory_space<semaphore_mem>>) src(%dma_wait3A_559 : memref<640xi32, #tpu.memory_space<hbm>>) dst(%arg7 : memref<640xi32, #tpu.memory_space<vmem>>)
        %mul3A_560 = arith.constant 16 : i32
        %mul3A_561 = arith.muli %select_n3A_545, %mul3A_560 : i32
        %get3A_562 = arith.index_cast %mul3A_561 : i32 to index
        %get3A_563 = tpu.vector_load %arg11[%get3A_562] {strides = array<i32>} : memref<512xi32, #tpu.memory_space<vmem>>, vector<16xi32>,
        %get3A_564 = vector.shape_cast %get3A_563 : vector<16xi32> to vector<16xi32>
        %get3A_565 = arith.constant 0 : index
        %get3A_566 = tpu.vector_load %arg7[%get3A_565] {strides = array<i32>} : memref<640xi32, #tpu.memory_space<vmem>>, vector<16xi32>,
        %get3A_567 = vector.shape_cast %get3A_566 : vector<16xi32> to vector<16xi32>
        %add3A_568 = arith.addi %get3A_567, %get3A_564 : vector<16xi32>
        %swap3A_569 = arith.constant 0 : index
        %swap3A_570 = tpu.vector_load %arg7[%swap3A_569] {strides = array<i32>} : memref<640xi32, #tpu.memory_space<vmem>>, vector<16xi32>,
        %swap3A_571 = vector.shape_cast %swap3A_570 : vector<16xi32> to vector<16xi32>
        %swap3A_572 = vector.shape_cast %add3A_568 : vector<16xi32> to vector<16xi32>
        tpu.vector_store %arg7[%swap3A_569], %swap3A_572 {strides = array<i32>} : memref<640xi32, #tpu.memory_space<vmem>>, vector<16xi32>,
        %get3A_573 = arith.constant 16 : index
        %get3A_574 = tpu.vector_load %arg7[%get3A_573] {strides = array<i32>} : memref<640xi32, #tpu.memory_space<vmem>>, vector<16xi32>,
        %get3A_575 = vector.shape_cast %get3A_574 : vector<16xi32> to vector<16xi32>
        %add3A_576 = arith.addi %get3A_575, %get3A_564 : vector<16xi32>
        %swap3A_577 = arith.constant 16 : index
        %swap3A_578 = tpu.vector_load %arg7[%swap3A_577] {strides = array<i32>} : memref<640xi32, #tpu.memory_space<vmem>>, vector<16xi32>,
        %swap3A_579 = vector.shape_cast %swap3A_578 : vector<16xi32> to vector<16xi32>
        %swap3A_580 = vector.shape_cast %add3A_576 : vector<16xi32> to vector<16xi32>
        tpu.vector_store %arg7[%swap3A_577], %swap3A_580 {strides = array<i32>} : memref<640xi32, #tpu.memory_space<vmem>>, vector<16xi32>,
        %get3A_581 = arith.constant 32 : index
        %get3A_582 = tpu.vector_load %arg7[%get3A_581] {strides = array<i32>} : memref<640xi32, #tpu.memory_space<vmem>>, vector<16xi32>,
        %get3A_583 = vector.shape_cast %get3A_582 : vector<16xi32> to vector<16xi32>
        %add3A_584 = arith.addi %get3A_583, %get3A_564 : vector<16xi32>
        %swap3A_585 = arith.constant 32 : index
        %swap3A_586 = tpu.vector_load %arg7[%swap3A_585] {strides = array<i32>} : memref<640xi32, #tpu.memory_space<vmem>>, vector<16xi32>,
        %swap3A_587 = vector.shape_cast %swap3A_586 : vector<16xi32> to vector<16xi32>
        %swap3A_588 = vector.shape_cast %add3A_584 : vector<16xi32> to vector<16xi32>
        tpu.vector_store %arg7[%swap3A_585], %swap3A_588 {strides = array<i32>} : memref<640xi32, #tpu.memory_space<vmem>>, vector<16xi32>,
        %get3A_589 = arith.constant 48 : index
        %get3A_590 = tpu.vector_load %arg7[%get3A_589] {strides = array<i32>} : memref<640xi32, #tpu.memory_space<vmem>>, vector<16xi32>,
        %get3A_591 = vector.shape_cast %get3A_590 : vector<16xi32> to vector<16xi32>
        %add3A_592 = arith.addi %get3A_591, %get3A_564 : vector<16xi32>
        %swap3A_593 = arith.constant 48 : index
        %swap3A_594 = tpu.vector_load %arg7[%swap3A_593] {strides = array<i32>} : memref<640xi32, #tpu.memory_space<vmem>>, vector<16xi32>,
        %swap3A_595 = vector.shape_cast %swap3A_594 : vector<16xi32> to vector<16xi32>
        %swap3A_596 = vector.shape_cast %add3A_592 : vector<16xi32> to vector<16xi32>
        tpu.vector_store %arg7[%swap3A_593], %swap3A_596 {strides = array<i32>} : memref<640xi32, #tpu.memory_space<vmem>>, vector<16xi32>,
        %get3A_597 = arith.constant 64 : index
        %get3A_598 = tpu.vector_load %arg7[%get3A_597] {strides = array<i32>} : memref<640xi32, #tpu.memory_space<vmem>>, vector<16xi32>,
        %get3A_599 = vector.shape_cast %get3A_598 : vector<16xi32> to vector<16xi32>
        %add3A_600 = arith.addi %get3A_599, %get3A_564 : vector<16xi32>
        %swap3A_601 = arith.constant 64 : index
        %swap3A_602 = tpu.vector_load %arg7[%swap3A_601] {strides = array<i32>} : memref<640xi32, #tpu.memory_space<vmem>>, vector<16xi32>,
        %swap3A_603 = vector.shape_cast %swap3A_602 : vector<16xi32> to vector<16xi32>
        %swap3A_604 = vector.shape_cast %add3A_600 : vector<16xi32> to vector<16xi32>
        tpu.vector_store %arg7[%swap3A_601], %swap3A_604 {strides = array<i32>} : memref<640xi32, #tpu.memory_space<vmem>>, vector<16xi32>,
        %get3A_605 = arith.constant 80 : index
        %get3A_606 = tpu.vector_load %arg7[%get3A_605] {strides = array<i32>} : memref<640xi32, #tpu.memory_space<vmem>>, vector<16xi32>,
        %get3A_607 = vector.shape_cast %get3A_606 : vector<16xi32> to vector<16xi32>
        %add3A_608 = arith.addi %get3A_607, %get3A_564 : vector<16xi32>
        %swap3A_609 = arith.constant 80 : index
        %swap3A_610 = tpu.vector_load %arg7[%swap3A_609] {strides = array<i32>} : memref<640xi32, #tpu.memory_space<vmem>>, vector<16xi32>,
        %swap3A_611 = vector.shape_cast %swap3A_610 : vector<16xi32> to vector<16xi32>
        %swap3A_612 = vector.shape_cast %add3A_608 : vector<16xi32> to vector<16xi32>
        tpu.vector_store %arg7[%swap3A_609], %swap3A_612 {strides = array<i32>} : memref<640xi32, #tpu.memory_space<vmem>>, vector<16xi32>,
        %get3A_613 = arith.constant 96 : index
        %get3A_614 = tpu.vector_load %arg7[%get3A_613] {strides = array<i32>} : memref<640xi32, #tpu.memory_space<vmem>>, vector<16xi32>,
        %get3A_615 = vector.shape_cast %get3A_614 : vector<16xi32> to vector<16xi32>
        %add3A_616 = arith.addi %get3A_615, %get3A_564 : vector<16xi32>
        %swap3A_617 = arith.constant 96 : index
        %swap3A_618 = tpu.vector_load %arg7[%swap3A_617] {strides = array<i32>} : memref<640xi32, #tpu.memory_space<vmem>>, vector<16xi32>,
        %swap3A_619 = vector.shape_cast %swap3A_618 : vector<16xi32> to vector<16xi32>
        %swap3A_620 = vector.shape_cast %add3A_616 : vector<16xi32> to vector<16xi32>
        tpu.vector_store %arg7[%swap3A_617], %swap3A_620 {strides = array<i32>} : memref<640xi32, #tpu.memory_space<vmem>>, vector<16xi32>,
        %get3A_621 = arith.constant 112 : index
        %get3A_622 = tpu.vector_load %arg7[%get3A_621] {strides = array<i32>} : memref<640xi32, #tpu.memory_space<vmem>>, vector<16xi32>,
        %get3A_623 = vector.shape_cast %get3A_622 : vector<16xi32> to vector<16xi32>
        %add3A_624 = arith.addi %get3A_623, %get3A_564 : vector<16xi32>
        %swap3A_625 = arith.constant 112 : index
        %swap3A_626 = tpu.vector_load %arg7[%swap3A_625] {strides = array<i32>} : memref<640xi32, #tpu.memory_space<vmem>>, vector<16xi32>,
        %swap3A_627 = vector.shape_cast %swap3A_626 : vector<16xi32> to vector<16xi32>
        %swap3A_628 = vector.shape_cast %add3A_624 : vector<16xi32> to vector<16xi32>
        tpu.vector_store %arg7[%swap3A_625], %swap3A_628 {strides = array<i32>} : memref<640xi32, #tpu.memory_space<vmem>>, vector<16xi32>,
        %get3A_629 = arith.constant 128 : index
        %get3A_630 = tpu.vector_load %arg7[%get3A_629] {strides = array<i32>} : memref<640xi32, #tpu.memory_space<vmem>>, vector<16xi32>,
        %get3A_631 = vector.shape_cast %get3A_630 : vector<16xi32> to vector<16xi32>
        %add3A_632 = arith.addi %get3A_631, %get3A_564 : vector<16xi32>
        %swap3A_633 = arith.constant 128 : index
        %swap3A_634 = tpu.vector_load %arg7[%swap3A_633] {strides = array<i32>} : memref<640xi32, #tpu.memory_space<vmem>>, vector<16xi32>,
        %swap3A_635 = vector.shape_cast %swap3A_634 : vector<16xi32> to vector<16xi32>
        %swap3A_636 = vector.shape_cast %add3A_632 : vector<16xi32> to vector<16xi32>
        tpu.vector_store %arg7[%swap3A_633], %swap3A_636 {strides = array<i32>} : memref<640xi32, #tpu.memory_space<vmem>>, vector<16xi32>,
        %get3A_637 = arith.constant 144 : index
        %get3A_638 = tpu.vector_load %arg7[%get3A_637] {strides = array<i32>} : memref<640xi32, #tpu.memory_space<vmem>>, vector<16xi32>,
        %get3A_639 = vector.shape_cast %get3A_638 : vector<16xi32> to vector<16xi32>
        %add3A_640 = arith.addi %get3A_639, %get3A_564 : vector<16xi32>
        %swap3A_641 = arith.constant 144 : index
        %swap3A_642 = tpu.vector_load %arg7[%swap3A_641] {strides = array<i32>} : memref<640xi32, #tpu.memory_space<vmem>>, vector<16xi32>,
        %swap3A_643 = vector.shape_cast %swap3A_642 : vector<16xi32> to vector<16xi32>
        %swap3A_644 = vector.shape_cast %add3A_640 : vector<16xi32> to vector<16xi32>
        tpu.vector_store %arg7[%swap3A_641], %swap3A_644 {strides = array<i32>} : memref<640xi32, #tpu.memory_space<vmem>>, vector<16xi32>,
        %get3A_645 = arith.constant 160 : index
        %get3A_646 = tpu.vector_load %arg7[%get3A_645] {strides = array<i32>} : memref<640xi32, #tpu.memory_space<vmem>>, vector<16xi32>,
        %get3A_647 = vector.shape_cast %get3A_646 : vector<16xi32> to vector<16xi32>
        %add3A_648 = arith.addi %get3A_647, %get3A_564 : vector<16xi32>
        %swap3A_649 = arith.constant 160 : index
        %swap3A_650 = tpu.vector_load %arg7[%swap3A_649] {strides = array<i32>} : memref<640xi32, #tpu.memory_space<vmem>>, vector<16xi32>,
        %swap3A_651 = vector.shape_cast %swap3A_650 : vector<16xi32> to vector<16xi32>
        %swap3A_652 = vector.shape_cast %add3A_648 : vector<16xi32> to vector<16xi32>
        tpu.vector_store %arg7[%swap3A_649], %swap3A_652 {strides = array<i32>} : memref<640xi32, #tpu.memory_space<vmem>>, vector<16xi32>,
        %get3A_653 = arith.constant 176 : index
        %get3A_654 = tpu.vector_load %arg7[%get3A_653] {strides = array<i32>} : memref<640xi32, #tpu.memory_space<vmem>>, vector<16xi32>,
        %get3A_655 = vector.shape_cast %get3A_654 : vector<16xi32> to vector<16xi32>
        %add3A_656 = arith.addi %get3A_655, %get3A_564 : vector<16xi32>
        %swap3A_657 = arith.constant 176 : index
        %swap3A_658 = tpu.vector_load %arg7[%swap3A_657] {strides = array<i32>} : memref<640xi32, #tpu.memory_space<vmem>>, vector<16xi32>,
        %swap3A_659 = vector.shape_cast %swap3A_658 : vector<16xi32> to vector<16xi32>
        %swap3A_660 = vector.shape_cast %add3A_656 : vector<16xi32> to vector<16xi32>
        tpu.vector_store %arg7[%swap3A_657], %swap3A_660 {strides = array<i32>} : memref<640xi32, #tpu.memory_space<vmem>>, vector<16xi32>,
        %get3A_661 = arith.constant 192 : index
        %get3A_662 = tpu.vector_load %arg7[%get3A_661] {strides = array<i32>} : memref<640xi32, #tpu.memory_space<vmem>>, vector<16xi32>,
        %get3A_663 = vector.shape_cast %get3A_662 : vector<16xi32> to vector<16xi32>
        %add3A_664 = arith.addi %get3A_663, %get3A_564 : vector<16xi32>
        %swap3A_665 = arith.constant 192 : index
        %swap3A_666 = tpu.vector_load %arg7[%swap3A_665] {strides = array<i32>} : memref<640xi32, #tpu.memory_space<vmem>>, vector<16xi32>,
        %swap3A_667 = vector.shape_cast %swap3A_666 : vector<16xi32> to vector<16xi32>
        %swap3A_668 = vector.shape_cast %add3A_664 : vector<16xi32> to vector<16xi32>
        tpu.vector_store %arg7[%swap3A_665], %swap3A_668 {strides = array<i32>} : memref<640xi32, #tpu.memory_space<vmem>>, vector<16xi32>,
        %get3A_669 = arith.constant 208 : index
        %get3A_670 = tpu.vector_load %arg7[%get3A_669] {strides = array<i32>} : memref<640xi32, #tpu.memory_space<vmem>>, vector<16xi32>,
        %get3A_671 = vector.shape_cast %get3A_670 : vector<16xi32> to vector<16xi32>
        %add3A_672 = arith.addi %get3A_671, %get3A_564 : vector<16xi32>
        %swap3A_673 = arith.constant 208 : index
        %swap3A_674 = tpu.vector_load %arg7[%swap3A_673] {strides = array<i32>} : memref<640xi32, #tpu.memory_space<vmem>>, vector<16xi32>,
        %swap3A_675 = vector.shape_cast %swap3A_674 : vector<16xi32> to vector<16xi32>
        %swap3A_676 = vector.shape_cast %add3A_672 : vector<16xi32> to vector<16xi32>
        tpu.vector_store %arg7[%swap3A_673], %swap3A_676 {strides = array<i32>} : memref<640xi32, #tpu.memory_space<vmem>>, vector<16xi32>,
        %get3A_677 = arith.constant 224 : index
        %get3A_678 = tpu.vector_load %arg7[%get3A_677] {strides = array<i32>} : memref<640xi32, #tpu.memory_space<vmem>>, vector<16xi32>,
        %get3A_679 = vector.shape_cast %get3A_678 : vector<16xi32> to vector<16xi32>
        %add3A_680 = arith.addi %get3A_679, %get3A_564 : vector<16xi32>
        %swap3A_681 = arith.constant 224 : index
        %swap3A_682 = tpu.vector_load %arg7[%swap3A_681] {strides = array<i32>} : memref<640xi32, #tpu.memory_space<vmem>>, vector<16xi32>,
        %swap3A_683 = vector.shape_cast %swap3A_682 : vector<16xi32> to vector<16xi32>
        %swap3A_684 = vector.shape_cast %add3A_680 : vector<16xi32> to vector<16xi32>
        tpu.vector_store %arg7[%swap3A_681], %swap3A_684 {strides = array<i32>} : memref<640xi32, #tpu.memory_space<vmem>>, vector<16xi32>,
        %get3A_685 = arith.constant 240 : index
        %get3A_686 = tpu.vector_load %arg7[%get3A_685] {strides = array<i32>} : memref<640xi32, #tpu.memory_space<vmem>>, vector<16xi32>,
        %get3A_687 = vector.shape_cast %get3A_686 : vector<16xi32> to vector<16xi32>
        %add3A_688 = arith.addi %get3A_687, %get3A_564 : vector<16xi32>
        %swap3A_689 = arith.constant 240 : index
        %swap3A_690 = tpu.vector_load %arg7[%swap3A_689] {strides = array<i32>} : memref<640xi32, #tpu.memory_space<vmem>>, vector<16xi32>,
        %swap3A_691 = vector.shape_cast %swap3A_690 : vector<16xi32> to vector<16xi32>
        %swap3A_692 = vector.shape_cast %add3A_688 : vector<16xi32> to vector<16xi32>
        tpu.vector_store %arg7[%swap3A_689], %swap3A_692 {strides = array<i32>} : memref<640xi32, #tpu.memory_space<vmem>>, vector<16xi32>,
        %get3A_693 = arith.constant 256 : index
        %get3A_694 = tpu.vector_load %arg7[%get3A_693] {strides = array<i32>} : memref<640xi32, #tpu.memory_space<vmem>>, vector<16xi32>,
        %get3A_695 = vector.shape_cast %get3A_694 : vector<16xi32> to vector<16xi32>
        %add3A_696 = arith.addi %get3A_695, %get3A_564 : vector<16xi32>
        %swap3A_697 = arith.constant 256 : index
        %swap3A_698 = tpu.vector_load %arg7[%swap3A_697] {strides = array<i32>} : memref<640xi32, #tpu.memory_space<vmem>>, vector<16xi32>,
        %swap3A_699 = vector.shape_cast %swap3A_698 : vector<16xi32> to vector<16xi32>
        %swap3A_700 = vector.shape_cast %add3A_696 : vector<16xi32> to vector<16xi32>
        tpu.vector_store %arg7[%swap3A_697], %swap3A_700 {strides = array<i32>} : memref<640xi32, #tpu.memory_space<vmem>>, vector<16xi32>,
        %get3A_701 = arith.constant 272 : index
        %get3A_702 = tpu.vector_load %arg7[%get3A_701] {strides = array<i32>} : memref<640xi32, #tpu.memory_space<vmem>>, vector<16xi32>,
        %get3A_703 = vector.shape_cast %get3A_702 : vector<16xi32> to vector<16xi32>
        %add3A_704 = arith.addi %get3A_703, %get3A_564 : vector<16xi32>
        %swap3A_705 = arith.constant 272 : index
        %swap3A_706 = tpu.vector_load %arg7[%swap3A_705] {strides = array<i32>} : memref<640xi32, #tpu.memory_space<vmem>>, vector<16xi32>,
        %swap3A_707 = vector.shape_cast %swap3A_706 : vector<16xi32> to vector<16xi32>
        %swap3A_708 = vector.shape_cast %add3A_704 : vector<16xi32> to vector<16xi32>
        tpu.vector_store %arg7[%swap3A_705], %swap3A_708 {strides = array<i32>} : memref<640xi32, #tpu.memory_space<vmem>>, vector<16xi32>,
        %get3A_709 = arith.constant 288 : index
        %get3A_710 = tpu.vector_load %arg7[%get3A_709] {strides = array<i32>} : memref<640xi32, #tpu.memory_space<vmem>>, vector<16xi32>,
        %get3A_711 = vector.shape_cast %get3A_710 : vector<16xi32> to vector<16xi32>
        %add3A_712 = arith.addi %get3A_711, %get3A_564 : vector<16xi32>
        %swap3A_713 = arith.constant 288 : index
        %swap3A_714 = tpu.vector_load %arg7[%swap3A_713] {strides = array<i32>} : memref<640xi32, #tpu.memory_space<vmem>>, vector<16xi32>,
        %swap3A_715 = vector.shape_cast %swap3A_714 : vector<16xi32> to vector<16xi32>
        %swap3A_716 = vector.shape_cast %add3A_712 : vector<16xi32> to vector<16xi32>
        tpu.vector_store %arg7[%swap3A_713], %swap3A_716 {strides = array<i32>} : memref<640xi32, #tpu.memory_space<vmem>>, vector<16xi32>,
        %get3A_717 = arith.constant 304 : index
        %get3A_718 = tpu.vector_load %arg7[%get3A_717] {strides = array<i32>} : memref<640xi32, #tpu.memory_space<vmem>>, vector<16xi32>,
        %get3A_719 = vector.shape_cast %get3A_718 : vector<16xi32> to vector<16xi32>
        %add3A_720 = arith.addi %get3A_719, %get3A_564 : vector<16xi32>
        %swap3A_721 = arith.constant 304 : index
        %swap3A_722 = tpu.vector_load %arg7[%swap3A_721] {strides = array<i32>} : memref<640xi32, #tpu.memory_space<vmem>>, vector<16xi32>,
        %swap3A_723 = vector.shape_cast %swap3A_722 : vector<16xi32> to vector<16xi32>
        %swap3A_724 = vector.shape_cast %add3A_720 : vector<16xi32> to vector<16xi32>
        tpu.vector_store %arg7[%swap3A_721], %swap3A_724 {strides = array<i32>} : memref<640xi32, #tpu.memory_space<vmem>>, vector<16xi32>,
        %get3A_725 = arith.constant 320 : index
        %get3A_726 = tpu.vector_load %arg7[%get3A_725] {strides = array<i32>} : memref<640xi32, #tpu.memory_space<vmem>>, vector<16xi32>,
        %get3A_727 = vector.shape_cast %get3A_726 : vector<16xi32> to vector<16xi32>
        %add3A_728 = arith.addi %get3A_727, %get3A_564 : vector<16xi32>
        %swap3A_729 = arith.constant 320 : index
        %swap3A_730 = tpu.vector_load %arg7[%swap3A_729] {strides = array<i32>} : memref<640xi32, #tpu.memory_space<vmem>>, vector<16xi32>,
        %swap3A_731 = vector.shape_cast %swap3A_730 : vector<16xi32> to vector<16xi32>
        %swap3A_732 = vector.shape_cast %add3A_728 : vector<16xi32> to vector<16xi32>
        tpu.vector_store %arg7[%swap3A_729], %swap3A_732 {strides = array<i32>} : memref<640xi32, #tpu.memory_space<vmem>>, vector<16xi32>,
        %get3A_733 = arith.constant 336 : index
        %get3A_734 = tpu.vector_load %arg7[%get3A_733] {strides = array<i32>} : memref<640xi32, #tpu.memory_space<vmem>>, vector<16xi32>,
        %get3A_735 = vector.shape_cast %get3A_734 : vector<16xi32> to vector<16xi32>
        %add3A_736 = arith.addi %get3A_735, %get3A_564 : vector<16xi32>
        %swap3A_737 = arith.constant 336 : index
        %swap3A_738 = tpu.vector_load %arg7[%swap3A_737] {strides = array<i32>} : memref<640xi32, #tpu.memory_space<vmem>>, vector<16xi32>,
        %swap3A_739 = vector.shape_cast %swap3A_738 : vector<16xi32> to vector<16xi32>
        %swap3A_740 = vector.shape_cast %add3A_736 : vector<16xi32> to vector<16xi32>
        tpu.vector_store %arg7[%swap3A_737], %swap3A_740 {strides = array<i32>} : memref<640xi32, #tpu.memory_space<vmem>>, vector<16xi32>,
        %get3A_741 = arith.constant 352 : index
        %get3A_742 = tpu.vector_load %arg7[%get3A_741] {strides = array<i32>} : memref<640xi32, #tpu.memory_space<vmem>>, vector<16xi32>,
        %get3A_743 = vector.shape_cast %get3A_742 : vector<16xi32> to vector<16xi32>
        %add3A_744 = arith.addi %get3A_743, %get3A_564 : vector<16xi32>
        %swap3A_745 = arith.constant 352 : index
        %swap3A_746 = tpu.vector_load %arg7[%swap3A_745] {strides = array<i32>} : memref<640xi32, #tpu.memory_space<vmem>>, vector<16xi32>,
        %swap3A_747 = vector.shape_cast %swap3A_746 : vector<16xi32> to vector<16xi32>
        %swap3A_748 = vector.shape_cast %add3A_744 : vector<16xi32> to vector<16xi32>
        tpu.vector_store %arg7[%swap3A_745], %swap3A_748 {strides = array<i32>} : memref<640xi32, #tpu.memory_space<vmem>>, vector<16xi32>,
        %get3A_749 = arith.constant 368 : index
        %get3A_750 = tpu.vector_load %arg7[%get3A_749] {strides = array<i32>} : memref<640xi32, #tpu.memory_space<vmem>>, vector<16xi32>,
        %get3A_751 = vector.shape_cast %get3A_750 : vector<16xi32> to vector<16xi32>
        %add3A_752 = arith.addi %get3A_751, %get3A_564 : vector<16xi32>
        %swap3A_753 = arith.constant 368 : index
        %swap3A_754 = tpu.vector_load %arg7[%swap3A_753] {strides = array<i32>} : memref<640xi32, #tpu.memory_space<vmem>>, vector<16xi32>,
        %swap3A_755 = vector.shape_cast %swap3A_754 : vector<16xi32> to vector<16xi32>
        %swap3A_756 = vector.shape_cast %add3A_752 : vector<16xi32> to vector<16xi32>
        tpu.vector_store %arg7[%swap3A_753], %swap3A_756 {strides = array<i32>} : memref<640xi32, #tpu.memory_space<vmem>>, vector<16xi32>,
        %get3A_757 = arith.constant 384 : index
        %get3A_758 = tpu.vector_load %arg7[%get3A_757] {strides = array<i32>} : memref<640xi32, #tpu.memory_space<vmem>>, vector<16xi32>,
        %get3A_759 = vector.shape_cast %get3A_758 : vector<16xi32> to vector<16xi32>
        %add3A_760 = arith.addi %get3A_759, %get3A_564 : vector<16xi32>
        %swap3A_761 = arith.constant 384 : index
        %swap3A_762 = tpu.vector_load %arg7[%swap3A_761] {strides = array<i32>} : memref<640xi32, #tpu.memory_space<vmem>>, vector<16xi32>,
        %swap3A_763 = vector.shape_cast %swap3A_762 : vector<16xi32> to vector<16xi32>
        %swap3A_764 = vector.shape_cast %add3A_760 : vector<16xi32> to vector<16xi32>
        tpu.vector_store %arg7[%swap3A_761], %swap3A_764 {strides = array<i32>} : memref<640xi32, #tpu.memory_space<vmem>>, vector<16xi32>,
        %get3A_765 = arith.constant 400 : index
        %get3A_766 = tpu.vector_load %arg7[%get3A_765] {strides = array<i32>} : memref<640xi32, #tpu.memory_space<vmem>>, vector<16xi32>,
        %get3A_767 = vector.shape_cast %get3A_766 : vector<16xi32> to vector<16xi32>
        %add3A_768 = arith.addi %get3A_767, %get3A_564 : vector<16xi32>
        %swap3A_769 = arith.constant 400 : index
        %swap3A_770 = tpu.vector_load %arg7[%swap3A_769] {strides = array<i32>} : memref<640xi32, #tpu.memory_space<vmem>>, vector<16xi32>,
        %swap3A_771 = vector.shape_cast %swap3A_770 : vector<16xi32> to vector<16xi32>
        %swap3A_772 = vector.shape_cast %add3A_768 : vector<16xi32> to vector<16xi32>
        tpu.vector_store %arg7[%swap3A_769], %swap3A_772 {strides = array<i32>} : memref<640xi32, #tpu.memory_space<vmem>>, vector<16xi32>,
        %get3A_773 = arith.constant 416 : index
        %get3A_774 = tpu.vector_load %arg7[%get3A_773] {strides = array<i32>} : memref<640xi32, #tpu.memory_space<vmem>>, vector<16xi32>,
        %get3A_775 = vector.shape_cast %get3A_774 : vector<16xi32> to vector<16xi32>
        %add3A_776 = arith.addi %get3A_775, %get3A_564 : vector<16xi32>
        %swap3A_777 = arith.constant 416 : index
        %swap3A_778 = tpu.vector_load %arg7[%swap3A_777] {strides = array<i32>} : memref<640xi32, #tpu.memory_space<vmem>>, vector<16xi32>,
        %swap3A_779 = vector.shape_cast %swap3A_778 : vector<16xi32> to vector<16xi32>
        %swap3A_780 = vector.shape_cast %add3A_776 : vector<16xi32> to vector<16xi32>
        tpu.vector_store %arg7[%swap3A_777], %swap3A_780 {strides = array<i32>} : memref<640xi32, #tpu.memory_space<vmem>>, vector<16xi32>,
        %get3A_781 = arith.constant 432 : index
        %get3A_782 = tpu.vector_load %arg7[%get3A_781] {strides = array<i32>} : memref<640xi32, #tpu.memory_space<vmem>>, vector<16xi32>,
        %get3A_783 = vector.shape_cast %get3A_782 : vector<16xi32> to vector<16xi32>
        %add3A_784 = arith.addi %get3A_783, %get3A_564 : vector<16xi32>
        %swap3A_785 = arith.constant 432 : index
        %swap3A_786 = tpu.vector_load %arg7[%swap3A_785] {strides = array<i32>} : memref<640xi32, #tpu.memory_space<vmem>>, vector<16xi32>,
        %swap3A_787 = vector.shape_cast %swap3A_786 : vector<16xi32> to vector<16xi32>
        %swap3A_788 = vector.shape_cast %add3A_784 : vector<16xi32> to vector<16xi32>
        tpu.vector_store %arg7[%swap3A_785], %swap3A_788 {strides = array<i32>} : memref<640xi32, #tpu.memory_space<vmem>>, vector<16xi32>,
        %get3A_789 = arith.constant 448 : index
        %get3A_790 = tpu.vector_load %arg7[%get3A_789] {strides = array<i32>} : memref<640xi32, #tpu.memory_space<vmem>>, vector<16xi32>,
        %get3A_791 = vector.shape_cast %get3A_790 : vector<16xi32> to vector<16xi32>
        %add3A_792 = arith.addi %get3A_791, %get3A_564 : vector<16xi32>
        %swap3A_793 = arith.constant 448 : index
        %swap3A_794 = tpu.vector_load %arg7[%swap3A_793] {strides = array<i32>} : memref<640xi32, #tpu.memory_space<vmem>>, vector<16xi32>,
        %swap3A_795 = vector.shape_cast %swap3A_794 : vector<16xi32> to vector<16xi32>
        %swap3A_796 = vector.shape_cast %add3A_792 : vector<16xi32> to vector<16xi32>
        tpu.vector_store %arg7[%swap3A_793], %swap3A_796 {strides = array<i32>} : memref<640xi32, #tpu.memory_space<vmem>>, vector<16xi32>,
        %get3A_797 = arith.constant 464 : index
        %get3A_798 = tpu.vector_load %arg7[%get3A_797] {strides = array<i32>} : memref<640xi32, #tpu.memory_space<vmem>>, vector<16xi32>,
        %get3A_799 = vector.shape_cast %get3A_798 : vector<16xi32> to vector<16xi32>
        %add3A_800 = arith.addi %get3A_799, %get3A_564 : vector<16xi32>
        %swap3A_801 = arith.constant 464 : index
        %swap3A_802 = tpu.vector_load %arg7[%swap3A_801] {strides = array<i32>} : memref<640xi32, #tpu.memory_space<vmem>>, vector<16xi32>,
        %swap3A_803 = vector.shape_cast %swap3A_802 : vector<16xi32> to vector<16xi32>
        %swap3A_804 = vector.shape_cast %add3A_800 : vector<16xi32> to vector<16xi32>
        tpu.vector_store %arg7[%swap3A_801], %swap3A_804 {strides = array<i32>} : memref<640xi32, #tpu.memory_space<vmem>>, vector<16xi32>,
        %get3A_805 = arith.constant 480 : index
        %get3A_806 = tpu.vector_load %arg7[%get3A_805] {strides = array<i32>} : memref<640xi32, #tpu.memory_space<vmem>>, vector<16xi32>,
        %get3A_807 = vector.shape_cast %get3A_806 : vector<16xi32> to vector<16xi32>
        %add3A_808 = arith.addi %get3A_807, %get3A_564 : vector<16xi32>
        %swap3A_809 = arith.constant 480 : index
        %swap3A_810 = tpu.vector_load %arg7[%swap3A_809] {strides = array<i32>} : memref<640xi32, #tpu.memory_space<vmem>>, vector<16xi32>,
        %swap3A_811 = vector.shape_cast %swap3A_810 : vector<16xi32> to vector<16xi32>
        %swap3A_812 = vector.shape_cast %add3A_808 : vector<16xi32> to vector<16xi32>
        tpu.vector_store %arg7[%swap3A_809], %swap3A_812 {strides = array<i32>} : memref<640xi32, #tpu.memory_space<vmem>>, vector<16xi32>,
        %get3A_813 = arith.constant 496 : index
        %get3A_814 = tpu.vector_load %arg7[%get3A_813] {strides = array<i32>} : memref<640xi32, #tpu.memory_space<vmem>>, vector<16xi32>,
        %get3A_815 = vector.shape_cast %get3A_814 : vector<16xi32> to vector<16xi32>
        %add3A_816 = arith.addi %get3A_815, %get3A_564 : vector<16xi32>
        %swap3A_817 = arith.constant 496 : index
        %swap3A_818 = tpu.vector_load %arg7[%swap3A_817] {strides = array<i32>} : memref<640xi32, #tpu.memory_space<vmem>>, vector<16xi32>,
        %swap3A_819 = vector.shape_cast %swap3A_818 : vector<16xi32> to vector<16xi32>
        %swap3A_820 = vector.shape_cast %add3A_816 : vector<16xi32> to vector<16xi32>
        tpu.vector_store %arg7[%swap3A_817], %swap3A_820 {strides = array<i32>} : memref<640xi32, #tpu.memory_space<vmem>>, vector<16xi32>,
        %get3A_821 = arith.constant 512 : index
        %get3A_822 = tpu.vector_load %arg7[%get3A_821] {strides = array<i32>} : memref<640xi32, #tpu.memory_space<vmem>>, vector<16xi32>,
        %get3A_823 = vector.shape_cast %get3A_822 : vector<16xi32> to vector<16xi32>
        %add3A_824 = arith.addi %get3A_823, %get3A_564 : vector<16xi32>
        %swap3A_825 = arith.constant 512 : index
        %swap3A_826 = tpu.vector_load %arg7[%swap3A_825] {strides = array<i32>} : memref<640xi32, #tpu.memory_space<vmem>>, vector<16xi32>,
        %swap3A_827 = vector.shape_cast %swap3A_826 : vector<16xi32> to vector<16xi32>
        %swap3A_828 = vector.shape_cast %add3A_824 : vector<16xi32> to vector<16xi32>
        tpu.vector_store %arg7[%swap3A_825], %swap3A_828 {strides = array<i32>} : memref<640xi32, #tpu.memory_space<vmem>>, vector<16xi32>,
        %get3A_829 = arith.constant 528 : index
        %get3A_830 = tpu.vector_load %arg7[%get3A_829] {strides = array<i32>} : memref<640xi32, #tpu.memory_space<vmem>>, vector<16xi32>,
        %get3A_831 = vector.shape_cast %get3A_830 : vector<16xi32> to vector<16xi32>
        %add3A_832 = arith.addi %get3A_831, %get3A_564 : vector<16xi32>
        %swap3A_833 = arith.constant 528 : index
        %swap3A_834 = tpu.vector_load %arg7[%swap3A_833] {strides = array<i32>} : memref<640xi32, #tpu.memory_space<vmem>>, vector<16xi32>,
        %swap3A_835 = vector.shape_cast %swap3A_834 : vector<16xi32> to vector<16xi32>
        %swap3A_836 = vector.shape_cast %add3A_832 : vector<16xi32> to vector<16xi32>
        tpu.vector_store %arg7[%swap3A_833], %swap3A_836 {strides = array<i32>} : memref<640xi32, #tpu.memory_space<vmem>>, vector<16xi32>,
        %get3A_837 = arith.constant 544 : index
        %get3A_838 = tpu.vector_load %arg7[%get3A_837] {strides = array<i32>} : memref<640xi32, #tpu.memory_space<vmem>>, vector<16xi32>,
        %get3A_839 = vector.shape_cast %get3A_838 : vector<16xi32> to vector<16xi32>
        %add3A_840 = arith.addi %get3A_839, %get3A_564 : vector<16xi32>
        %swap3A_841 = arith.constant 544 : index
        %swap3A_842 = tpu.vector_load %arg7[%swap3A_841] {strides = array<i32>} : memref<640xi32, #tpu.memory_space<vmem>>, vector<16xi32>,
        %swap3A_843 = vector.shape_cast %swap3A_842 : vector<16xi32> to vector<16xi32>
        %swap3A_844 = vector.shape_cast %add3A_840 : vector<16xi32> to vector<16xi32>
        tpu.vector_store %arg7[%swap3A_841], %swap3A_844 {strides = array<i32>} : memref<640xi32, #tpu.memory_space<vmem>>, vector<16xi32>,
        %get3A_845 = arith.constant 560 : index
        %get3A_846 = tpu.vector_load %arg7[%get3A_845] {strides = array<i32>} : memref<640xi32, #tpu.memory_space<vmem>>, vector<16xi32>,
        %get3A_847 = vector.shape_cast %get3A_846 : vector<16xi32> to vector<16xi32>
        %add3A_848 = arith.addi %get3A_847, %get3A_564 : vector<16xi32>
        %swap3A_849 = arith.constant 560 : index
        %swap3A_850 = tpu.vector_load %arg7[%swap3A_849] {strides = array<i32>} : memref<640xi32, #tpu.memory_space<vmem>>, vector<16xi32>,
        %swap3A_851 = vector.shape_cast %swap3A_850 : vector<16xi32> to vector<16xi32>
        %swap3A_852 = vector.shape_cast %add3A_848 : vector<16xi32> to vector<16xi32>
        tpu.vector_store %arg7[%swap3A_849], %swap3A_852 {strides = array<i32>} : memref<640xi32, #tpu.memory_space<vmem>>, vector<16xi32>,
        %get3A_853 = arith.constant 576 : index
        %get3A_854 = tpu.vector_load %arg7[%get3A_853] {strides = array<i32>} : memref<640xi32, #tpu.memory_space<vmem>>, vector<16xi32>,
        %get3A_855 = vector.shape_cast %get3A_854 : vector<16xi32> to vector<16xi32>
        %add3A_856 = arith.addi %get3A_855, %get3A_564 : vector<16xi32>
        %swap3A_857 = arith.constant 576 : index
        %swap3A_858 = tpu.vector_load %arg7[%swap3A_857] {strides = array<i32>} : memref<640xi32, #tpu.memory_space<vmem>>, vector<16xi32>,
        %swap3A_859 = vector.shape_cast %swap3A_858 : vector<16xi32> to vector<16xi32>
        %swap3A_860 = vector.shape_cast %add3A_856 : vector<16xi32> to vector<16xi32>
        tpu.vector_store %arg7[%swap3A_857], %swap3A_860 {strides = array<i32>} : memref<640xi32, #tpu.memory_space<vmem>>, vector<16xi32>,
        %get3A_861 = arith.constant 592 : index
        %get3A_862 = tpu.vector_load %arg7[%get3A_861] {strides = array<i32>} : memref<640xi32, #tpu.memory_space<vmem>>, vector<16xi32>,
        %get3A_863 = vector.shape_cast %get3A_862 : vector<16xi32> to vector<16xi32>
        %add3A_864 = arith.addi %get3A_863, %get3A_564 : vector<16xi32>
        %swap3A_865 = arith.constant 592 : index
        %swap3A_866 = tpu.vector_load %arg7[%swap3A_865] {strides = array<i32>} : memref<640xi32, #tpu.memory_space<vmem>>, vector<16xi32>,
        %swap3A_867 = vector.shape_cast %swap3A_866 : vector<16xi32> to vector<16xi32>
        %swap3A_868 = vector.shape_cast %add3A_864 : vector<16xi32> to vector<16xi32>
        tpu.vector_store %arg7[%swap3A_865], %swap3A_868 {strides = array<i32>} : memref<640xi32, #tpu.memory_space<vmem>>, vector<16xi32>,
        %get3A_869 = arith.constant 608 : index
        %get3A_870 = tpu.vector_load %arg7[%get3A_869] {strides = array<i32>} : memref<640xi32, #tpu.memory_space<vmem>>, vector<16xi32>,
        %get3A_871 = vector.shape_cast %get3A_870 : vector<16xi32> to vector<16xi32>
        %add3A_872 = arith.addi %get3A_871, %get3A_564 : vector<16xi32>
        %swap3A_873 = arith.constant 608 : index
        %swap3A_874 = tpu.vector_load %arg7[%swap3A_873] {strides = array<i32>} : memref<640xi32, #tpu.memory_space<vmem>>, vector<16xi32>,
        %swap3A_875 = vector.shape_cast %swap3A_874 : vector<16xi32> to vector<16xi32>
        %swap3A_876 = vector.shape_cast %add3A_872 : vector<16xi32> to vector<16xi32>
        tpu.vector_store %arg7[%swap3A_873], %swap3A_876 {strides = array<i32>} : memref<640xi32, #tpu.memory_space<vmem>>, vector<16xi32>,
        %get3A_877 = arith.constant 624 : index
        %get3A_878 = tpu.vector_load %arg7[%get3A_877] {strides = array<i32>} : memref<640xi32, #tpu.memory_space<vmem>>, vector<16xi32>,
        %get3A_879 = vector.shape_cast %get3A_878 : vector<16xi32> to vector<16xi32>
        %add3A_880 = arith.addi %get3A_879, %get3A_564 : vector<16xi32>
        %swap3A_881 = arith.constant 624 : index
        %swap3A_882 = tpu.vector_load %arg7[%swap3A_881] {strides = array<i32>} : memref<640xi32, #tpu.memory_space<vmem>>, vector<16xi32>,
        %swap3A_883 = vector.shape_cast %swap3A_882 : vector<16xi32> to vector<16xi32>
        %swap3A_884 = vector.shape_cast %add3A_880 : vector<16xi32> to vector<16xi32>
        tpu.vector_store %arg7[%swap3A_881], %swap3A_884 {strides = array<i32>} : memref<640xi32, #tpu.memory_space<vmem>>, vector<16xi32>,
        %dma_start3A_885 = arith.constant 0 : i32
        %dma_start3A_886 = arith.constant 0 : i32
        %dma_start3A_887 = tpu.memref_slice %arg9[%dma_start3A_885, %dma_start3A_886] : memref<640x64xf32, #tpu.memory_space<vmem>> -> memref<128x64xf32, #tpu.memory_space<vmem>>
        %dma_start3A_888 = arith.constant 0 : i32
        %dma_start3A_889 = tpu.memref_slice %arg7[%dma_start3A_888] : memref<640xi32, #tpu.memory_space<vmem>> -> memref<128xi32, #tpu.memory_space<vmem>>
        %dma_start3A_890 = arith.constant 0 : i32
        %dma_start3A_891 = arith.constant 0 : i32
        %dma_start3A_892 = tpu.memref_slice %arg3[%dma_start3A_890, %dma_start3A_891] : memref<2600000x64xf32, #tpu.memory_space<hbm>> -> memref<2600000x64xf32, #tpu.memory_space<hbm>>
        tpu.enqueue_indirect_dma source(%dma_start3A_892 : memref<2600000x64xf32, #tpu.memory_space<hbm>>) target(%dma_start3A_887 : memref<128x64xf32, #tpu.memory_space<vmem>>) offsets(%dma_start3A_889 : memref<128xi32, #tpu.memory_space<vmem>>) semaphore(%arg13 : memref<!tpu.dma_semaphore, #tpu.memory_space<semaphore_mem>>)
        %dma_start3A_893 = arith.constant 128 : i32
        %dma_start3A_894 = arith.constant 0 : i32
        %dma_start3A_895 = tpu.memref_slice %arg9[%dma_start3A_893, %dma_start3A_894] : memref<640x64xf32, #tpu.memory_space<vmem>> -> memref<128x64xf32, #tpu.memory_space<vmem>>
        %dma_start3A_896 = arith.constant 128 : i32
        %dma_start3A_897 = tpu.memref_slice %arg7[%dma_start3A_896] : memref<640xi32, #tpu.memory_space<vmem>> -> memref<128xi32, #tpu.memory_space<vmem>>
        %dma_start3A_898 = arith.constant 0 : i32
        %dma_start3A_899 = arith.constant 0 : i32
        %dma_start3A_900 = tpu.memref_slice %arg3[%dma_start3A_898, %dma_start3A_899] : memref<2600000x64xf32, #tpu.memory_space<hbm>> -> memref<2600000x64xf32, #tpu.memory_space<hbm>>
        tpu.enqueue_indirect_dma source(%dma_start3A_900 : memref<2600000x64xf32, #tpu.memory_space<hbm>>) target(%dma_start3A_895 : memref<128x64xf32, #tpu.memory_space<vmem>>) offsets(%dma_start3A_897 : memref<128xi32, #tpu.memory_space<vmem>>) semaphore(%arg13 : memref<!tpu.dma_semaphore, #tpu.memory_space<semaphore_mem>>)
        %dma_start3A_901 = arith.constant 256 : i32
        %dma_start3A_902 = arith.constant 0 : i32
        %dma_start3A_903 = tpu.memref_slice %arg9[%dma_start3A_901, %dma_start3A_902] : memref<640x64xf32, #tpu.memory_space<vmem>> -> memref<128x64xf32, #tpu.memory_space<vmem>>
        %dma_start3A_904 = arith.constant 256 : i32
        %dma_start3A_905 = tpu.memref_slice %arg7[%dma_start3A_904] : memref<640xi32, #tpu.memory_space<vmem>> -> memref<128xi32, #tpu.memory_space<vmem>>
        %dma_start3A_906 = arith.constant 0 : i32
        %dma_start3A_907 = arith.constant 0 : i32
        %dma_start3A_908 = tpu.memref_slice %arg3[%dma_start3A_906, %dma_start3A_907] : memref<2600000x64xf32, #tpu.memory_space<hbm>> -> memref<2600000x64xf32, #tpu.memory_space<hbm>>
        tpu.enqueue_indirect_dma source(%dma_start3A_908 : memref<2600000x64xf32, #tpu.memory_space<hbm>>) target(%dma_start3A_903 : memref<128x64xf32, #tpu.memory_space<vmem>>) offsets(%dma_start3A_905 : memref<128xi32, #tpu.memory_space<vmem>>) semaphore(%arg13 : memref<!tpu.dma_semaphore, #tpu.memory_space<semaphore_mem>>)
        %dma_start3A_909 = arith.constant 384 : i32
        %dma_start3A_910 = arith.constant 0 : i32
        %dma_start3A_911 = tpu.memref_slice %arg9[%dma_start3A_909, %dma_start3A_910] : memref<640x64xf32, #tpu.memory_space<vmem>> -> memref<128x64xf32, #tpu.memory_space<vmem>>
        %dma_start3A_912 = arith.constant 384 : i32
        %dma_start3A_913 = tpu.memref_slice %arg7[%dma_start3A_912] : memref<640xi32, #tpu.memory_space<vmem>> -> memref<128xi32, #tpu.memory_space<vmem>>
        %dma_start3A_914 = arith.constant 0 : i32
        %dma_start3A_915 = arith.constant 0 : i32
        %dma_start3A_916 = tpu.memref_slice %arg3[%dma_start3A_914, %dma_start3A_915] : memref<2600000x64xf32, #tpu.memory_space<hbm>> -> memref<2600000x64xf32, #tpu.memory_space<hbm>>
        tpu.enqueue_indirect_dma source(%dma_start3A_916 : memref<2600000x64xf32, #tpu.memory_space<hbm>>) target(%dma_start3A_911 : memref<128x64xf32, #tpu.memory_space<vmem>>) offsets(%dma_start3A_913 : memref<128xi32, #tpu.memory_space<vmem>>) semaphore(%arg13 : memref<!tpu.dma_semaphore, #tpu.memory_space<semaphore_mem>>)
        %dma_start3A_917 = arith.constant 512 : i32
        %dma_start3A_918 = arith.constant 0 : i32
        %dma_start3A_919 = tpu.memref_slice %arg9[%dma_start3A_917, %dma_start3A_918] : memref<640x64xf32, #tpu.memory_space<vmem>> -> memref<128x64xf32, #tpu.memory_space<vmem>>
        %dma_start3A_920 = arith.constant 512 : i32
        %dma_start3A_921 = tpu.memref_slice %arg7[%dma_start3A_920] : memref<640xi32, #tpu.memory_space<vmem>> -> memref<128xi32, #tpu.memory_space<vmem>>
        %dma_start3A_922 = arith.constant 0 : i32
        %dma_start3A_923 = arith.constant 0 : i32
        %dma_start3A_924 = tpu.memref_slice %arg3[%dma_start3A_922, %dma_start3A_923] : memref<2600000x64xf32, #tpu.memory_space<hbm>> -> memref<2600000x64xf32, #tpu.memory_space<hbm>>
        tpu.enqueue_indirect_dma source(%dma_start3A_924 : memref<2600000x64xf32, #tpu.memory_space<hbm>>) target(%dma_start3A_919 : memref<128x64xf32, #tpu.memory_space<vmem>>) offsets(%dma_start3A_921 : memref<128xi32, #tpu.memory_space<vmem>>) semaphore(%arg13 : memref<!tpu.dma_semaphore, #tpu.memory_space<semaphore_mem>>)
      } else {
      }
      %dma_wait3A_416 = arith.constant 0 : i32
      %dma_wait3A_417 = arith.constant 0 : i32
      %dma_wait3A_418 = tpu.memref_slice %arg3[%dma_wait3A_416, %dma_wait3A_417] : memref<2600000x64xf32, #tpu.memory_space<hbm>> -> memref<640x64xf32, #tpu.memory_space<hbm>>
      %dma_wait3A_419 = arith.constant 0 : i32
      %dma_wait3A_420 = arith.constant 0 : i32
      %dma_wait3A_421 = tpu.memref_slice %arg3[%dma_wait3A_419, %dma_wait3A_420] : memref<2600000x64xf32, #tpu.memory_space<hbm>> -> memref<640x64xf32, #tpu.memory_space<hbm>>
      tpu.wait_dma2 semaphore(%arg12 : memref<!tpu.dma_semaphore, #tpu.memory_space<semaphore_mem>>) src(%dma_wait3A_421 : memref<640x64xf32, #tpu.memory_space<hbm>>) dst(%arg8 : memref<640x64xf32, #tpu.memory_space<vmem>>)
      %add3A_422 = arith.constant 2 : i32
      %add3A_423 = arith.addi %add3A_411, %add3A_422 : i32
      %lt3A_424 = arith.constant 104 : i32
      %lt3A_425 = arith.cmpi slt, %add3A_423, %lt3A_424 : i32
      %convert_element_type3A_426 = arith.extui %lt3A_425 : i1 to i32
      %cond3A_427 = arith.constant 0 : i32
      %cond3A_428 = arith.cmpi ne, %convert_element_type3A_426, %cond3A_427 : i32
      scf.if %cond3A_428 {
        %add3A_522 = arith.constant 2 : i32
        %add3A_523 = arith.addi %add3A_411, %add3A_522 : i32
        %jit3A_524 = arith.constant 4 : i32
        %div3A_525 = arith.divsi %add3A_523, %jit3A_524 : i32
        %sign3A_526 = arith.constant 0 : i32
        %sign3A_527 = arith.cmpi sgt, %add3A_523, %sign3A_526 : i32
        %sign3A_528 = arith.extui %sign3A_527 : i1 to i32
        %sign3A_529 = arith.constant 0 : i32
        %sign3A_530 = arith.cmpi slt, %add3A_523, %sign3A_529 : i32
        %sign3A_531 = arith.extui %sign3A_530 : i1 to i32
        %sign3A_532 = arith.subi %sign3A_528, %sign3A_531 : i32
        %sign3A_533 = arith.constant 0 : i32
        %sign3A_534 = arith.cmpi sgt, %jit3A_524, %sign3A_533 : i32
        %sign3A_535 = arith.extui %sign3A_534 : i1 to i32
        %sign3A_536 = arith.constant 0 : i32
        %sign3A_537 = arith.cmpi slt, %jit3A_524, %sign3A_536 : i32
        %sign3A_538 = arith.extui %sign3A_537 : i1 to i32
        %sign3A_539 = arith.subi %sign3A_535, %sign3A_538 : i32
        %ne3A_540 = arith.cmpi ne, %sign3A_532, %sign3A_539 : i32
        %rem3A_541 = arith.remsi %add3A_523, %jit3A_524 : i32
        %ne3A_542 = arith.constant 0 : i32
        %ne3A_543 = arith.cmpi ne, %rem3A_541, %ne3A_542 : i32
        %and3A_544 = arith.andi %ne3A_540, %ne3A_543 : i1
        %sub3A_545 = arith.constant 1 : i32
        %sub3A_546 = arith.subi %div3A_525, %sub3A_545 : i32
        %select_n3A_547 = arith.select %and3A_544, %sub3A_546, %div3A_525 : i32
        %rem3A_548 = arith.constant 4 : i32
        %rem3A_549 = arith.remsi %add3A_523, %rem3A_548 : i32
        %mul3A_550 = arith.constant 4096 : i32
        %mul3A_551 = arith.muli %select_n3A_547, %mul3A_550 : i32
        %mul3A_552 = arith.constant 128 : i32
        %mul3A_553 = arith.muli %add3A, %mul3A_552 : i32
        %add3A_554 = arith.addi %mul3A_551, %mul3A_553 : i32
        %mul3A_555 = arith.constant 32 : i32
        %mul3A_556 = arith.muli %rem3A_549, %mul3A_555 : i32
        %add3A_557 = arith.addi %add3A_554, %mul3A_556 : i32
        %mul3A_558 = arith.constant 20 : i32
        %mul3A_559 = arith.muli %add3A_557, %mul3A_558 : i32
        %dma_start3A_560 = tpu.memref_slice %arg2[%mul3A_559] : memref<2129920xi32, #tpu.memory_space<hbm>> -> memref<640xi32, #tpu.memory_space<hbm>>
        %dma_start3A_561 = tpu.memref_slice %arg2[%mul3A_559] : memref<2129920xi32, #tpu.memory_space<hbm>> -> memref<640xi32, #tpu.memory_space<hbm>>
        tpu.enqueue_dma source(%dma_start3A_561 : memref<640xi32, #tpu.memory_space<hbm>>) target(%arg6 : memref<640xi32, #tpu.memory_space<vmem>>) target_semaphore(%arg14 : memref<!tpu.dma_semaphore, #tpu.memory_space<semaphore_mem>>)
      } else {
      }
      %jit3A = arith.constant 4 : i32
      %div3A = arith.divsi %add3A_411, %jit3A : i32
      %sign3A = arith.constant 0 : i32
      %sign3A_429 = arith.cmpi sgt, %add3A_411, %sign3A : i32
      %sign3A_430 = arith.extui %sign3A_429 : i1 to i32
      %sign3A_431 = arith.constant 0 : i32
      %sign3A_432 = arith.cmpi slt, %add3A_411, %sign3A_431 : i32
      %sign3A_433 = arith.extui %sign3A_432 : i1 to i32
      %sign3A_434 = arith.subi %sign3A_430, %sign3A_433 : i32
      %sign3A_435 = arith.constant 0 : i32
      %sign3A_436 = arith.cmpi sgt, %jit3A, %sign3A_435 : i32
      %sign3A_437 = arith.extui %sign3A_436 : i1 to i32
      %sign3A_438 = arith.constant 0 : i32
      %sign3A_439 = arith.cmpi slt, %jit3A, %sign3A_438 : i32
      %sign3A_440 = arith.extui %sign3A_439 : i1 to i32
      %sign3A_441 = arith.subi %sign3A_437, %sign3A_440 : i32
      %ne3A = arith.cmpi ne, %sign3A_434, %sign3A_441 : i32
      %rem3A_442 = arith.remsi %add3A_411, %jit3A : i32
      %ne3A_443 = arith.constant 0 : i32
      %ne3A_444 = arith.cmpi ne, %rem3A_442, %ne3A_443 : i32
      %and3A = arith.andi %ne3A, %ne3A_444 : i1
      %sub3A = arith.constant 1 : i32
      %sub3A_445 = arith.subi %div3A, %sub3A : i32
      %select_n3A = arith.select %and3A, %sub3A_445, %div3A : i32
      %rem3A_446 = arith.constant 4 : i32
      %rem3A_447 = arith.remsi %add3A_411, %rem3A_446 : i32
      %mul3A_448 = arith.constant 4096 : i32
      %mul3A_449 = arith.muli %select_n3A, %mul3A_448 : i32
      %mul3A_450 = arith.constant 128 : i32
      %mul3A_451 = arith.muli %add3A, %mul3A_450 : i32
      %add3A_452 = arith.addi %mul3A_449, %mul3A_451 : i32
      %mul3A_453 = arith.constant 32 : i32
      %mul3A_454 = arith.muli %rem3A_447, %mul3A_453 : i32
      %add3A_455 = arith.addi %add3A_452, %mul3A_454 : i32
      %scan3A_456 = arith.constant 0 : i32
      %scan3A_457 = arith.constant 32 : i32
      %scan3A_458 = arith.addi %scan3A_456, %scan3A_457 : i32
      %scan3A_459 = arith.constant 1 : i32
      scf.for %scan3A_522 = %scan3A_456 to %scan3A_458 step %scan3A_459  : i32 {
        %mul3A_523 = arith.constant 1 : i32
        %mul3A_524 = arith.muli %scan3A_522, %mul3A_523 : i32
        %add3A_525 = arith.constant 0 : i32
        %add3A_526 = arith.addi %add3A_525, %mul3A_524 : i32
        %mul3A_527 = arith.constant 20 : i32
        %mul3A_528 = arith.muli %add3A_526, %mul3A_527 : i32
        %add3A_529 = arith.constant 0 : i32
        %add3A_530 = arith.addi %mul3A_528, %add3A_529 : i32
        %get3A_531 = arith.index_cast %add3A_530 : i32 to index
        %get3A_532 = arith.constant 0 : index
        %get3A_533 = tpu.vector_load %arg8[%get3A_531, %get3A_532] {strides = array<i32>} : memref<640x64xf32, #tpu.memory_space<vmem>>, vector<1x16xf32>,
        %get3A_534 = vector.shape_cast %get3A_533 : vector<1x16xf32> to vector<16xf32>
        %add3A_535 = arith.constant 1 : i32
        %add3A_536 = arith.addi %mul3A_528, %add3A_535 : i32
        %get3A_537 = arith.index_cast %add3A_536 : i32 to index
        %get3A_538 = arith.constant 0 : index
        %get3A_539 = tpu.vector_load %arg8[%get3A_537, %get3A_538] {strides = array<i32>} : memref<640x64xf32, #tpu.memory_space<vmem>>, vector<1x16xf32>,
        %get3A_540 = vector.shape_cast %get3A_539 : vector<1x16xf32> to vector<16xf32>
        %add3A_541 = arith.addf %get3A_534, %get3A_540 : vector<16xf32>
        %add3A_542 = arith.constant 2 : i32
        %add3A_543 = arith.addi %mul3A_528, %add3A_542 : i32
        %get3A_544 = arith.index_cast %add3A_543 : i32 to index
        %get3A_545 = arith.constant 0 : index
        %get3A_546 = tpu.vector_load %arg8[%get3A_544, %get3A_545] {strides = array<i32>} : memref<640x64xf32, #tpu.memory_space<vmem>>, vector<1x16xf32>,
        %get3A_547 = vector.shape_cast %get3A_546 : vector<1x16xf32> to vector<16xf32>
        %add3A_548 = arith.constant 3 : i32
        %add3A_549 = arith.addi %mul3A_528, %add3A_548 : i32
        %get3A_550 = arith.index_cast %add3A_549 : i32 to index
        %get3A_551 = arith.constant 0 : index
        %get3A_552 = tpu.vector_load %arg8[%get3A_550, %get3A_551] {strides = array<i32>} : memref<640x64xf32, #tpu.memory_space<vmem>>, vector<1x16xf32>,
        %get3A_553 = vector.shape_cast %get3A_552 : vector<1x16xf32> to vector<16xf32>
        %add3A_554 = arith.addf %get3A_547, %get3A_553 : vector<16xf32>
        %add3A_555 = arith.constant 4 : i32
        %add3A_556 = arith.addi %mul3A_528, %add3A_555 : i32
        %get3A_557 = arith.index_cast %add3A_556 : i32 to index
        %get3A_558 = arith.constant 0 : index
        %get3A_559 = tpu.vector_load %arg8[%get3A_557, %get3A_558] {strides = array<i32>} : memref<640x64xf32, #tpu.memory_space<vmem>>, vector<1x16xf32>,
        %get3A_560 = vector.shape_cast %get3A_559 : vector<1x16xf32> to vector<16xf32>
        %add3A_561 = arith.constant 5 : i32
        %add3A_562 = arith.addi %mul3A_528, %add3A_561 : i32
        %get3A_563 = arith.index_cast %add3A_562 : i32 to index
        %get3A_564 = arith.constant 0 : index
        %get3A_565 = tpu.vector_load %arg8[%get3A_563, %get3A_564] {strides = array<i32>} : memref<640x64xf32, #tpu.memory_space<vmem>>, vector<1x16xf32>,
        %get3A_566 = vector.shape_cast %get3A_565 : vector<1x16xf32> to vector<16xf32>
        %add3A_567 = arith.addf %get3A_560, %get3A_566 : vector<16xf32>
        %add3A_568 = arith.constant 6 : i32
        %add3A_569 = arith.addi %mul3A_528, %add3A_568 : i32
        %get3A_570 = arith.index_cast %add3A_569 : i32 to index
        %get3A_571 = arith.constant 0 : index
        %get3A_572 = tpu.vector_load %arg8[%get3A_570, %get3A_571] {strides = array<i32>} : memref<640x64xf32, #tpu.memory_space<vmem>>, vector<1x16xf32>,
        %get3A_573 = vector.shape_cast %get3A_572 : vector<1x16xf32> to vector<16xf32>
        %add3A_574 = arith.constant 7 : i32
        %add3A_575 = arith.addi %mul3A_528, %add3A_574 : i32
        %get3A_576 = arith.index_cast %add3A_575 : i32 to index
        %get3A_577 = arith.constant 0 : index
        %get3A_578 = tpu.vector_load %arg8[%get3A_576, %get3A_577] {strides = array<i32>} : memref<640x64xf32, #tpu.memory_space<vmem>>, vector<1x16xf32>,
        %get3A_579 = vector.shape_cast %get3A_578 : vector<1x16xf32> to vector<16xf32>
        %add3A_580 = arith.addf %get3A_573, %get3A_579 : vector<16xf32>
        %add3A_581 = arith.constant 8 : i32
        %add3A_582 = arith.addi %mul3A_528, %add3A_581 : i32
        %add3A_583 = arith.constant 0 : i32
        %add3A_584 = arith.addi %add3A_582, %add3A_583 : i32
        %get3A_585 = arith.index_cast %add3A_584 : i32 to index
        %get3A_586 = arith.constant 0 : index
        %get3A_587 = tpu.vector_load %arg8[%get3A_585, %get3A_586] {strides = array<i32>} : memref<640x64xf32, #tpu.memory_space<vmem>>, vector<1x16xf32>,
        %get3A_588 = vector.shape_cast %get3A_587 : vector<1x16xf32> to vector<16xf32>
        %add3A_589 = arith.addf %add3A_541, %get3A_588 : vector<16xf32>
        %add3A_590 = arith.constant 8 : i32
        %add3A_591 = arith.addi %mul3A_528, %add3A_590 : i32
        %add3A_592 = arith.constant 1 : i32
        %add3A_593 = arith.addi %add3A_591, %add3A_592 : i32
        %get3A_594 = arith.index_cast %add3A_593 : i32 to index
        %get3A_595 = arith.constant 0 : index
        %get3A_596 = tpu.vector_load %arg8[%get3A_594, %get3A_595] {strides = array<i32>} : memref<640x64xf32, #tpu.memory_space<vmem>>, vector<1x16xf32>,
        %get3A_597 = vector.shape_cast %get3A_596 : vector<1x16xf32> to vector<16xf32>
        %add3A_598 = arith.addf %add3A_554, %get3A_597 : vector<16xf32>
        %add3A_599 = arith.constant 8 : i32
        %add3A_600 = arith.addi %mul3A_528, %add3A_599 : i32
        %add3A_601 = arith.constant 2 : i32
        %add3A_602 = arith.addi %add3A_600, %add3A_601 : i32
        %get3A_603 = arith.index_cast %add3A_602 : i32 to index
        %get3A_604 = arith.constant 0 : index
        %get3A_605 = tpu.vector_load %arg8[%get3A_603, %get3A_604] {strides = array<i32>} : memref<640x64xf32, #tpu.memory_space<vmem>>, vector<1x16xf32>,
        %get3A_606 = vector.shape_cast %get3A_605 : vector<1x16xf32> to vector<16xf32>
        %add3A_607 = arith.addf %add3A_567, %get3A_606 : vector<16xf32>
        %add3A_608 = arith.constant 8 : i32
        %add3A_609 = arith.addi %mul3A_528, %add3A_608 : i32
        %add3A_610 = arith.constant 3 : i32
        %add3A_611 = arith.addi %add3A_609, %add3A_610 : i32
        %get3A_612 = arith.index_cast %add3A_611 : i32 to index
        %get3A_613 = arith.constant 0 : index
        %get3A_614 = tpu.vector_load %arg8[%get3A_612, %get3A_613] {strides = array<i32>} : memref<640x64xf32, #tpu.memory_space<vmem>>, vector<1x16xf32>,
        %get3A_615 = vector.shape_cast %get3A_614 : vector<1x16xf32> to vector<16xf32>
        %add3A_616 = arith.addf %add3A_580, %get3A_615 : vector<16xf32>
        %add3A_617 = arith.constant 12 : i32
        %add3A_618 = arith.addi %mul3A_528, %add3A_617 : i32
        %add3A_619 = arith.constant 0 : i32
        %add3A_620 = arith.addi %add3A_618, %add3A_619 : i32
        %get3A_621 = arith.index_cast %add3A_620 : i32 to index
        %get3A_622 = arith.constant 0 : index
        %get3A_623 = tpu.vector_load %arg8[%get3A_621, %get3A_622] {strides = array<i32>} : memref<640x64xf32, #tpu.memory_space<vmem>>, vector<1x16xf32>,
        %get3A_624 = vector.shape_cast %get3A_623 : vector<1x16xf32> to vector<16xf32>
        %add3A_625 = arith.addf %add3A_589, %get3A_624 : vector<16xf32>
        %add3A_626 = arith.constant 12 : i32
        %add3A_627 = arith.addi %mul3A_528, %add3A_626 : i32
        %add3A_628 = arith.constant 1 : i32
        %add3A_629 = arith.addi %add3A_627, %add3A_628 : i32
        %get3A_630 = arith.index_cast %add3A_629 : i32 to index
        %get3A_631 = arith.constant 0 : index
        %get3A_632 = tpu.vector_load %arg8[%get3A_630, %get3A_631] {strides = array<i32>} : memref<640x64xf32, #tpu.memory_space<vmem>>, vector<1x16xf32>,
        %get3A_633 = vector.shape_cast %get3A_632 : vector<1x16xf32> to vector<16xf32>
        %add3A_634 = arith.addf %add3A_598, %get3A_633 : vector<16xf32>
        %add3A_635 = arith.constant 12 : i32
        %add3A_636 = arith.addi %mul3A_528, %add3A_635 : i32
        %add3A_637 = arith.constant 2 : i32
        %add3A_638 = arith.addi %add3A_636, %add3A_637 : i32
        %get3A_639 = arith.index_cast %add3A_638 : i32 to index
        %get3A_640 = arith.constant 0 : index
        %get3A_641 = tpu.vector_load %arg8[%get3A_639, %get3A_640] {strides = array<i32>} : memref<640x64xf32, #tpu.memory_space<vmem>>, vector<1x16xf32>,
        %get3A_642 = vector.shape_cast %get3A_641 : vector<1x16xf32> to vector<16xf32>
        %add3A_643 = arith.addf %add3A_607, %get3A_642 : vector<16xf32>
        %add3A_644 = arith.constant 12 : i32
        %add3A_645 = arith.addi %mul3A_528, %add3A_644 : i32
        %add3A_646 = arith.constant 3 : i32
        %add3A_647 = arith.addi %add3A_645, %add3A_646 : i32
        %get3A_648 = arith.index_cast %add3A_647 : i32 to index
        %get3A_649 = arith.constant 0 : index
        %get3A_650 = tpu.vector_load %arg8[%get3A_648, %get3A_649] {strides = array<i32>} : memref<640x64xf32, #tpu.memory_space<vmem>>, vector<1x16xf32>,
        %get3A_651 = vector.shape_cast %get3A_650 : vector<1x16xf32> to vector<16xf32>
        %add3A_652 = arith.addf %add3A_616, %get3A_651 : vector<16xf32>
        %add3A_653 = arith.constant 16 : i32
        %add3A_654 = arith.addi %mul3A_528, %add3A_653 : i32
        %add3A_655 = arith.constant 0 : i32
        %add3A_656 = arith.addi %add3A_654, %add3A_655 : i32
        %get3A_657 = arith.index_cast %add3A_656 : i32 to index
        %get3A_658 = arith.constant 0 : index
        %get3A_659 = tpu.vector_load %arg8[%get3A_657, %get3A_658] {strides = array<i32>} : memref<640x64xf32, #tpu.memory_space<vmem>>, vector<1x16xf32>,
        %get3A_660 = vector.shape_cast %get3A_659 : vector<1x16xf32> to vector<16xf32>
        %add3A_661 = arith.addf %add3A_625, %get3A_660 : vector<16xf32>
        %add3A_662 = arith.constant 16 : i32
        %add3A_663 = arith.addi %mul3A_528, %add3A_662 : i32
        %add3A_664 = arith.constant 1 : i32
        %add3A_665 = arith.addi %add3A_663, %add3A_664 : i32
        %get3A_666 = arith.index_cast %add3A_665 : i32 to index
        %get3A_667 = arith.constant 0 : index
        %get3A_668 = tpu.vector_load %arg8[%get3A_666, %get3A_667] {strides = array<i32>} : memref<640x64xf32, #tpu.memory_space<vmem>>, vector<1x16xf32>,
        %get3A_669 = vector.shape_cast %get3A_668 : vector<1x16xf32> to vector<16xf32>
        %add3A_670 = arith.addf %add3A_634, %get3A_669 : vector<16xf32>
        %add3A_671 = arith.constant 16 : i32
        %add3A_672 = arith.addi %mul3A_528, %add3A_671 : i32
        %add3A_673 = arith.constant 2 : i32
        %add3A_674 = arith.addi %add3A_672, %add3A_673 : i32
        %get3A_675 = arith.index_cast %add3A_674 : i32 to index
        %get3A_676 = arith.constant 0 : index
        %get3A_677 = tpu.vector_load %arg8[%get3A_675, %get3A_676] {strides = array<i32>} : memref<640x64xf32, #tpu.memory_space<vmem>>, vector<1x16xf32>,
        %get3A_678 = vector.shape_cast %get3A_677 : vector<1x16xf32> to vector<16xf32>
        %add3A_679 = arith.addf %add3A_643, %get3A_678 : vector<16xf32>
        %add3A_680 = arith.constant 16 : i32
        %add3A_681 = arith.addi %mul3A_528, %add3A_680 : i32
        %add3A_682 = arith.constant 3 : i32
        %add3A_683 = arith.addi %add3A_681, %add3A_682 : i32
        %get3A_684 = arith.index_cast %add3A_683 : i32 to index
        %get3A_685 = arith.constant 0 : index
        %get3A_686 = tpu.vector_load %arg8[%get3A_684, %get3A_685] {strides = array<i32>} : memref<640x64xf32, #tpu.memory_space<vmem>>, vector<1x16xf32>,
        %get3A_687 = vector.shape_cast %get3A_686 : vector<1x16xf32> to vector<16xf32>
        %add3A_688 = arith.addf %add3A_652, %get3A_687 : vector<16xf32>
        %add3A_689 = arith.addf %add3A_661, %add3A_670 : vector<16xf32>
        %add3A_690 = arith.addf %add3A_679, %add3A_688 : vector<16xf32>
        %add3A_691 = arith.addf %add3A_689, %add3A_690 : vector<16xf32>
        %swap3A_692 = arith.index_cast %add3A_526 : i32 to index
        %swap3A_693 = arith.constant 0 : index
        %swap3A_694 = tpu.vector_load %arg10[%swap3A_692, %swap3A_693] {strides = array<i32>} : memref<32x64xf32, #tpu.memory_space<vmem>>, vector<1x16xf32>,
        %swap3A_695 = vector.shape_cast %swap3A_694 : vector<1x16xf32> to vector<16xf32>
        %swap3A_696 = vector.shape_cast %add3A_691 : vector<16xf32> to vector<1x16xf32>
        tpu.vector_store %arg10[%swap3A_692, %swap3A_693], %swap3A_696 {strides = array<i32>} : memref<32x64xf32, #tpu.memory_space<vmem>>, vector<1x16xf32>,
        %add3A_697 = arith.constant 0 : i32
        %add3A_698 = arith.addi %mul3A_528, %add3A_697 : i32
        %get3A_699 = arith.index_cast %add3A_698 : i32 to index
        %get3A_700 = arith.constant 16 : index
        %get3A_701 = tpu.vector_load %arg8[%get3A_699, %get3A_700] {strides = array<i32>} : memref<640x64xf32, #tpu.memory_space<vmem>>, vector<1x16xf32>,
        %get3A_702 = vector.shape_cast %get3A_701 : vector<1x16xf32> to vector<16xf32>
        %add3A_703 = arith.constant 1 : i32
        %add3A_704 = arith.addi %mul3A_528, %add3A_703 : i32
        %get3A_705 = arith.index_cast %add3A_704 : i32 to index
        %get3A_706 = arith.constant 16 : index
        %get3A_707 = tpu.vector_load %arg8[%get3A_705, %get3A_706] {strides = array<i32>} : memref<640x64xf32, #tpu.memory_space<vmem>>, vector<1x16xf32>,
        %get3A_708 = vector.shape_cast %get3A_707 : vector<1x16xf32> to vector<16xf32>
        %add3A_709 = arith.addf %get3A_702, %get3A_708 : vector<16xf32>
        %add3A_710 = arith.constant 2 : i32
        %add3A_711 = arith.addi %mul3A_528, %add3A_710 : i32
        %get3A_712 = arith.index_cast %add3A_711 : i32 to index
        %get3A_713 = arith.constant 16 : index
        %get3A_714 = tpu.vector_load %arg8[%get3A_712, %get3A_713] {strides = array<i32>} : memref<640x64xf32, #tpu.memory_space<vmem>>, vector<1x16xf32>,
        %get3A_715 = vector.shape_cast %get3A_714 : vector<1x16xf32> to vector<16xf32>
        %add3A_716 = arith.constant 3 : i32
        %add3A_717 = arith.addi %mul3A_528, %add3A_716 : i32
        %get3A_718 = arith.index_cast %add3A_717 : i32 to index
        %get3A_719 = arith.constant 16 : index
        %get3A_720 = tpu.vector_load %arg8[%get3A_718, %get3A_719] {strides = array<i32>} : memref<640x64xf32, #tpu.memory_space<vmem>>, vector<1x16xf32>,
        %get3A_721 = vector.shape_cast %get3A_720 : vector<1x16xf32> to vector<16xf32>
        %add3A_722 = arith.addf %get3A_715, %get3A_721 : vector<16xf32>
        %add3A_723 = arith.constant 4 : i32
        %add3A_724 = arith.addi %mul3A_528, %add3A_723 : i32
        %get3A_725 = arith.index_cast %add3A_724 : i32 to index
        %get3A_726 = arith.constant 16 : index
        %get3A_727 = tpu.vector_load %arg8[%get3A_725, %get3A_726] {strides = array<i32>} : memref<640x64xf32, #tpu.memory_space<vmem>>, vector<1x16xf32>,
        %get3A_728 = vector.shape_cast %get3A_727 : vector<1x16xf32> to vector<16xf32>
        %add3A_729 = arith.constant 5 : i32
        %add3A_730 = arith.addi %mul3A_528, %add3A_729 : i32
        %get3A_731 = arith.index_cast %add3A_730 : i32 to index
        %get3A_732 = arith.constant 16 : index
        %get3A_733 = tpu.vector_load %arg8[%get3A_731, %get3A_732] {strides = array<i32>} : memref<640x64xf32, #tpu.memory_space<vmem>>, vector<1x16xf32>,
        %get3A_734 = vector.shape_cast %get3A_733 : vector<1x16xf32> to vector<16xf32>
        %add3A_735 = arith.addf %get3A_728, %get3A_734 : vector<16xf32>
        %add3A_736 = arith.constant 6 : i32
        %add3A_737 = arith.addi %mul3A_528, %add3A_736 : i32
        %get3A_738 = arith.index_cast %add3A_737 : i32 to index
        %get3A_739 = arith.constant 16 : index
        %get3A_740 = tpu.vector_load %arg8[%get3A_738, %get3A_739] {strides = array<i32>} : memref<640x64xf32, #tpu.memory_space<vmem>>, vector<1x16xf32>,
        %get3A_741 = vector.shape_cast %get3A_740 : vector<1x16xf32> to vector<16xf32>
        %add3A_742 = arith.constant 7 : i32
        %add3A_743 = arith.addi %mul3A_528, %add3A_742 : i32
        %get3A_744 = arith.index_cast %add3A_743 : i32 to index
        %get3A_745 = arith.constant 16 : index
        %get3A_746 = tpu.vector_load %arg8[%get3A_744, %get3A_745] {strides = array<i32>} : memref<640x64xf32, #tpu.memory_space<vmem>>, vector<1x16xf32>,
        %get3A_747 = vector.shape_cast %get3A_746 : vector<1x16xf32> to vector<16xf32>
        %add3A_748 = arith.addf %get3A_741, %get3A_747 : vector<16xf32>
        %add3A_749 = arith.constant 8 : i32
        %add3A_750 = arith.addi %mul3A_528, %add3A_749 : i32
        %add3A_751 = arith.constant 0 : i32
        %add3A_752 = arith.addi %add3A_750, %add3A_751 : i32
        %get3A_753 = arith.index_cast %add3A_752 : i32 to index
        %get3A_754 = arith.constant 16 : index
        %get3A_755 = tpu.vector_load %arg8[%get3A_753, %get3A_754] {strides = array<i32>} : memref<640x64xf32, #tpu.memory_space<vmem>>, vector<1x16xf32>,
        %get3A_756 = vector.shape_cast %get3A_755 : vector<1x16xf32> to vector<16xf32>
        %add3A_757 = arith.addf %add3A_709, %get3A_756 : vector<16xf32>
        %add3A_758 = arith.constant 8 : i32
        %add3A_759 = arith.addi %mul3A_528, %add3A_758 : i32
        %add3A_760 = arith.constant 1 : i32
        %add3A_761 = arith.addi %add3A_759, %add3A_760 : i32
        %get3A_762 = arith.index_cast %add3A_761 : i32 to index
        %get3A_763 = arith.constant 16 : index
        %get3A_764 = tpu.vector_load %arg8[%get3A_762, %get3A_763] {strides = array<i32>} : memref<640x64xf32, #tpu.memory_space<vmem>>, vector<1x16xf32>,
        %get3A_765 = vector.shape_cast %get3A_764 : vector<1x16xf32> to vector<16xf32>
        %add3A_766 = arith.addf %add3A_722, %get3A_765 : vector<16xf32>
        %add3A_767 = arith.constant 8 : i32
        %add3A_768 = arith.addi %mul3A_528, %add3A_767 : i32
        %add3A_769 = arith.constant 2 : i32
        %add3A_770 = arith.addi %add3A_768, %add3A_769 : i32
        %get3A_771 = arith.index_cast %add3A_770 : i32 to index
        %get3A_772 = arith.constant 16 : index
        %get3A_773 = tpu.vector_load %arg8[%get3A_771, %get3A_772] {strides = array<i32>} : memref<640x64xf32, #tpu.memory_space<vmem>>, vector<1x16xf32>,
        %get3A_774 = vector.shape_cast %get3A_773 : vector<1x16xf32> to vector<16xf32>
        %add3A_775 = arith.addf %add3A_735, %get3A_774 : vector<16xf32>
        %add3A_776 = arith.constant 8 : i32
        %add3A_777 = arith.addi %mul3A_528, %add3A_776 : i32
        %add3A_778 = arith.constant 3 : i32
        %add3A_779 = arith.addi %add3A_777, %add3A_778 : i32
        %get3A_780 = arith.index_cast %add3A_779 : i32 to index
        %get3A_781 = arith.constant 16 : index
        %get3A_782 = tpu.vector_load %arg8[%get3A_780, %get3A_781] {strides = array<i32>} : memref<640x64xf32, #tpu.memory_space<vmem>>, vector<1x16xf32>,
        %get3A_783 = vector.shape_cast %get3A_782 : vector<1x16xf32> to vector<16xf32>
        %add3A_784 = arith.addf %add3A_748, %get3A_783 : vector<16xf32>
        %add3A_785 = arith.constant 12 : i32
        %add3A_786 = arith.addi %mul3A_528, %add3A_785 : i32
        %add3A_787 = arith.constant 0 : i32
        %add3A_788 = arith.addi %add3A_786, %add3A_787 : i32
        %get3A_789 = arith.index_cast %add3A_788 : i32 to index
        %get3A_790 = arith.constant 16 : index
        %get3A_791 = tpu.vector_load %arg8[%get3A_789, %get3A_790] {strides = array<i32>} : memref<640x64xf32, #tpu.memory_space<vmem>>, vector<1x16xf32>,
        %get3A_792 = vector.shape_cast %get3A_791 : vector<1x16xf32> to vector<16xf32>
        %add3A_793 = arith.addf %add3A_757, %get3A_792 : vector<16xf32>
        %add3A_794 = arith.constant 12 : i32
        %add3A_795 = arith.addi %mul3A_528, %add3A_794 : i32
        %add3A_796 = arith.constant 1 : i32
        %add3A_797 = arith.addi %add3A_795, %add3A_796 : i32
        %get3A_798 = arith.index_cast %add3A_797 : i32 to index
        %get3A_799 = arith.constant 16 : index
        %get3A_800 = tpu.vector_load %arg8[%get3A_798, %get3A_799] {strides = array<i32>} : memref<640x64xf32, #tpu.memory_space<vmem>>, vector<1x16xf32>,
        %get3A_801 = vector.shape_cast %get3A_800 : vector<1x16xf32> to vector<16xf32>
        %add3A_802 = arith.addf %add3A_766, %get3A_801 : vector<16xf32>
        %add3A_803 = arith.constant 12 : i32
        %add3A_804 = arith.addi %mul3A_528, %add3A_803 : i32
        %add3A_805 = arith.constant 2 : i32
        %add3A_806 = arith.addi %add3A_804, %add3A_805 : i32
        %get3A_807 = arith.index_cast %add3A_806 : i32 to index
        %get3A_808 = arith.constant 16 : index
        %get3A_809 = tpu.vector_load %arg8[%get3A_807, %get3A_808] {strides = array<i32>} : memref<640x64xf32, #tpu.memory_space<vmem>>, vector<1x16xf32>,
        %get3A_810 = vector.shape_cast %get3A_809 : vector<1x16xf32> to vector<16xf32>
        %add3A_811 = arith.addf %add3A_775, %get3A_810 : vector<16xf32>
        %add3A_812 = arith.constant 12 : i32
        %add3A_813 = arith.addi %mul3A_528, %add3A_812 : i32
        %add3A_814 = arith.constant 3 : i32
        %add3A_815 = arith.addi %add3A_813, %add3A_814 : i32
        %get3A_816 = arith.index_cast %add3A_815 : i32 to index
        %get3A_817 = arith.constant 16 : index
        %get3A_818 = tpu.vector_load %arg8[%get3A_816, %get3A_817] {strides = array<i32>} : memref<640x64xf32, #tpu.memory_space<vmem>>, vector<1x16xf32>,
        %get3A_819 = vector.shape_cast %get3A_818 : vector<1x16xf32> to vector<16xf32>
        %add3A_820 = arith.addf %add3A_784, %get3A_819 : vector<16xf32>
        %add3A_821 = arith.constant 16 : i32
        %add3A_822 = arith.addi %mul3A_528, %add3A_821 : i32
        %add3A_823 = arith.constant 0 : i32
        %add3A_824 = arith.addi %add3A_822, %add3A_823 : i32
        %get3A_825 = arith.index_cast %add3A_824 : i32 to index
        %get3A_826 = arith.constant 16 : index
        %get3A_827 = tpu.vector_load %arg8[%get3A_825, %get3A_826] {strides = array<i32>} : memref<640x64xf32, #tpu.memory_space<vmem>>, vector<1x16xf32>,
        %get3A_828 = vector.shape_cast %get3A_827 : vector<1x16xf32> to vector<16xf32>
        %add3A_829 = arith.addf %add3A_793, %get3A_828 : vector<16xf32>
        %add3A_830 = arith.constant 16 : i32
        %add3A_831 = arith.addi %mul3A_528, %add3A_830 : i32
        %add3A_832 = arith.constant 1 : i32
        %add3A_833 = arith.addi %add3A_831, %add3A_832 : i32
        %get3A_834 = arith.index_cast %add3A_833 : i32 to index
        %get3A_835 = arith.constant 16 : index
        %get3A_836 = tpu.vector_load %arg8[%get3A_834, %get3A_835] {strides = array<i32>} : memref<640x64xf32, #tpu.memory_space<vmem>>, vector<1x16xf32>,
        %get3A_837 = vector.shape_cast %get3A_836 : vector<1x16xf32> to vector<16xf32>
        %add3A_838 = arith.addf %add3A_802, %get3A_837 : vector<16xf32>
        %add3A_839 = arith.constant 16 : i32
        %add3A_840 = arith.addi %mul3A_528, %add3A_839 : i32
        %add3A_841 = arith.constant 2 : i32
        %add3A_842 = arith.addi %add3A_840, %add3A_841 : i32
        %get3A_843 = arith.index_cast %add3A_842 : i32 to index
        %get3A_844 = arith.constant 16 : index
        %get3A_845 = tpu.vector_load %arg8[%get3A_843, %get3A_844] {strides = array<i32>} : memref<640x64xf32, #tpu.memory_space<vmem>>, vector<1x16xf32>,
        %get3A_846 = vector.shape_cast %get3A_845 : vector<1x16xf32> to vector<16xf32>
        %add3A_847 = arith.addf %add3A_811, %get3A_846 : vector<16xf32>
        %add3A_848 = arith.constant 16 : i32
        %add3A_849 = arith.addi %mul3A_528, %add3A_848 : i32
        %add3A_850 = arith.constant 3 : i32
        %add3A_851 = arith.addi %add3A_849, %add3A_850 : i32
        %get3A_852 = arith.index_cast %add3A_851 : i32 to index
        %get3A_853 = arith.constant 16 : index
        %get3A_854 = tpu.vector_load %arg8[%get3A_852, %get3A_853] {strides = array<i32>} : memref<640x64xf32, #tpu.memory_space<vmem>>, vector<1x16xf32>,
        %get3A_855 = vector.shape_cast %get3A_854 : vector<1x16xf32> to vector<16xf32>
        %add3A_856 = arith.addf %add3A_820, %get3A_855 : vector<16xf32>
        %add3A_857 = arith.addf %add3A_829, %add3A_838 : vector<16xf32>
        %add3A_858 = arith.addf %add3A_847, %add3A_856 : vector<16xf32>
        %add3A_859 = arith.addf %add3A_857, %add3A_858 : vector<16xf32>
        %swap3A_860 = arith.index_cast %add3A_526 : i32 to index
        %swap3A_861 = arith.constant 16 : index
        %swap3A_862 = tpu.vector_load %arg10[%swap3A_860, %swap3A_861] {strides = array<i32>} : memref<32x64xf32, #tpu.memory_space<vmem>>, vector<1x16xf32>,
        %swap3A_863 = vector.shape_cast %swap3A_862 : vector<1x16xf32> to vector<16xf32>
        %swap3A_864 = vector.shape_cast %add3A_859 : vector<16xf32> to vector<1x16xf32>
        tpu.vector_store %arg10[%swap3A_860, %swap3A_861], %swap3A_864 {strides = array<i32>} : memref<32x64xf32, #tpu.memory_space<vmem>>, vector<1x16xf32>,
        %add3A_865 = arith.constant 0 : i32
        %add3A_866 = arith.addi %mul3A_528, %add3A_865 : i32
        %get3A_867 = arith.index_cast %add3A_866 : i32 to index
        %get3A_868 = arith.constant 32 : index
        %get3A_869 = tpu.vector_load %arg8[%get3A_867, %get3A_868] {strides = array<i32>} : memref<640x64xf32, #tpu.memory_space<vmem>>, vector<1x16xf32>,
        %get3A_870 = vector.shape_cast %get3A_869 : vector<1x16xf32> to vector<16xf32>
        %add3A_871 = arith.constant 1 : i32
        %add3A_872 = arith.addi %mul3A_528, %add3A_871 : i32
        %get3A_873 = arith.index_cast %add3A_872 : i32 to index
        %get3A_874 = arith.constant 32 : index
        %get3A_875 = tpu.vector_load %arg8[%get3A_873, %get3A_874] {strides = array<i32>} : memref<640x64xf32, #tpu.memory_space<vmem>>, vector<1x16xf32>,
        %get3A_876 = vector.shape_cast %get3A_875 : vector<1x16xf32> to vector<16xf32>
        %add3A_877 = arith.addf %get3A_870, %get3A_876 : vector<16xf32>
        %add3A_878 = arith.constant 2 : i32
        %add3A_879 = arith.addi %mul3A_528, %add3A_878 : i32
        %get3A_880 = arith.index_cast %add3A_879 : i32 to index
        %get3A_881 = arith.constant 32 : index
        %get3A_882 = tpu.vector_load %arg8[%get3A_880, %get3A_881] {strides = array<i32>} : memref<640x64xf32, #tpu.memory_space<vmem>>, vector<1x16xf32>,
        %get3A_883 = vector.shape_cast %get3A_882 : vector<1x16xf32> to vector<16xf32>
        %add3A_884 = arith.constant 3 : i32
        %add3A_885 = arith.addi %mul3A_528, %add3A_884 : i32
        %get3A_886 = arith.index_cast %add3A_885 : i32 to index
        %get3A_887 = arith.constant 32 : index
        %get3A_888 = tpu.vector_load %arg8[%get3A_886, %get3A_887] {strides = array<i32>} : memref<640x64xf32, #tpu.memory_space<vmem>>, vector<1x16xf32>,
        %get3A_889 = vector.shape_cast %get3A_888 : vector<1x16xf32> to vector<16xf32>
        %add3A_890 = arith.addf %get3A_883, %get3A_889 : vector<16xf32>
        %add3A_891 = arith.constant 4 : i32
        %add3A_892 = arith.addi %mul3A_528, %add3A_891 : i32
        %get3A_893 = arith.index_cast %add3A_892 : i32 to index
        %get3A_894 = arith.constant 32 : index
        %get3A_895 = tpu.vector_load %arg8[%get3A_893, %get3A_894] {strides = array<i32>} : memref<640x64xf32, #tpu.memory_space<vmem>>, vector<1x16xf32>,
        %get3A_896 = vector.shape_cast %get3A_895 : vector<1x16xf32> to vector<16xf32>
        %add3A_897 = arith.constant 5 : i32
        %add3A_898 = arith.addi %mul3A_528, %add3A_897 : i32
        %get3A_899 = arith.index_cast %add3A_898 : i32 to index
        %get3A_900 = arith.constant 32 : index
        %get3A_901 = tpu.vector_load %arg8[%get3A_899, %get3A_900] {strides = array<i32>} : memref<640x64xf32, #tpu.memory_space<vmem>>, vector<1x16xf32>,
        %get3A_902 = vector.shape_cast %get3A_901 : vector<1x16xf32> to vector<16xf32>
        %add3A_903 = arith.addf %get3A_896, %get3A_902 : vector<16xf32>
        %add3A_904 = arith.constant 6 : i32
        %add3A_905 = arith.addi %mul3A_528, %add3A_904 : i32
        %get3A_906 = arith.index_cast %add3A_905 : i32 to index
        %get3A_907 = arith.constant 32 : index
        %get3A_908 = tpu.vector_load %arg8[%get3A_906, %get3A_907] {strides = array<i32>} : memref<640x64xf32, #tpu.memory_space<vmem>>, vector<1x16xf32>,
        %get3A_909 = vector.shape_cast %get3A_908 : vector<1x16xf32> to vector<16xf32>
        %add3A_910 = arith.constant 7 : i32
        %add3A_911 = arith.addi %mul3A_528, %add3A_910 : i32
        %get3A_912 = arith.index_cast %add3A_911 : i32 to index
        %get3A_913 = arith.constant 32 : index
        %get3A_914 = tpu.vector_load %arg8[%get3A_912, %get3A_913] {strides = array<i32>} : memref<640x64xf32, #tpu.memory_space<vmem>>, vector<1x16xf32>,
        %get3A_915 = vector.shape_cast %get3A_914 : vector<1x16xf32> to vector<16xf32>
        %add3A_916 = arith.addf %get3A_909, %get3A_915 : vector<16xf32>
        %add3A_917 = arith.constant 8 : i32
        %add3A_918 = arith.addi %mul3A_528, %add3A_917 : i32
        %add3A_919 = arith.constant 0 : i32
        %add3A_920 = arith.addi %add3A_918, %add3A_919 : i32
        %get3A_921 = arith.index_cast %add3A_920 : i32 to index
        %get3A_922 = arith.constant 32 : index
        %get3A_923 = tpu.vector_load %arg8[%get3A_921, %get3A_922] {strides = array<i32>} : memref<640x64xf32, #tpu.memory_space<vmem>>, vector<1x16xf32>,
        %get3A_924 = vector.shape_cast %get3A_923 : vector<1x16xf32> to vector<16xf32>
        %add3A_925 = arith.addf %add3A_877, %get3A_924 : vector<16xf32>
        %add3A_926 = arith.constant 8 : i32
        %add3A_927 = arith.addi %mul3A_528, %add3A_926 : i32
        %add3A_928 = arith.constant 1 : i32
        %add3A_929 = arith.addi %add3A_927, %add3A_928 : i32
        %get3A_930 = arith.index_cast %add3A_929 : i32 to index
        %get3A_931 = arith.constant 32 : index
        %get3A_932 = tpu.vector_load %arg8[%get3A_930, %get3A_931] {strides = array<i32>} : memref<640x64xf32, #tpu.memory_space<vmem>>, vector<1x16xf32>,
        %get3A_933 = vector.shape_cast %get3A_932 : vector<1x16xf32> to vector<16xf32>
        %add3A_934 = arith.addf %add3A_890, %get3A_933 : vector<16xf32>
        %add3A_935 = arith.constant 8 : i32
        %add3A_936 = arith.addi %mul3A_528, %add3A_935 : i32
        %add3A_937 = arith.constant 2 : i32
        %add3A_938 = arith.addi %add3A_936, %add3A_937 : i32
        %get3A_939 = arith.index_cast %add3A_938 : i32 to index
        %get3A_940 = arith.constant 32 : index
        %get3A_941 = tpu.vector_load %arg8[%get3A_939, %get3A_940] {strides = array<i32>} : memref<640x64xf32, #tpu.memory_space<vmem>>, vector<1x16xf32>,
        %get3A_942 = vector.shape_cast %get3A_941 : vector<1x16xf32> to vector<16xf32>
        %add3A_943 = arith.addf %add3A_903, %get3A_942 : vector<16xf32>
        %add3A_944 = arith.constant 8 : i32
        %add3A_945 = arith.addi %mul3A_528, %add3A_944 : i32
        %add3A_946 = arith.constant 3 : i32
        %add3A_947 = arith.addi %add3A_945, %add3A_946 : i32
        %get3A_948 = arith.index_cast %add3A_947 : i32 to index
        %get3A_949 = arith.constant 32 : index
        %get3A_950 = tpu.vector_load %arg8[%get3A_948, %get3A_949] {strides = array<i32>} : memref<640x64xf32, #tpu.memory_space<vmem>>, vector<1x16xf32>,
        %get3A_951 = vector.shape_cast %get3A_950 : vector<1x16xf32> to vector<16xf32>
        %add3A_952 = arith.addf %add3A_916, %get3A_951 : vector<16xf32>
        %add3A_953 = arith.constant 12 : i32
        %add3A_954 = arith.addi %mul3A_528, %add3A_953 : i32
        %add3A_955 = arith.constant 0 : i32
        %add3A_956 = arith.addi %add3A_954, %add3A_955 : i32
        %get3A_957 = arith.index_cast %add3A_956 : i32 to index
        %get3A_958 = arith.constant 32 : index
        %get3A_959 = tpu.vector_load %arg8[%get3A_957, %get3A_958] {strides = array<i32>} : memref<640x64xf32, #tpu.memory_space<vmem>>, vector<1x16xf32>,
        %get3A_960 = vector.shape_cast %get3A_959 : vector<1x16xf32> to vector<16xf32>
        %add3A_961 = arith.addf %add3A_925, %get3A_960 : vector<16xf32>
        %add3A_962 = arith.constant 12 : i32
        %add3A_963 = arith.addi %mul3A_528, %add3A_962 : i32
        %add3A_964 = arith.constant 1 : i32
        %add3A_965 = arith.addi %add3A_963, %add3A_964 : i32
        %get3A_966 = arith.index_cast %add3A_965 : i32 to index
        %get3A_967 = arith.constant 32 : index
        %get3A_968 = tpu.vector_load %arg8[%get3A_966, %get3A_967] {strides = array<i32>} : memref<640x64xf32, #tpu.memory_space<vmem>>, vector<1x16xf32>,
        %get3A_969 = vector.shape_cast %get3A_968 : vector<1x16xf32> to vector<16xf32>
        %add3A_970 = arith.addf %add3A_934, %get3A_969 : vector<16xf32>
        %add3A_971 = arith.constant 12 : i32
        %add3A_972 = arith.addi %mul3A_528, %add3A_971 : i32
        %add3A_973 = arith.constant 2 : i32
        %add3A_974 = arith.addi %add3A_972, %add3A_973 : i32
        %get3A_975 = arith.index_cast %add3A_974 : i32 to index
        %get3A_976 = arith.constant 32 : index
        %get3A_977 = tpu.vector_load %arg8[%get3A_975, %get3A_976] {strides = array<i32>} : memref<640x64xf32, #tpu.memory_space<vmem>>, vector<1x16xf32>,
        %get3A_978 = vector.shape_cast %get3A_977 : vector<1x16xf32> to vector<16xf32>
        %add3A_979 = arith.addf %add3A_943, %get3A_978 : vector<16xf32>
        %add3A_980 = arith.constant 12 : i32
        %add3A_981 = arith.addi %mul3A_528, %add3A_980 : i32
        %add3A_982 = arith.constant 3 : i32
        %add3A_983 = arith.addi %add3A_981, %add3A_982 : i32
        %get3A_984 = arith.index_cast %add3A_983 : i32 to index
        %get3A_985 = arith.constant 32 : index
        %get3A_986 = tpu.vector_load %arg8[%get3A_984, %get3A_985] {strides = array<i32>} : memref<640x64xf32, #tpu.memory_space<vmem>>, vector<1x16xf32>,
        %get3A_987 = vector.shape_cast %get3A_986 : vector<1x16xf32> to vector<16xf32>
        %add3A_988 = arith.addf %add3A_952, %get3A_987 : vector<16xf32>
        %add3A_989 = arith.constant 16 : i32
        %add3A_990 = arith.addi %mul3A_528, %add3A_989 : i32
        %add3A_991 = arith.constant 0 : i32
        %add3A_992 = arith.addi %add3A_990, %add3A_991 : i32
        %get3A_993 = arith.index_cast %add3A_992 : i32 to index
        %get3A_994 = arith.constant 32 : index
        %get3A_995 = tpu.vector_load %arg8[%get3A_993, %get3A_994] {strides = array<i32>} : memref<640x64xf32, #tpu.memory_space<vmem>>, vector<1x16xf32>,
        %get3A_996 = vector.shape_cast %get3A_995 : vector<1x16xf32> to vector<16xf32>
        %add3A_997 = arith.addf %add3A_961, %get3A_996 : vector<16xf32>
        %add3A_998 = arith.constant 16 : i32
        %add3A_999 = arith.addi %mul3A_528, %add3A_998 : i32
        %add3A_1000 = arith.constant 1 : i32
        %add3A_1001 = arith.addi %add3A_999, %add3A_1000 : i32
        %get3A_1002 = arith.index_cast %add3A_1001 : i32 to index
        %get3A_1003 = arith.constant 32 : index
        %get3A_1004 = tpu.vector_load %arg8[%get3A_1002, %get3A_1003] {strides = array<i32>} : memref<640x64xf32, #tpu.memory_space<vmem>>, vector<1x16xf32>,
        %get3A_1005 = vector.shape_cast %get3A_1004 : vector<1x16xf32> to vector<16xf32>
        %add3A_1006 = arith.addf %add3A_970, %get3A_1005 : vector<16xf32>
        %add3A_1007 = arith.constant 16 : i32
        %add3A_1008 = arith.addi %mul3A_528, %add3A_1007 : i32
        %add3A_1009 = arith.constant 2 : i32
        %add3A_1010 = arith.addi %add3A_1008, %add3A_1009 : i32
        %get3A_1011 = arith.index_cast %add3A_1010 : i32 to index
        %get3A_1012 = arith.constant 32 : index
        %get3A_1013 = tpu.vector_load %arg8[%get3A_1011, %get3A_1012] {strides = array<i32>} : memref<640x64xf32, #tpu.memory_space<vmem>>, vector<1x16xf32>,
        %get3A_1014 = vector.shape_cast %get3A_1013 : vector<1x16xf32> to vector<16xf32>
        %add3A_1015 = arith.addf %add3A_979, %get3A_1014 : vector<16xf32>
        %add3A_1016 = arith.constant 16 : i32
        %add3A_1017 = arith.addi %mul3A_528, %add3A_1016 : i32
        %add3A_1018 = arith.constant 3 : i32
        %add3A_1019 = arith.addi %add3A_1017, %add3A_1018 : i32
        %get3A_1020 = arith.index_cast %add3A_1019 : i32 to index
        %get3A_1021 = arith.constant 32 : index
        %get3A_1022 = tpu.vector_load %arg8[%get3A_1020, %get3A_1021] {strides = array<i32>} : memref<640x64xf32, #tpu.memory_space<vmem>>, vector<1x16xf32>,
        %get3A_1023 = vector.shape_cast %get3A_1022 : vector<1x16xf32> to vector<16xf32>
        %add3A_1024 = arith.addf %add3A_988, %get3A_1023 : vector<16xf32>
        %add3A_1025 = arith.addf %add3A_997, %add3A_1006 : vector<16xf32>
        %add3A_1026 = arith.addf %add3A_1015, %add3A_1024 : vector<16xf32>
        %add3A_1027 = arith.addf %add3A_1025, %add3A_1026 : vector<16xf32>
        %swap3A_1028 = arith.index_cast %add3A_526 : i32 to index
        %swap3A_1029 = arith.constant 32 : index
        %swap3A_1030 = tpu.vector_load %arg10[%swap3A_1028, %swap3A_1029] {strides = array<i32>} : memref<32x64xf32, #tpu.memory_space<vmem>>, vector<1x16xf32>,
        %swap3A_1031 = vector.shape_cast %swap3A_1030 : vector<1x16xf32> to vector<16xf32>
        %swap3A_1032 = vector.shape_cast %add3A_1027 : vector<16xf32> to vector<1x16xf32>
        tpu.vector_store %arg10[%swap3A_1028, %swap3A_1029], %swap3A_1032 {strides = array<i32>} : memref<32x64xf32, #tpu.memory_space<vmem>>, vector<1x16xf32>,
        %add3A_1033 = arith.constant 0 : i32
        %add3A_1034 = arith.addi %mul3A_528, %add3A_1033 : i32
        %get3A_1035 = arith.index_cast %add3A_1034 : i32 to index
        %get3A_1036 = arith.constant 48 : index
        %get3A_1037 = tpu.vector_load %arg8[%get3A_1035, %get3A_1036] {strides = array<i32>} : memref<640x64xf32, #tpu.memory_space<vmem>>, vector<1x16xf32>,
        %get3A_1038 = vector.shape_cast %get3A_1037 : vector<1x16xf32> to vector<16xf32>
        %add3A_1039 = arith.constant 1 : i32
        %add3A_1040 = arith.addi %mul3A_528, %add3A_1039 : i32
        %get3A_1041 = arith.index_cast %add3A_1040 : i32 to index
        %get3A_1042 = arith.constant 48 : index
        %get3A_1043 = tpu.vector_load %arg8[%get3A_1041, %get3A_1042] {strides = array<i32>} : memref<640x64xf32, #tpu.memory_space<vmem>>, vector<1x16xf32>,
        %get3A_1044 = vector.shape_cast %get3A_1043 : vector<1x16xf32> to vector<16xf32>
        %add3A_1045 = arith.addf %get3A_1038, %get3A_1044 : vector<16xf32>
        %add3A_1046 = arith.constant 2 : i32
        %add3A_1047 = arith.addi %mul3A_528, %add3A_1046 : i32
        %get3A_1048 = arith.index_cast %add3A_1047 : i32 to index
        %get3A_1049 = arith.constant 48 : index
        %get3A_1050 = tpu.vector_load %arg8[%get3A_1048, %get3A_1049] {strides = array<i32>} : memref<640x64xf32, #tpu.memory_space<vmem>>, vector<1x16xf32>,
        %get3A_1051 = vector.shape_cast %get3A_1050 : vector<1x16xf32> to vector<16xf32>
        %add3A_1052 = arith.constant 3 : i32
        %add3A_1053 = arith.addi %mul3A_528, %add3A_1052 : i32
        %get3A_1054 = arith.index_cast %add3A_1053 : i32 to index
        %get3A_1055 = arith.constant 48 : index
        %get3A_1056 = tpu.vector_load %arg8[%get3A_1054, %get3A_1055] {strides = array<i32>} : memref<640x64xf32, #tpu.memory_space<vmem>>, vector<1x16xf32>,
        %get3A_1057 = vector.shape_cast %get3A_1056 : vector<1x16xf32> to vector<16xf32>
        %add3A_1058 = arith.addf %get3A_1051, %get3A_1057 : vector<16xf32>
        %add3A_1059 = arith.constant 4 : i32
        %add3A_1060 = arith.addi %mul3A_528, %add3A_1059 : i32
        %get3A_1061 = arith.index_cast %add3A_1060 : i32 to index
        %get3A_1062 = arith.constant 48 : index
        %get3A_1063 = tpu.vector_load %arg8[%get3A_1061, %get3A_1062] {strides = array<i32>} : memref<640x64xf32, #tpu.memory_space<vmem>>, vector<1x16xf32>,
        %get3A_1064 = vector.shape_cast %get3A_1063 : vector<1x16xf32> to vector<16xf32>
        %add3A_1065 = arith.constant 5 : i32
        %add3A_1066 = arith.addi %mul3A_528, %add3A_1065 : i32
        %get3A_1067 = arith.index_cast %add3A_1066 : i32 to index
        %get3A_1068 = arith.constant 48 : index
        %get3A_1069 = tpu.vector_load %arg8[%get3A_1067, %get3A_1068] {strides = array<i32>} : memref<640x64xf32, #tpu.memory_space<vmem>>, vector<1x16xf32>,
        %get3A_1070 = vector.shape_cast %get3A_1069 : vector<1x16xf32> to vector<16xf32>
        %add3A_1071 = arith.addf %get3A_1064, %get3A_1070 : vector<16xf32>
        %add3A_1072 = arith.constant 6 : i32
        %add3A_1073 = arith.addi %mul3A_528, %add3A_1072 : i32
        %get3A_1074 = arith.index_cast %add3A_1073 : i32 to index
        %get3A_1075 = arith.constant 48 : index
        %get3A_1076 = tpu.vector_load %arg8[%get3A_1074, %get3A_1075] {strides = array<i32>} : memref<640x64xf32, #tpu.memory_space<vmem>>, vector<1x16xf32>,
        %get3A_1077 = vector.shape_cast %get3A_1076 : vector<1x16xf32> to vector<16xf32>
        %add3A_1078 = arith.constant 7 : i32
        %add3A_1079 = arith.addi %mul3A_528, %add3A_1078 : i32
        %get3A_1080 = arith.index_cast %add3A_1079 : i32 to index
        %get3A_1081 = arith.constant 48 : index
        %get3A_1082 = tpu.vector_load %arg8[%get3A_1080, %get3A_1081] {strides = array<i32>} : memref<640x64xf32, #tpu.memory_space<vmem>>, vector<1x16xf32>,
        %get3A_1083 = vector.shape_cast %get3A_1082 : vector<1x16xf32> to vector<16xf32>
        %add3A_1084 = arith.addf %get3A_1077, %get3A_1083 : vector<16xf32>
        %add3A_1085 = arith.constant 8 : i32
        %add3A_1086 = arith.addi %mul3A_528, %add3A_1085 : i32
        %add3A_1087 = arith.constant 0 : i32
        %add3A_1088 = arith.addi %add3A_1086, %add3A_1087 : i32
        %get3A_1089 = arith.index_cast %add3A_1088 : i32 to index
        %get3A_1090 = arith.constant 48 : index
        %get3A_1091 = tpu.vector_load %arg8[%get3A_1089, %get3A_1090] {strides = array<i32>} : memref<640x64xf32, #tpu.memory_space<vmem>>, vector<1x16xf32>,
        %get3A_1092 = vector.shape_cast %get3A_1091 : vector<1x16xf32> to vector<16xf32>
        %add3A_1093 = arith.addf %add3A_1045, %get3A_1092 : vector<16xf32>
        %add3A_1094 = arith.constant 8 : i32
        %add3A_1095 = arith.addi %mul3A_528, %add3A_1094 : i32
        %add3A_1096 = arith.constant 1 : i32
        %add3A_1097 = arith.addi %add3A_1095, %add3A_1096 : i32
        %get3A_1098 = arith.index_cast %add3A_1097 : i32 to index
        %get3A_1099 = arith.constant 48 : index
        %get3A_1100 = tpu.vector_load %arg8[%get3A_1098, %get3A_1099] {strides = array<i32>} : memref<640x64xf32, #tpu.memory_space<vmem>>, vector<1x16xf32>,
        %get3A_1101 = vector.shape_cast %get3A_1100 : vector<1x16xf32> to vector<16xf32>
        %add3A_1102 = arith.addf %add3A_1058, %get3A_1101 : vector<16xf32>
        %add3A_1103 = arith.constant 8 : i32
        %add3A_1104 = arith.addi %mul3A_528, %add3A_1103 : i32
        %add3A_1105 = arith.constant 2 : i32
        %add3A_1106 = arith.addi %add3A_1104, %add3A_1105 : i32
        %get3A_1107 = arith.index_cast %add3A_1106 : i32 to index
        %get3A_1108 = arith.constant 48 : index
        %get3A_1109 = tpu.vector_load %arg8[%get3A_1107, %get3A_1108] {strides = array<i32>} : memref<640x64xf32, #tpu.memory_space<vmem>>, vector<1x16xf32>,
        %get3A_1110 = vector.shape_cast %get3A_1109 : vector<1x16xf32> to vector<16xf32>
        %add3A_1111 = arith.addf %add3A_1071, %get3A_1110 : vector<16xf32>
        %add3A_1112 = arith.constant 8 : i32
        %add3A_1113 = arith.addi %mul3A_528, %add3A_1112 : i32
        %add3A_1114 = arith.constant 3 : i32
        %add3A_1115 = arith.addi %add3A_1113, %add3A_1114 : i32
        %get3A_1116 = arith.index_cast %add3A_1115 : i32 to index
        %get3A_1117 = arith.constant 48 : index
        %get3A_1118 = tpu.vector_load %arg8[%get3A_1116, %get3A_1117] {strides = array<i32>} : memref<640x64xf32, #tpu.memory_space<vmem>>, vector<1x16xf32>,
        %get3A_1119 = vector.shape_cast %get3A_1118 : vector<1x16xf32> to vector<16xf32>
        %add3A_1120 = arith.addf %add3A_1084, %get3A_1119 : vector<16xf32>
        %add3A_1121 = arith.constant 12 : i32
        %add3A_1122 = arith.addi %mul3A_528, %add3A_1121 : i32
        %add3A_1123 = arith.constant 0 : i32
        %add3A_1124 = arith.addi %add3A_1122, %add3A_1123 : i32
        %get3A_1125 = arith.index_cast %add3A_1124 : i32 to index
        %get3A_1126 = arith.constant 48 : index
        %get3A_1127 = tpu.vector_load %arg8[%get3A_1125, %get3A_1126] {strides = array<i32>} : memref<640x64xf32, #tpu.memory_space<vmem>>, vector<1x16xf32>,
        %get3A_1128 = vector.shape_cast %get3A_1127 : vector<1x16xf32> to vector<16xf32>
        %add3A_1129 = arith.addf %add3A_1093, %get3A_1128 : vector<16xf32>
        %add3A_1130 = arith.constant 12 : i32
        %add3A_1131 = arith.addi %mul3A_528, %add3A_1130 : i32
        %add3A_1132 = arith.constant 1 : i32
        %add3A_1133 = arith.addi %add3A_1131, %add3A_1132 : i32
        %get3A_1134 = arith.index_cast %add3A_1133 : i32 to index
        %get3A_1135 = arith.constant 48 : index
        %get3A_1136 = tpu.vector_load %arg8[%get3A_1134, %get3A_1135] {strides = array<i32>} : memref<640x64xf32, #tpu.memory_space<vmem>>, vector<1x16xf32>,
        %get3A_1137 = vector.shape_cast %get3A_1136 : vector<1x16xf32> to vector<16xf32>
        %add3A_1138 = arith.addf %add3A_1102, %get3A_1137 : vector<16xf32>
        %add3A_1139 = arith.constant 12 : i32
        %add3A_1140 = arith.addi %mul3A_528, %add3A_1139 : i32
        %add3A_1141 = arith.constant 2 : i32
        %add3A_1142 = arith.addi %add3A_1140, %add3A_1141 : i32
        %get3A_1143 = arith.index_cast %add3A_1142 : i32 to index
        %get3A_1144 = arith.constant 48 : index
        %get3A_1145 = tpu.vector_load %arg8[%get3A_1143, %get3A_1144] {strides = array<i32>} : memref<640x64xf32, #tpu.memory_space<vmem>>, vector<1x16xf32>,
        %get3A_1146 = vector.shape_cast %get3A_1145 : vector<1x16xf32> to vector<16xf32>
        %add3A_1147 = arith.addf %add3A_1111, %get3A_1146 : vector<16xf32>
        %add3A_1148 = arith.constant 12 : i32
        %add3A_1149 = arith.addi %mul3A_528, %add3A_1148 : i32
        %add3A_1150 = arith.constant 3 : i32
        %add3A_1151 = arith.addi %add3A_1149, %add3A_1150 : i32
        %get3A_1152 = arith.index_cast %add3A_1151 : i32 to index
        %get3A_1153 = arith.constant 48 : index
        %get3A_1154 = tpu.vector_load %arg8[%get3A_1152, %get3A_1153] {strides = array<i32>} : memref<640x64xf32, #tpu.memory_space<vmem>>, vector<1x16xf32>,
        %get3A_1155 = vector.shape_cast %get3A_1154 : vector<1x16xf32> to vector<16xf32>
        %add3A_1156 = arith.addf %add3A_1120, %get3A_1155 : vector<16xf32>
        %add3A_1157 = arith.constant 16 : i32
        %add3A_1158 = arith.addi %mul3A_528, %add3A_1157 : i32
        %add3A_1159 = arith.constant 0 : i32
        %add3A_1160 = arith.addi %add3A_1158, %add3A_1159 : i32
        %get3A_1161 = arith.index_cast %add3A_1160 : i32 to index
        %get3A_1162 = arith.constant 48 : index
        %get3A_1163 = tpu.vector_load %arg8[%get3A_1161, %get3A_1162] {strides = array<i32>} : memref<640x64xf32, #tpu.memory_space<vmem>>, vector<1x16xf32>,
        %get3A_1164 = vector.shape_cast %get3A_1163 : vector<1x16xf32> to vector<16xf32>
        %add3A_1165 = arith.addf %add3A_1129, %get3A_1164 : vector<16xf32>
        %add3A_1166 = arith.constant 16 : i32
        %add3A_1167 = arith.addi %mul3A_528, %add3A_1166 : i32
        %add3A_1168 = arith.constant 1 : i32
        %add3A_1169 = arith.addi %add3A_1167, %add3A_1168 : i32
        %get3A_1170 = arith.index_cast %add3A_1169 : i32 to index
        %get3A_1171 = arith.constant 48 : index
        %get3A_1172 = tpu.vector_load %arg8[%get3A_1170, %get3A_1171] {strides = array<i32>} : memref<640x64xf32, #tpu.memory_space<vmem>>, vector<1x16xf32>,
        %get3A_1173 = vector.shape_cast %get3A_1172 : vector<1x16xf32> to vector<16xf32>
        %add3A_1174 = arith.addf %add3A_1138, %get3A_1173 : vector<16xf32>
        %add3A_1175 = arith.constant 16 : i32
        %add3A_1176 = arith.addi %mul3A_528, %add3A_1175 : i32
        %add3A_1177 = arith.constant 2 : i32
        %add3A_1178 = arith.addi %add3A_1176, %add3A_1177 : i32
        %get3A_1179 = arith.index_cast %add3A_1178 : i32 to index
        %get3A_1180 = arith.constant 48 : index
        %get3A_1181 = tpu.vector_load %arg8[%get3A_1179, %get3A_1180] {strides = array<i32>} : memref<640x64xf32, #tpu.memory_space<vmem>>, vector<1x16xf32>,
        %get3A_1182 = vector.shape_cast %get3A_1181 : vector<1x16xf32> to vector<16xf32>
        %add3A_1183 = arith.addf %add3A_1147, %get3A_1182 : vector<16xf32>
        %add3A_1184 = arith.constant 16 : i32
        %add3A_1185 = arith.addi %mul3A_528, %add3A_1184 : i32
        %add3A_1186 = arith.constant 3 : i32
        %add3A_1187 = arith.addi %add3A_1185, %add3A_1186 : i32
        %get3A_1188 = arith.index_cast %add3A_1187 : i32 to index
        %get3A_1189 = arith.constant 48 : index
        %get3A_1190 = tpu.vector_load %arg8[%get3A_1188, %get3A_1189] {strides = array<i32>} : memref<640x64xf32, #tpu.memory_space<vmem>>, vector<1x16xf32>,
        %get3A_1191 = vector.shape_cast %get3A_1190 : vector<1x16xf32> to vector<16xf32>
        %add3A_1192 = arith.addf %add3A_1156, %get3A_1191 : vector<16xf32>
        %add3A_1193 = arith.addf %add3A_1165, %add3A_1174 : vector<16xf32>
        %add3A_1194 = arith.addf %add3A_1183, %add3A_1192 : vector<16xf32>
        %add3A_1195 = arith.addf %add3A_1193, %add3A_1194 : vector<16xf32>
        %swap3A_1196 = arith.index_cast %add3A_526 : i32 to index
        %swap3A_1197 = arith.constant 48 : index
        %swap3A_1198 = tpu.vector_load %arg10[%swap3A_1196, %swap3A_1197] {strides = array<i32>} : memref<32x64xf32, #tpu.memory_space<vmem>>, vector<1x16xf32>,
        %swap3A_1199 = vector.shape_cast %swap3A_1198 : vector<1x16xf32> to vector<16xf32>
        %swap3A_1200 = vector.shape_cast %add3A_1195 : vector<16xf32> to vector<1x16xf32>
        tpu.vector_store %arg10[%swap3A_1196, %swap3A_1197], %swap3A_1200 {strides = array<i32>} : memref<32x64xf32, #tpu.memory_space<vmem>>, vector<1x16xf32>,
      }
      %scan3A_460 = arith.constant 32 : i32
      "tpu.region"() ({
        %run_scoped3A = tpu.sem_alloc : memref<!tpu.dma_semaphore, #tpu.memory_space<semaphore_mem>>
        %dma_start3A_522 = arith.constant 0 : i32
        %dma_start3A_523 = tpu.memref_slice %arg5[%add3A_455, %dma_start3A_522] : memref<106496x64xf32, #tpu.memory_space<hbm>> -> memref<32x64xf32, #tpu.memory_space<hbm>>
        %dma_start3A_524 = arith.constant 0 : i32
        %dma_start3A_525 = tpu.memref_slice %arg5[%add3A_455, %dma_start3A_524] : memref<106496x64xf32, #tpu.memory_space<hbm>> -> memref<32x64xf32, #tpu.memory_space<hbm>>
        tpu.enqueue_dma source(%arg10 : memref<32x64xf32, #tpu.memory_space<vmem>>) target(%dma_start3A_525 : memref<32x64xf32, #tpu.memory_space<hbm>>) target_semaphore(%run_scoped3A : memref<!tpu.dma_semaphore, #tpu.memory_space<semaphore_mem>>)
        %dma_wait3A_526 = arith.constant 0 : i32
        %dma_wait3A_527 = tpu.memref_slice %arg5[%add3A_455, %dma_wait3A_526] : memref<106496x64xf32, #tpu.memory_space<hbm>> -> memref<32x64xf32, #tpu.memory_space<hbm>>
        %dma_wait3A_528 = arith.constant 0 : i32
        %dma_wait3A_529 = tpu.memref_slice %arg5[%add3A_455, %dma_wait3A_528] : memref<106496x64xf32, #tpu.memory_space<hbm>> -> memref<32x64xf32, #tpu.memory_space<hbm>>
        tpu.wait_dma2 semaphore(%run_scoped3A : memref<!tpu.dma_semaphore, #tpu.memory_space<semaphore_mem>>) src(%arg10 : memref<32x64xf32, #tpu.memory_space<vmem>>) dst(%dma_wait3A_529 : memref<32x64xf32, #tpu.memory_space<hbm>>)
        tpu.yield
      }) : () -> ()
      %add3A_461 = arith.constant 1 : i32
      %add3A_462 = arith.addi %add3A_409, %add3A_461 : i32
      %add3A_463 = arith.constant 1 : i32
      %add3A_464 = arith.addi %add3A_462, %add3A_463 : i32
      %lt3A_465 = arith.constant 104 : i32
      %lt3A_466 = arith.cmpi slt, %add3A_464, %lt3A_465 : i32
      %convert_element_type3A_467 = arith.extui %lt3A_466 : i1 to i32
      %cond3A_468 = arith.constant 0 : i32
      %cond3A_469 = arith.cmpi ne, %convert_element_type3A_467, %cond3A_468 : i32
      scf.if %cond3A_469 {
        %jit3A_522 = arith.constant 4 : i32
        %div3A_523 = arith.divsi %add3A_464, %jit3A_522 : i32
        %sign3A_524 = arith.constant 0 : i32
        %sign3A_525 = arith.cmpi sgt, %add3A_464, %sign3A_524 : i32
        %sign3A_526 = arith.extui %sign3A_525 : i1 to i32
        %sign3A_527 = arith.constant 0 : i32
        %sign3A_528 = arith.cmpi slt, %add3A_464, %sign3A_527 : i32
        %sign3A_529 = arith.extui %sign3A_528 : i1 to i32
        %sign3A_530 = arith.subi %sign3A_526, %sign3A_529 : i32
        %sign3A_531 = arith.constant 0 : i32
        %sign3A_532 = arith.cmpi sgt, %jit3A_522, %sign3A_531 : i32
        %sign3A_533 = arith.extui %sign3A_532 : i1 to i32
        %sign3A_534 = arith.constant 0 : i32
        %sign3A_535 = arith.cmpi slt, %jit3A_522, %sign3A_534 : i32
        %sign3A_536 = arith.extui %sign3A_535 : i1 to i32
        %sign3A_537 = arith.subi %sign3A_533, %sign3A_536 : i32
        %ne3A_538 = arith.cmpi ne, %sign3A_530, %sign3A_537 : i32
        %rem3A_539 = arith.remsi %add3A_464, %jit3A_522 : i32
        %ne3A_540 = arith.constant 0 : i32
        %ne3A_541 = arith.cmpi ne, %rem3A_539, %ne3A_540 : i32
        %and3A_542 = arith.andi %ne3A_538, %ne3A_541 : i1
        %sub3A_543 = arith.constant 1 : i32
        %sub3A_544 = arith.subi %div3A_523, %sub3A_543 : i32
        %select_n3A_545 = arith.select %and3A_542, %sub3A_544, %div3A_523 : i32
        %rem3A_546 = arith.constant 4 : i32
        %rem3A_547 = arith.remsi %add3A_464, %rem3A_546 : i32
        %mul3A_548 = arith.constant 4096 : i32
        %mul3A_549 = arith.muli %select_n3A_545, %mul3A_548 : i32
        %mul3A_550 = arith.constant 128 : i32
        %mul3A_551 = arith.muli %add3A, %mul3A_550 : i32
        %add3A_552 = arith.addi %mul3A_549, %mul3A_551 : i32
        %mul3A_553 = arith.constant 32 : i32
        %mul3A_554 = arith.muli %rem3A_547, %mul3A_553 : i32
        %add3A_555 = arith.addi %add3A_552, %mul3A_554 : i32
        %dma_wait3A_556 = arith.constant 0 : i32
        %dma_wait3A_557 = tpu.memref_slice %arg2[%dma_wait3A_556] : memref<2129920xi32, #tpu.memory_space<hbm>> -> memref<640xi32, #tpu.memory_space<hbm>>
        %dma_wait3A_558 = arith.constant 0 : i32
        %dma_wait3A_559 = tpu.memref_slice %arg2[%dma_wait3A_558] : memref<2129920xi32, #tpu.memory_space<hbm>> -> memref<640xi32, #tpu.memory_space<hbm>>
        tpu.wait_dma2 semaphore(%arg14 : memref<!tpu.dma_semaphore, #tpu.memory_space<semaphore_mem>>) src(%dma_wait3A_559 : memref<640xi32, #tpu.memory_space<hbm>>) dst(%arg6 : memref<640xi32, #tpu.memory_space<vmem>>)
        %mul3A_560 = arith.constant 16 : i32
        %mul3A_561 = arith.muli %select_n3A_545, %mul3A_560 : i32
        %get3A_562 = arith.index_cast %mul3A_561 : i32 to index
        %get3A_563 = tpu.vector_load %arg11[%get3A_562] {strides = array<i32>} : memref<512xi32, #tpu.memory_space<vmem>>, vector<16xi32>,
        %get3A_564 = vector.shape_cast %get3A_563 : vector<16xi32> to vector<16xi32>
        %get3A_565 = arith.constant 0 : index
        %get3A_566 = tpu.vector_load %arg6[%get3A_565] {strides = array<i32>} : memref<640xi32, #tpu.memory_space<vmem>>, vector<16xi32>,
        %get3A_567 = vector.shape_cast %get3A_566 : vector<16xi32> to vector<16xi32>
        %add3A_568 = arith.addi %get3A_567, %get3A_564 : vector<16xi32>
        %swap3A_569 = arith.constant 0 : index
        %swap3A_570 = tpu.vector_load %arg6[%swap3A_569] {strides = array<i32>} : memref<640xi32, #tpu.memory_space<vmem>>, vector<16xi32>,
        %swap3A_571 = vector.shape_cast %swap3A_570 : vector<16xi32> to vector<16xi32>
        %swap3A_572 = vector.shape_cast %add3A_568 : vector<16xi32> to vector<16xi32>
        tpu.vector_store %arg6[%swap3A_569], %swap3A_572 {strides = array<i32>} : memref<640xi32, #tpu.memory_space<vmem>>, vector<16xi32>,
        %get3A_573 = arith.constant 16 : index
        %get3A_574 = tpu.vector_load %arg6[%get3A_573] {strides = array<i32>} : memref<640xi32, #tpu.memory_space<vmem>>, vector<16xi32>,
        %get3A_575 = vector.shape_cast %get3A_574 : vector<16xi32> to vector<16xi32>
        %add3A_576 = arith.addi %get3A_575, %get3A_564 : vector<16xi32>
        %swap3A_577 = arith.constant 16 : index
        %swap3A_578 = tpu.vector_load %arg6[%swap3A_577] {strides = array<i32>} : memref<640xi32, #tpu.memory_space<vmem>>, vector<16xi32>,
        %swap3A_579 = vector.shape_cast %swap3A_578 : vector<16xi32> to vector<16xi32>
        %swap3A_580 = vector.shape_cast %add3A_576 : vector<16xi32> to vector<16xi32>
        tpu.vector_store %arg6[%swap3A_577], %swap3A_580 {strides = array<i32>} : memref<640xi32, #tpu.memory_space<vmem>>, vector<16xi32>,
        %get3A_581 = arith.constant 32 : index
        %get3A_582 = tpu.vector_load %arg6[%get3A_581] {strides = array<i32>} : memref<640xi32, #tpu.memory_space<vmem>>, vector<16xi32>,
        %get3A_583 = vector.shape_cast %get3A_582 : vector<16xi32> to vector<16xi32>
        %add3A_584 = arith.addi %get3A_583, %get3A_564 : vector<16xi32>
        %swap3A_585 = arith.constant 32 : index
        %swap3A_586 = tpu.vector_load %arg6[%swap3A_585] {strides = array<i32>} : memref<640xi32, #tpu.memory_space<vmem>>, vector<16xi32>,
        %swap3A_587 = vector.shape_cast %swap3A_586 : vector<16xi32> to vector<16xi32>
        %swap3A_588 = vector.shape_cast %add3A_584 : vector<16xi32> to vector<16xi32>
        tpu.vector_store %arg6[%swap3A_585], %swap3A_588 {strides = array<i32>} : memref<640xi32, #tpu.memory_space<vmem>>, vector<16xi32>,
        %get3A_589 = arith.constant 48 : index
        %get3A_590 = tpu.vector_load %arg6[%get3A_589] {strides = array<i32>} : memref<640xi32, #tpu.memory_space<vmem>>, vector<16xi32>,
        %get3A_591 = vector.shape_cast %get3A_590 : vector<16xi32> to vector<16xi32>
        %add3A_592 = arith.addi %get3A_591, %get3A_564 : vector<16xi32>
        %swap3A_593 = arith.constant 48 : index
        %swap3A_594 = tpu.vector_load %arg6[%swap3A_593] {strides = array<i32>} : memref<640xi32, #tpu.memory_space<vmem>>, vector<16xi32>,
        %swap3A_595 = vector.shape_cast %swap3A_594 : vector<16xi32> to vector<16xi32>
        %swap3A_596 = vector.shape_cast %add3A_592 : vector<16xi32> to vector<16xi32>
        tpu.vector_store %arg6[%swap3A_593], %swap3A_596 {strides = array<i32>} : memref<640xi32, #tpu.memory_space<vmem>>, vector<16xi32>,
        %get3A_597 = arith.constant 64 : index
        %get3A_598 = tpu.vector_load %arg6[%get3A_597] {strides = array<i32>} : memref<640xi32, #tpu.memory_space<vmem>>, vector<16xi32>,
        %get3A_599 = vector.shape_cast %get3A_598 : vector<16xi32> to vector<16xi32>
        %add3A_600 = arith.addi %get3A_599, %get3A_564 : vector<16xi32>
        %swap3A_601 = arith.constant 64 : index
        %swap3A_602 = tpu.vector_load %arg6[%swap3A_601] {strides = array<i32>} : memref<640xi32, #tpu.memory_space<vmem>>, vector<16xi32>,
        %swap3A_603 = vector.shape_cast %swap3A_602 : vector<16xi32> to vector<16xi32>
        %swap3A_604 = vector.shape_cast %add3A_600 : vector<16xi32> to vector<16xi32>
        tpu.vector_store %arg6[%swap3A_601], %swap3A_604 {strides = array<i32>} : memref<640xi32, #tpu.memory_space<vmem>>, vector<16xi32>,
        %get3A_605 = arith.constant 80 : index
        %get3A_606 = tpu.vector_load %arg6[%get3A_605] {strides = array<i32>} : memref<640xi32, #tpu.memory_space<vmem>>, vector<16xi32>,
        %get3A_607 = vector.shape_cast %get3A_606 : vector<16xi32> to vector<16xi32>
        %add3A_608 = arith.addi %get3A_607, %get3A_564 : vector<16xi32>
        %swap3A_609 = arith.constant 80 : index
        %swap3A_610 = tpu.vector_load %arg6[%swap3A_609] {strides = array<i32>} : memref<640xi32, #tpu.memory_space<vmem>>, vector<16xi32>,
        %swap3A_611 = vector.shape_cast %swap3A_610 : vector<16xi32> to vector<16xi32>
        %swap3A_612 = vector.shape_cast %add3A_608 : vector<16xi32> to vector<16xi32>
        tpu.vector_store %arg6[%swap3A_609], %swap3A_612 {strides = array<i32>} : memref<640xi32, #tpu.memory_space<vmem>>, vector<16xi32>,
        %get3A_613 = arith.constant 96 : index
        %get3A_614 = tpu.vector_load %arg6[%get3A_613] {strides = array<i32>} : memref<640xi32, #tpu.memory_space<vmem>>, vector<16xi32>,
        %get3A_615 = vector.shape_cast %get3A_614 : vector<16xi32> to vector<16xi32>
        %add3A_616 = arith.addi %get3A_615, %get3A_564 : vector<16xi32>
        %swap3A_617 = arith.constant 96 : index
        %swap3A_618 = tpu.vector_load %arg6[%swap3A_617] {strides = array<i32>} : memref<640xi32, #tpu.memory_space<vmem>>, vector<16xi32>,
        %swap3A_619 = vector.shape_cast %swap3A_618 : vector<16xi32> to vector<16xi32>
        %swap3A_620 = vector.shape_cast %add3A_616 : vector<16xi32> to vector<16xi32>
        tpu.vector_store %arg6[%swap3A_617], %swap3A_620 {strides = array<i32>} : memref<640xi32, #tpu.memory_space<vmem>>, vector<16xi32>,
        %get3A_621 = arith.constant 112 : index
        %get3A_622 = tpu.vector_load %arg6[%get3A_621] {strides = array<i32>} : memref<640xi32, #tpu.memory_space<vmem>>, vector<16xi32>,
        %get3A_623 = vector.shape_cast %get3A_622 : vector<16xi32> to vector<16xi32>
        %add3A_624 = arith.addi %get3A_623, %get3A_564 : vector<16xi32>
        %swap3A_625 = arith.constant 112 : index
        %swap3A_626 = tpu.vector_load %arg6[%swap3A_625] {strides = array<i32>} : memref<640xi32, #tpu.memory_space<vmem>>, vector<16xi32>,
        %swap3A_627 = vector.shape_cast %swap3A_626 : vector<16xi32> to vector<16xi32>
        %swap3A_628 = vector.shape_cast %add3A_624 : vector<16xi32> to vector<16xi32>
        tpu.vector_store %arg6[%swap3A_625], %swap3A_628 {strides = array<i32>} : memref<640xi32, #tpu.memory_space<vmem>>, vector<16xi32>,
        %get3A_629 = arith.constant 128 : index
        %get3A_630 = tpu.vector_load %arg6[%get3A_629] {strides = array<i32>} : memref<640xi32, #tpu.memory_space<vmem>>, vector<16xi32>,
        %get3A_631 = vector.shape_cast %get3A_630 : vector<16xi32> to vector<16xi32>
        %add3A_632 = arith.addi %get3A_631, %get3A_564 : vector<16xi32>
        %swap3A_633 = arith.constant 128 : index
        %swap3A_634 = tpu.vector_load %arg6[%swap3A_633] {strides = array<i32>} : memref<640xi32, #tpu.memory_space<vmem>>, vector<16xi32>,
        %swap3A_635 = vector.shape_cast %swap3A_634 : vector<16xi32> to vector<16xi32>
        %swap3A_636 = vector.shape_cast %add3A_632 : vector<16xi32> to vector<16xi32>
        tpu.vector_store %arg6[%swap3A_633], %swap3A_636 {strides = array<i32>} : memref<640xi32, #tpu.memory_space<vmem>>, vector<16xi32>,
        %get3A_637 = arith.constant 144 : index
        %get3A_638 = tpu.vector_load %arg6[%get3A_637] {strides = array<i32>} : memref<640xi32, #tpu.memory_space<vmem>>, vector<16xi32>,
        %get3A_639 = vector.shape_cast %get3A_638 : vector<16xi32> to vector<16xi32>
        %add3A_640 = arith.addi %get3A_639, %get3A_564 : vector<16xi32>
        %swap3A_641 = arith.constant 144 : index
        %swap3A_642 = tpu.vector_load %arg6[%swap3A_641] {strides = array<i32>} : memref<640xi32, #tpu.memory_space<vmem>>, vector<16xi32>,
        %swap3A_643 = vector.shape_cast %swap3A_642 : vector<16xi32> to vector<16xi32>
        %swap3A_644 = vector.shape_cast %add3A_640 : vector<16xi32> to vector<16xi32>
        tpu.vector_store %arg6[%swap3A_641], %swap3A_644 {strides = array<i32>} : memref<640xi32, #tpu.memory_space<vmem>>, vector<16xi32>,
        %get3A_645 = arith.constant 160 : index
        %get3A_646 = tpu.vector_load %arg6[%get3A_645] {strides = array<i32>} : memref<640xi32, #tpu.memory_space<vmem>>, vector<16xi32>,
        %get3A_647 = vector.shape_cast %get3A_646 : vector<16xi32> to vector<16xi32>
        %add3A_648 = arith.addi %get3A_647, %get3A_564 : vector<16xi32>
        %swap3A_649 = arith.constant 160 : index
        %swap3A_650 = tpu.vector_load %arg6[%swap3A_649] {strides = array<i32>} : memref<640xi32, #tpu.memory_space<vmem>>, vector<16xi32>,
        %swap3A_651 = vector.shape_cast %swap3A_650 : vector<16xi32> to vector<16xi32>
        %swap3A_652 = vector.shape_cast %add3A_648 : vector<16xi32> to vector<16xi32>
        tpu.vector_store %arg6[%swap3A_649], %swap3A_652 {strides = array<i32>} : memref<640xi32, #tpu.memory_space<vmem>>, vector<16xi32>,
        %get3A_653 = arith.constant 176 : index
        %get3A_654 = tpu.vector_load %arg6[%get3A_653] {strides = array<i32>} : memref<640xi32, #tpu.memory_space<vmem>>, vector<16xi32>,
        %get3A_655 = vector.shape_cast %get3A_654 : vector<16xi32> to vector<16xi32>
        %add3A_656 = arith.addi %get3A_655, %get3A_564 : vector<16xi32>
        %swap3A_657 = arith.constant 176 : index
        %swap3A_658 = tpu.vector_load %arg6[%swap3A_657] {strides = array<i32>} : memref<640xi32, #tpu.memory_space<vmem>>, vector<16xi32>,
        %swap3A_659 = vector.shape_cast %swap3A_658 : vector<16xi32> to vector<16xi32>
        %swap3A_660 = vector.shape_cast %add3A_656 : vector<16xi32> to vector<16xi32>
        tpu.vector_store %arg6[%swap3A_657], %swap3A_660 {strides = array<i32>} : memref<640xi32, #tpu.memory_space<vmem>>, vector<16xi32>,
        %get3A_661 = arith.constant 192 : index
        %get3A_662 = tpu.vector_load %arg6[%get3A_661] {strides = array<i32>} : memref<640xi32, #tpu.memory_space<vmem>>, vector<16xi32>,
        %get3A_663 = vector.shape_cast %get3A_662 : vector<16xi32> to vector<16xi32>
        %add3A_664 = arith.addi %get3A_663, %get3A_564 : vector<16xi32>
        %swap3A_665 = arith.constant 192 : index
        %swap3A_666 = tpu.vector_load %arg6[%swap3A_665] {strides = array<i32>} : memref<640xi32, #tpu.memory_space<vmem>>, vector<16xi32>,
        %swap3A_667 = vector.shape_cast %swap3A_666 : vector<16xi32> to vector<16xi32>
        %swap3A_668 = vector.shape_cast %add3A_664 : vector<16xi32> to vector<16xi32>
        tpu.vector_store %arg6[%swap3A_665], %swap3A_668 {strides = array<i32>} : memref<640xi32, #tpu.memory_space<vmem>>, vector<16xi32>,
        %get3A_669 = arith.constant 208 : index
        %get3A_670 = tpu.vector_load %arg6[%get3A_669] {strides = array<i32>} : memref<640xi32, #tpu.memory_space<vmem>>, vector<16xi32>,
        %get3A_671 = vector.shape_cast %get3A_670 : vector<16xi32> to vector<16xi32>
        %add3A_672 = arith.addi %get3A_671, %get3A_564 : vector<16xi32>
        %swap3A_673 = arith.constant 208 : index
        %swap3A_674 = tpu.vector_load %arg6[%swap3A_673] {strides = array<i32>} : memref<640xi32, #tpu.memory_space<vmem>>, vector<16xi32>,
        %swap3A_675 = vector.shape_cast %swap3A_674 : vector<16xi32> to vector<16xi32>
        %swap3A_676 = vector.shape_cast %add3A_672 : vector<16xi32> to vector<16xi32>
        tpu.vector_store %arg6[%swap3A_673], %swap3A_676 {strides = array<i32>} : memref<640xi32, #tpu.memory_space<vmem>>, vector<16xi32>,
        %get3A_677 = arith.constant 224 : index
        %get3A_678 = tpu.vector_load %arg6[%get3A_677] {strides = array<i32>} : memref<640xi32, #tpu.memory_space<vmem>>, vector<16xi32>,
        %get3A_679 = vector.shape_cast %get3A_678 : vector<16xi32> to vector<16xi32>
        %add3A_680 = arith.addi %get3A_679, %get3A_564 : vector<16xi32>
        %swap3A_681 = arith.constant 224 : index
        %swap3A_682 = tpu.vector_load %arg6[%swap3A_681] {strides = array<i32>} : memref<640xi32, #tpu.memory_space<vmem>>, vector<16xi32>,
        %swap3A_683 = vector.shape_cast %swap3A_682 : vector<16xi32> to vector<16xi32>
        %swap3A_684 = vector.shape_cast %add3A_680 : vector<16xi32> to vector<16xi32>
        tpu.vector_store %arg6[%swap3A_681], %swap3A_684 {strides = array<i32>} : memref<640xi32, #tpu.memory_space<vmem>>, vector<16xi32>,
        %get3A_685 = arith.constant 240 : index
        %get3A_686 = tpu.vector_load %arg6[%get3A_685] {strides = array<i32>} : memref<640xi32, #tpu.memory_space<vmem>>, vector<16xi32>,
        %get3A_687 = vector.shape_cast %get3A_686 : vector<16xi32> to vector<16xi32>
        %add3A_688 = arith.addi %get3A_687, %get3A_564 : vector<16xi32>
        %swap3A_689 = arith.constant 240 : index
        %swap3A_690 = tpu.vector_load %arg6[%swap3A_689] {strides = array<i32>} : memref<640xi32, #tpu.memory_space<vmem>>, vector<16xi32>,
        %swap3A_691 = vector.shape_cast %swap3A_690 : vector<16xi32> to vector<16xi32>
        %swap3A_692 = vector.shape_cast %add3A_688 : vector<16xi32> to vector<16xi32>
        tpu.vector_store %arg6[%swap3A_689], %swap3A_692 {strides = array<i32>} : memref<640xi32, #tpu.memory_space<vmem>>, vector<16xi32>,
        %get3A_693 = arith.constant 256 : index
        %get3A_694 = tpu.vector_load %arg6[%get3A_693] {strides = array<i32>} : memref<640xi32, #tpu.memory_space<vmem>>, vector<16xi32>,
        %get3A_695 = vector.shape_cast %get3A_694 : vector<16xi32> to vector<16xi32>
        %add3A_696 = arith.addi %get3A_695, %get3A_564 : vector<16xi32>
        %swap3A_697 = arith.constant 256 : index
        %swap3A_698 = tpu.vector_load %arg6[%swap3A_697] {strides = array<i32>} : memref<640xi32, #tpu.memory_space<vmem>>, vector<16xi32>,
        %swap3A_699 = vector.shape_cast %swap3A_698 : vector<16xi32> to vector<16xi32>
        %swap3A_700 = vector.shape_cast %add3A_696 : vector<16xi32> to vector<16xi32>
        tpu.vector_store %arg6[%swap3A_697], %swap3A_700 {strides = array<i32>} : memref<640xi32, #tpu.memory_space<vmem>>, vector<16xi32>,
        %get3A_701 = arith.constant 272 : index
        %get3A_702 = tpu.vector_load %arg6[%get3A_701] {strides = array<i32>} : memref<640xi32, #tpu.memory_space<vmem>>, vector<16xi32>,
        %get3A_703 = vector.shape_cast %get3A_702 : vector<16xi32> to vector<16xi32>
        %add3A_704 = arith.addi %get3A_703, %get3A_564 : vector<16xi32>
        %swap3A_705 = arith.constant 272 : index
        %swap3A_706 = tpu.vector_load %arg6[%swap3A_705] {strides = array<i32>} : memref<640xi32, #tpu.memory_space<vmem>>, vector<16xi32>,
        %swap3A_707 = vector.shape_cast %swap3A_706 : vector<16xi32> to vector<16xi32>
        %swap3A_708 = vector.shape_cast %add3A_704 : vector<16xi32> to vector<16xi32>
        tpu.vector_store %arg6[%swap3A_705], %swap3A_708 {strides = array<i32>} : memref<640xi32, #tpu.memory_space<vmem>>, vector<16xi32>,
        %get3A_709 = arith.constant 288 : index
        %get3A_710 = tpu.vector_load %arg6[%get3A_709] {strides = array<i32>} : memref<640xi32, #tpu.memory_space<vmem>>, vector<16xi32>,
        %get3A_711 = vector.shape_cast %get3A_710 : vector<16xi32> to vector<16xi32>
        %add3A_712 = arith.addi %get3A_711, %get3A_564 : vector<16xi32>
        %swap3A_713 = arith.constant 288 : index
        %swap3A_714 = tpu.vector_load %arg6[%swap3A_713] {strides = array<i32>} : memref<640xi32, #tpu.memory_space<vmem>>, vector<16xi32>,
        %swap3A_715 = vector.shape_cast %swap3A_714 : vector<16xi32> to vector<16xi32>
        %swap3A_716 = vector.shape_cast %add3A_712 : vector<16xi32> to vector<16xi32>
        tpu.vector_store %arg6[%swap3A_713], %swap3A_716 {strides = array<i32>} : memref<640xi32, #tpu.memory_space<vmem>>, vector<16xi32>,
        %get3A_717 = arith.constant 304 : index
        %get3A_718 = tpu.vector_load %arg6[%get3A_717] {strides = array<i32>} : memref<640xi32, #tpu.memory_space<vmem>>, vector<16xi32>,
        %get3A_719 = vector.shape_cast %get3A_718 : vector<16xi32> to vector<16xi32>
        %add3A_720 = arith.addi %get3A_719, %get3A_564 : vector<16xi32>
        %swap3A_721 = arith.constant 304 : index
        %swap3A_722 = tpu.vector_load %arg6[%swap3A_721] {strides = array<i32>} : memref<640xi32, #tpu.memory_space<vmem>>, vector<16xi32>,
        %swap3A_723 = vector.shape_cast %swap3A_722 : vector<16xi32> to vector<16xi32>
        %swap3A_724 = vector.shape_cast %add3A_720 : vector<16xi32> to vector<16xi32>
        tpu.vector_store %arg6[%swap3A_721], %swap3A_724 {strides = array<i32>} : memref<640xi32, #tpu.memory_space<vmem>>, vector<16xi32>,
        %get3A_725 = arith.constant 320 : index
        %get3A_726 = tpu.vector_load %arg6[%get3A_725] {strides = array<i32>} : memref<640xi32, #tpu.memory_space<vmem>>, vector<16xi32>,
        %get3A_727 = vector.shape_cast %get3A_726 : vector<16xi32> to vector<16xi32>
        %add3A_728 = arith.addi %get3A_727, %get3A_564 : vector<16xi32>
        %swap3A_729 = arith.constant 320 : index
        %swap3A_730 = tpu.vector_load %arg6[%swap3A_729] {strides = array<i32>} : memref<640xi32, #tpu.memory_space<vmem>>, vector<16xi32>,
        %swap3A_731 = vector.shape_cast %swap3A_730 : vector<16xi32> to vector<16xi32>
        %swap3A_732 = vector.shape_cast %add3A_728 : vector<16xi32> to vector<16xi32>
        tpu.vector_store %arg6[%swap3A_729], %swap3A_732 {strides = array<i32>} : memref<640xi32, #tpu.memory_space<vmem>>, vector<16xi32>,
        %get3A_733 = arith.constant 336 : index
        %get3A_734 = tpu.vector_load %arg6[%get3A_733] {strides = array<i32>} : memref<640xi32, #tpu.memory_space<vmem>>, vector<16xi32>,
        %get3A_735 = vector.shape_cast %get3A_734 : vector<16xi32> to vector<16xi32>
        %add3A_736 = arith.addi %get3A_735, %get3A_564 : vector<16xi32>
        %swap3A_737 = arith.constant 336 : index
        %swap3A_738 = tpu.vector_load %arg6[%swap3A_737] {strides = array<i32>} : memref<640xi32, #tpu.memory_space<vmem>>, vector<16xi32>,
        %swap3A_739 = vector.shape_cast %swap3A_738 : vector<16xi32> to vector<16xi32>
        %swap3A_740 = vector.shape_cast %add3A_736 : vector<16xi32> to vector<16xi32>
        tpu.vector_store %arg6[%swap3A_737], %swap3A_740 {strides = array<i32>} : memref<640xi32, #tpu.memory_space<vmem>>, vector<16xi32>,
        %get3A_741 = arith.constant 352 : index
        %get3A_742 = tpu.vector_load %arg6[%get3A_741] {strides = array<i32>} : memref<640xi32, #tpu.memory_space<vmem>>, vector<16xi32>,
        %get3A_743 = vector.shape_cast %get3A_742 : vector<16xi32> to vector<16xi32>
        %add3A_744 = arith.addi %get3A_743, %get3A_564 : vector<16xi32>
        %swap3A_745 = arith.constant 352 : index
        %swap3A_746 = tpu.vector_load %arg6[%swap3A_745] {strides = array<i32>} : memref<640xi32, #tpu.memory_space<vmem>>, vector<16xi32>,
        %swap3A_747 = vector.shape_cast %swap3A_746 : vector<16xi32> to vector<16xi32>
        %swap3A_748 = vector.shape_cast %add3A_744 : vector<16xi32> to vector<16xi32>
        tpu.vector_store %arg6[%swap3A_745], %swap3A_748 {strides = array<i32>} : memref<640xi32, #tpu.memory_space<vmem>>, vector<16xi32>,
        %get3A_749 = arith.constant 368 : index
        %get3A_750 = tpu.vector_load %arg6[%get3A_749] {strides = array<i32>} : memref<640xi32, #tpu.memory_space<vmem>>, vector<16xi32>,
        %get3A_751 = vector.shape_cast %get3A_750 : vector<16xi32> to vector<16xi32>
        %add3A_752 = arith.addi %get3A_751, %get3A_564 : vector<16xi32>
        %swap3A_753 = arith.constant 368 : index
        %swap3A_754 = tpu.vector_load %arg6[%swap3A_753] {strides = array<i32>} : memref<640xi32, #tpu.memory_space<vmem>>, vector<16xi32>,
        %swap3A_755 = vector.shape_cast %swap3A_754 : vector<16xi32> to vector<16xi32>
        %swap3A_756 = vector.shape_cast %add3A_752 : vector<16xi32> to vector<16xi32>
        tpu.vector_store %arg6[%swap3A_753], %swap3A_756 {strides = array<i32>} : memref<640xi32, #tpu.memory_space<vmem>>, vector<16xi32>,
        %get3A_757 = arith.constant 384 : index
        %get3A_758 = tpu.vector_load %arg6[%get3A_757] {strides = array<i32>} : memref<640xi32, #tpu.memory_space<vmem>>, vector<16xi32>,
        %get3A_759 = vector.shape_cast %get3A_758 : vector<16xi32> to vector<16xi32>
        %add3A_760 = arith.addi %get3A_759, %get3A_564 : vector<16xi32>
        %swap3A_761 = arith.constant 384 : index
        %swap3A_762 = tpu.vector_load %arg6[%swap3A_761] {strides = array<i32>} : memref<640xi32, #tpu.memory_space<vmem>>, vector<16xi32>,
        %swap3A_763 = vector.shape_cast %swap3A_762 : vector<16xi32> to vector<16xi32>
        %swap3A_764 = vector.shape_cast %add3A_760 : vector<16xi32> to vector<16xi32>
        tpu.vector_store %arg6[%swap3A_761], %swap3A_764 {strides = array<i32>} : memref<640xi32, #tpu.memory_space<vmem>>, vector<16xi32>,
        %get3A_765 = arith.constant 400 : index
        %get3A_766 = tpu.vector_load %arg6[%get3A_765] {strides = array<i32>} : memref<640xi32, #tpu.memory_space<vmem>>, vector<16xi32>,
        %get3A_767 = vector.shape_cast %get3A_766 : vector<16xi32> to vector<16xi32>
        %add3A_768 = arith.addi %get3A_767, %get3A_564 : vector<16xi32>
        %swap3A_769 = arith.constant 400 : index
        %swap3A_770 = tpu.vector_load %arg6[%swap3A_769] {strides = array<i32>} : memref<640xi32, #tpu.memory_space<vmem>>, vector<16xi32>,
        %swap3A_771 = vector.shape_cast %swap3A_770 : vector<16xi32> to vector<16xi32>
        %swap3A_772 = vector.shape_cast %add3A_768 : vector<16xi32> to vector<16xi32>
        tpu.vector_store %arg6[%swap3A_769], %swap3A_772 {strides = array<i32>} : memref<640xi32, #tpu.memory_space<vmem>>, vector<16xi32>,
        %get3A_773 = arith.constant 416 : index
        %get3A_774 = tpu.vector_load %arg6[%get3A_773] {strides = array<i32>} : memref<640xi32, #tpu.memory_space<vmem>>, vector<16xi32>,
        %get3A_775 = vector.shape_cast %get3A_774 : vector<16xi32> to vector<16xi32>
        %add3A_776 = arith.addi %get3A_775, %get3A_564 : vector<16xi32>
        %swap3A_777 = arith.constant 416 : index
        %swap3A_778 = tpu.vector_load %arg6[%swap3A_777] {strides = array<i32>} : memref<640xi32, #tpu.memory_space<vmem>>, vector<16xi32>,
        %swap3A_779 = vector.shape_cast %swap3A_778 : vector<16xi32> to vector<16xi32>
        %swap3A_780 = vector.shape_cast %add3A_776 : vector<16xi32> to vector<16xi32>
        tpu.vector_store %arg6[%swap3A_777], %swap3A_780 {strides = array<i32>} : memref<640xi32, #tpu.memory_space<vmem>>, vector<16xi32>,
        %get3A_781 = arith.constant 432 : index
        %get3A_782 = tpu.vector_load %arg6[%get3A_781] {strides = array<i32>} : memref<640xi32, #tpu.memory_space<vmem>>, vector<16xi32>,
        %get3A_783 = vector.shape_cast %get3A_782 : vector<16xi32> to vector<16xi32>
        %add3A_784 = arith.addi %get3A_783, %get3A_564 : vector<16xi32>
        %swap3A_785 = arith.constant 432 : index
        %swap3A_786 = tpu.vector_load %arg6[%swap3A_785] {strides = array<i32>} : memref<640xi32, #tpu.memory_space<vmem>>, vector<16xi32>,
        %swap3A_787 = vector.shape_cast %swap3A_786 : vector<16xi32> to vector<16xi32>
        %swap3A_788 = vector.shape_cast %add3A_784 : vector<16xi32> to vector<16xi32>
        tpu.vector_store %arg6[%swap3A_785], %swap3A_788 {strides = array<i32>} : memref<640xi32, #tpu.memory_space<vmem>>, vector<16xi32>,
        %get3A_789 = arith.constant 448 : index
        %get3A_790 = tpu.vector_load %arg6[%get3A_789] {strides = array<i32>} : memref<640xi32, #tpu.memory_space<vmem>>, vector<16xi32>,
        %get3A_791 = vector.shape_cast %get3A_790 : vector<16xi32> to vector<16xi32>
        %add3A_792 = arith.addi %get3A_791, %get3A_564 : vector<16xi32>
        %swap3A_793 = arith.constant 448 : index
        %swap3A_794 = tpu.vector_load %arg6[%swap3A_793] {strides = array<i32>} : memref<640xi32, #tpu.memory_space<vmem>>, vector<16xi32>,
        %swap3A_795 = vector.shape_cast %swap3A_794 : vector<16xi32> to vector<16xi32>
        %swap3A_796 = vector.shape_cast %add3A_792 : vector<16xi32> to vector<16xi32>
        tpu.vector_store %arg6[%swap3A_793], %swap3A_796 {strides = array<i32>} : memref<640xi32, #tpu.memory_space<vmem>>, vector<16xi32>,
        %get3A_797 = arith.constant 464 : index
        %get3A_798 = tpu.vector_load %arg6[%get3A_797] {strides = array<i32>} : memref<640xi32, #tpu.memory_space<vmem>>, vector<16xi32>,
        %get3A_799 = vector.shape_cast %get3A_798 : vector<16xi32> to vector<16xi32>
        %add3A_800 = arith.addi %get3A_799, %get3A_564 : vector<16xi32>
        %swap3A_801 = arith.constant 464 : index
        %swap3A_802 = tpu.vector_load %arg6[%swap3A_801] {strides = array<i32>} : memref<640xi32, #tpu.memory_space<vmem>>, vector<16xi32>,
        %swap3A_803 = vector.shape_cast %swap3A_802 : vector<16xi32> to vector<16xi32>
        %swap3A_804 = vector.shape_cast %add3A_800 : vector<16xi32> to vector<16xi32>
        tpu.vector_store %arg6[%swap3A_801], %swap3A_804 {strides = array<i32>} : memref<640xi32, #tpu.memory_space<vmem>>, vector<16xi32>,
        %get3A_805 = arith.constant 480 : index
        %get3A_806 = tpu.vector_load %arg6[%get3A_805] {strides = array<i32>} : memref<640xi32, #tpu.memory_space<vmem>>, vector<16xi32>,
        %get3A_807 = vector.shape_cast %get3A_806 : vector<16xi32> to vector<16xi32>
        %add3A_808 = arith.addi %get3A_807, %get3A_564 : vector<16xi32>
        %swap3A_809 = arith.constant 480 : index
        %swap3A_810 = tpu.vector_load %arg6[%swap3A_809] {strides = array<i32>} : memref<640xi32, #tpu.memory_space<vmem>>, vector<16xi32>,
        %swap3A_811 = vector.shape_cast %swap3A_810 : vector<16xi32> to vector<16xi32>
        %swap3A_812 = vector.shape_cast %add3A_808 : vector<16xi32> to vector<16xi32>
        tpu.vector_store %arg6[%swap3A_809], %swap3A_812 {strides = array<i32>} : memref<640xi32, #tpu.memory_space<vmem>>, vector<16xi32>,
        %get3A_813 = arith.constant 496 : index
        %get3A_814 = tpu.vector_load %arg6[%get3A_813] {strides = array<i32>} : memref<640xi32, #tpu.memory_space<vmem>>, vector<16xi32>,
        %get3A_815 = vector.shape_cast %get3A_814 : vector<16xi32> to vector<16xi32>
        %add3A_816 = arith.addi %get3A_815, %get3A_564 : vector<16xi32>
        %swap3A_817 = arith.constant 496 : index
        %swap3A_818 = tpu.vector_load %arg6[%swap3A_817] {strides = array<i32>} : memref<640xi32, #tpu.memory_space<vmem>>, vector<16xi32>,
        %swap3A_819 = vector.shape_cast %swap3A_818 : vector<16xi32> to vector<16xi32>
        %swap3A_820 = vector.shape_cast %add3A_816 : vector<16xi32> to vector<16xi32>
        tpu.vector_store %arg6[%swap3A_817], %swap3A_820 {strides = array<i32>} : memref<640xi32, #tpu.memory_space<vmem>>, vector<16xi32>,
        %get3A_821 = arith.constant 512 : index
        %get3A_822 = tpu.vector_load %arg6[%get3A_821] {strides = array<i32>} : memref<640xi32, #tpu.memory_space<vmem>>, vector<16xi32>,
        %get3A_823 = vector.shape_cast %get3A_822 : vector<16xi32> to vector<16xi32>
        %add3A_824 = arith.addi %get3A_823, %get3A_564 : vector<16xi32>
        %swap3A_825 = arith.constant 512 : index
        %swap3A_826 = tpu.vector_load %arg6[%swap3A_825] {strides = array<i32>} : memref<640xi32, #tpu.memory_space<vmem>>, vector<16xi32>,
        %swap3A_827 = vector.shape_cast %swap3A_826 : vector<16xi32> to vector<16xi32>
        %swap3A_828 = vector.shape_cast %add3A_824 : vector<16xi32> to vector<16xi32>
        tpu.vector_store %arg6[%swap3A_825], %swap3A_828 {strides = array<i32>} : memref<640xi32, #tpu.memory_space<vmem>>, vector<16xi32>,
        %get3A_829 = arith.constant 528 : index
        %get3A_830 = tpu.vector_load %arg6[%get3A_829] {strides = array<i32>} : memref<640xi32, #tpu.memory_space<vmem>>, vector<16xi32>,
        %get3A_831 = vector.shape_cast %get3A_830 : vector<16xi32> to vector<16xi32>
        %add3A_832 = arith.addi %get3A_831, %get3A_564 : vector<16xi32>
        %swap3A_833 = arith.constant 528 : index
        %swap3A_834 = tpu.vector_load %arg6[%swap3A_833] {strides = array<i32>} : memref<640xi32, #tpu.memory_space<vmem>>, vector<16xi32>,
        %swap3A_835 = vector.shape_cast %swap3A_834 : vector<16xi32> to vector<16xi32>
        %swap3A_836 = vector.shape_cast %add3A_832 : vector<16xi32> to vector<16xi32>
        tpu.vector_store %arg6[%swap3A_833], %swap3A_836 {strides = array<i32>} : memref<640xi32, #tpu.memory_space<vmem>>, vector<16xi32>,
        %get3A_837 = arith.constant 544 : index
        %get3A_838 = tpu.vector_load %arg6[%get3A_837] {strides = array<i32>} : memref<640xi32, #tpu.memory_space<vmem>>, vector<16xi32>,
        %get3A_839 = vector.shape_cast %get3A_838 : vector<16xi32> to vector<16xi32>
        %add3A_840 = arith.addi %get3A_839, %get3A_564 : vector<16xi32>
        %swap3A_841 = arith.constant 544 : index
        %swap3A_842 = tpu.vector_load %arg6[%swap3A_841] {strides = array<i32>} : memref<640xi32, #tpu.memory_space<vmem>>, vector<16xi32>,
        %swap3A_843 = vector.shape_cast %swap3A_842 : vector<16xi32> to vector<16xi32>
        %swap3A_844 = vector.shape_cast %add3A_840 : vector<16xi32> to vector<16xi32>
        tpu.vector_store %arg6[%swap3A_841], %swap3A_844 {strides = array<i32>} : memref<640xi32, #tpu.memory_space<vmem>>, vector<16xi32>,
        %get3A_845 = arith.constant 560 : index
        %get3A_846 = tpu.vector_load %arg6[%get3A_845] {strides = array<i32>} : memref<640xi32, #tpu.memory_space<vmem>>, vector<16xi32>,
        %get3A_847 = vector.shape_cast %get3A_846 : vector<16xi32> to vector<16xi32>
        %add3A_848 = arith.addi %get3A_847, %get3A_564 : vector<16xi32>
        %swap3A_849 = arith.constant 560 : index
        %swap3A_850 = tpu.vector_load %arg6[%swap3A_849] {strides = array<i32>} : memref<640xi32, #tpu.memory_space<vmem>>, vector<16xi32>,
        %swap3A_851 = vector.shape_cast %swap3A_850 : vector<16xi32> to vector<16xi32>
        %swap3A_852 = vector.shape_cast %add3A_848 : vector<16xi32> to vector<16xi32>
        tpu.vector_store %arg6[%swap3A_849], %swap3A_852 {strides = array<i32>} : memref<640xi32, #tpu.memory_space<vmem>>, vector<16xi32>,
        %get3A_853 = arith.constant 576 : index
        %get3A_854 = tpu.vector_load %arg6[%get3A_853] {strides = array<i32>} : memref<640xi32, #tpu.memory_space<vmem>>, vector<16xi32>,
        %get3A_855 = vector.shape_cast %get3A_854 : vector<16xi32> to vector<16xi32>
        %add3A_856 = arith.addi %get3A_855, %get3A_564 : vector<16xi32>
        %swap3A_857 = arith.constant 576 : index
        %swap3A_858 = tpu.vector_load %arg6[%swap3A_857] {strides = array<i32>} : memref<640xi32, #tpu.memory_space<vmem>>, vector<16xi32>,
        %swap3A_859 = vector.shape_cast %swap3A_858 : vector<16xi32> to vector<16xi32>
        %swap3A_860 = vector.shape_cast %add3A_856 : vector<16xi32> to vector<16xi32>
        tpu.vector_store %arg6[%swap3A_857], %swap3A_860 {strides = array<i32>} : memref<640xi32, #tpu.memory_space<vmem>>, vector<16xi32>,
        %get3A_861 = arith.constant 592 : index
        %get3A_862 = tpu.vector_load %arg6[%get3A_861] {strides = array<i32>} : memref<640xi32, #tpu.memory_space<vmem>>, vector<16xi32>,
        %get3A_863 = vector.shape_cast %get3A_862 : vector<16xi32> to vector<16xi32>
        %add3A_864 = arith.addi %get3A_863, %get3A_564 : vector<16xi32>
        %swap3A_865 = arith.constant 592 : index
        %swap3A_866 = tpu.vector_load %arg6[%swap3A_865] {strides = array<i32>} : memref<640xi32, #tpu.memory_space<vmem>>, vector<16xi32>,
        %swap3A_867 = vector.shape_cast %swap3A_866 : vector<16xi32> to vector<16xi32>
        %swap3A_868 = vector.shape_cast %add3A_864 : vector<16xi32> to vector<16xi32>
        tpu.vector_store %arg6[%swap3A_865], %swap3A_868 {strides = array<i32>} : memref<640xi32, #tpu.memory_space<vmem>>, vector<16xi32>,
        %get3A_869 = arith.constant 608 : index
        %get3A_870 = tpu.vector_load %arg6[%get3A_869] {strides = array<i32>} : memref<640xi32, #tpu.memory_space<vmem>>, vector<16xi32>,
        %get3A_871 = vector.shape_cast %get3A_870 : vector<16xi32> to vector<16xi32>
        %add3A_872 = arith.addi %get3A_871, %get3A_564 : vector<16xi32>
        %swap3A_873 = arith.constant 608 : index
        %swap3A_874 = tpu.vector_load %arg6[%swap3A_873] {strides = array<i32>} : memref<640xi32, #tpu.memory_space<vmem>>, vector<16xi32>,
        %swap3A_875 = vector.shape_cast %swap3A_874 : vector<16xi32> to vector<16xi32>
        %swap3A_876 = vector.shape_cast %add3A_872 : vector<16xi32> to vector<16xi32>
        tpu.vector_store %arg6[%swap3A_873], %swap3A_876 {strides = array<i32>} : memref<640xi32, #tpu.memory_space<vmem>>, vector<16xi32>,
        %get3A_877 = arith.constant 624 : index
        %get3A_878 = tpu.vector_load %arg6[%get3A_877] {strides = array<i32>} : memref<640xi32, #tpu.memory_space<vmem>>, vector<16xi32>,
        %get3A_879 = vector.shape_cast %get3A_878 : vector<16xi32> to vector<16xi32>
        %add3A_880 = arith.addi %get3A_879, %get3A_564 : vector<16xi32>
        %swap3A_881 = arith.constant 624 : index
        %swap3A_882 = tpu.vector_load %arg6[%swap3A_881] {strides = array<i32>} : memref<640xi32, #tpu.memory_space<vmem>>, vector<16xi32>,
        %swap3A_883 = vector.shape_cast %swap3A_882 : vector<16xi32> to vector<16xi32>
        %swap3A_884 = vector.shape_cast %add3A_880 : vector<16xi32> to vector<16xi32>
        tpu.vector_store %arg6[%swap3A_881], %swap3A_884 {strides = array<i32>} : memref<640xi32, #tpu.memory_space<vmem>>, vector<16xi32>,
        %dma_start3A_885 = arith.constant 0 : i32
        %dma_start3A_886 = arith.constant 0 : i32
        %dma_start3A_887 = tpu.memref_slice %arg8[%dma_start3A_885, %dma_start3A_886] : memref<640x64xf32, #tpu.memory_space<vmem>> -> memref<128x64xf32, #tpu.memory_space<vmem>>
        %dma_start3A_888 = arith.constant 0 : i32
        %dma_start3A_889 = tpu.memref_slice %arg6[%dma_start3A_888] : memref<640xi32, #tpu.memory_space<vmem>> -> memref<128xi32, #tpu.memory_space<vmem>>
        %dma_start3A_890 = arith.constant 0 : i32
        %dma_start3A_891 = arith.constant 0 : i32
        %dma_start3A_892 = tpu.memref_slice %arg3[%dma_start3A_890, %dma_start3A_891] : memref<2600000x64xf32, #tpu.memory_space<hbm>> -> memref<2600000x64xf32, #tpu.memory_space<hbm>>
        tpu.enqueue_indirect_dma source(%dma_start3A_892 : memref<2600000x64xf32, #tpu.memory_space<hbm>>) target(%dma_start3A_887 : memref<128x64xf32, #tpu.memory_space<vmem>>) offsets(%dma_start3A_889 : memref<128xi32, #tpu.memory_space<vmem>>) semaphore(%arg12 : memref<!tpu.dma_semaphore, #tpu.memory_space<semaphore_mem>>)
        %dma_start3A_893 = arith.constant 128 : i32
        %dma_start3A_894 = arith.constant 0 : i32
        %dma_start3A_895 = tpu.memref_slice %arg8[%dma_start3A_893, %dma_start3A_894] : memref<640x64xf32, #tpu.memory_space<vmem>> -> memref<128x64xf32, #tpu.memory_space<vmem>>
        %dma_start3A_896 = arith.constant 128 : i32
        %dma_start3A_897 = tpu.memref_slice %arg6[%dma_start3A_896] : memref<640xi32, #tpu.memory_space<vmem>> -> memref<128xi32, #tpu.memory_space<vmem>>
        %dma_start3A_898 = arith.constant 0 : i32
        %dma_start3A_899 = arith.constant 0 : i32
        %dma_start3A_900 = tpu.memref_slice %arg3[%dma_start3A_898, %dma_start3A_899] : memref<2600000x64xf32, #tpu.memory_space<hbm>> -> memref<2600000x64xf32, #tpu.memory_space<hbm>>
        tpu.enqueue_indirect_dma source(%dma_start3A_900 : memref<2600000x64xf32, #tpu.memory_space<hbm>>) target(%dma_start3A_895 : memref<128x64xf32, #tpu.memory_space<vmem>>) offsets(%dma_start3A_897 : memref<128xi32, #tpu.memory_space<vmem>>) semaphore(%arg12 : memref<!tpu.dma_semaphore, #tpu.memory_space<semaphore_mem>>)
        %dma_start3A_901 = arith.constant 256 : i32
        %dma_start3A_902 = arith.constant 0 : i32
        %dma_start3A_903 = tpu.memref_slice %arg8[%dma_start3A_901, %dma_start3A_902] : memref<640x64xf32, #tpu.memory_space<vmem>> -> memref<128x64xf32, #tpu.memory_space<vmem>>
        %dma_start3A_904 = arith.constant 256 : i32
        %dma_start3A_905 = tpu.memref_slice %arg6[%dma_start3A_904] : memref<640xi32, #tpu.memory_space<vmem>> -> memref<128xi32, #tpu.memory_space<vmem>>
        %dma_start3A_906 = arith.constant 0 : i32
        %dma_start3A_907 = arith.constant 0 : i32
        %dma_start3A_908 = tpu.memref_slice %arg3[%dma_start3A_906, %dma_start3A_907] : memref<2600000x64xf32, #tpu.memory_space<hbm>> -> memref<2600000x64xf32, #tpu.memory_space<hbm>>
        tpu.enqueue_indirect_dma source(%dma_start3A_908 : memref<2600000x64xf32, #tpu.memory_space<hbm>>) target(%dma_start3A_903 : memref<128x64xf32, #tpu.memory_space<vmem>>) offsets(%dma_start3A_905 : memref<128xi32, #tpu.memory_space<vmem>>) semaphore(%arg12 : memref<!tpu.dma_semaphore, #tpu.memory_space<semaphore_mem>>)
        %dma_start3A_909 = arith.constant 384 : i32
        %dma_start3A_910 = arith.constant 0 : i32
        %dma_start3A_911 = tpu.memref_slice %arg8[%dma_start3A_909, %dma_start3A_910] : memref<640x64xf32, #tpu.memory_space<vmem>> -> memref<128x64xf32, #tpu.memory_space<vmem>>
        %dma_start3A_912 = arith.constant 384 : i32
        %dma_start3A_913 = tpu.memref_slice %arg6[%dma_start3A_912] : memref<640xi32, #tpu.memory_space<vmem>> -> memref<128xi32, #tpu.memory_space<vmem>>
        %dma_start3A_914 = arith.constant 0 : i32
        %dma_start3A_915 = arith.constant 0 : i32
        %dma_start3A_916 = tpu.memref_slice %arg3[%dma_start3A_914, %dma_start3A_915] : memref<2600000x64xf32, #tpu.memory_space<hbm>> -> memref<2600000x64xf32, #tpu.memory_space<hbm>>
        tpu.enqueue_indirect_dma source(%dma_start3A_916 : memref<2600000x64xf32, #tpu.memory_space<hbm>>) target(%dma_start3A_911 : memref<128x64xf32, #tpu.memory_space<vmem>>) offsets(%dma_start3A_913 : memref<128xi32, #tpu.memory_space<vmem>>) semaphore(%arg12 : memref<!tpu.dma_semaphore, #tpu.memory_space<semaphore_mem>>)
        %dma_start3A_917 = arith.constant 512 : i32
        %dma_start3A_918 = arith.constant 0 : i32
        %dma_start3A_919 = tpu.memref_slice %arg8[%dma_start3A_917, %dma_start3A_918] : memref<640x64xf32, #tpu.memory_space<vmem>> -> memref<128x64xf32, #tpu.memory_space<vmem>>
        %dma_start3A_920 = arith.constant 512 : i32
        %dma_start3A_921 = tpu.memref_slice %arg6[%dma_start3A_920] : memref<640xi32, #tpu.memory_space<vmem>> -> memref<128xi32, #tpu.memory_space<vmem>>
        %dma_start3A_922 = arith.constant 0 : i32
        %dma_start3A_923 = arith.constant 0 : i32
        %dma_start3A_924 = tpu.memref_slice %arg3[%dma_start3A_922, %dma_start3A_923] : memref<2600000x64xf32, #tpu.memory_space<hbm>> -> memref<2600000x64xf32, #tpu.memory_space<hbm>>
        tpu.enqueue_indirect_dma source(%dma_start3A_924 : memref<2600000x64xf32, #tpu.memory_space<hbm>>) target(%dma_start3A_919 : memref<128x64xf32, #tpu.memory_space<vmem>>) offsets(%dma_start3A_921 : memref<128xi32, #tpu.memory_space<vmem>>) semaphore(%arg12 : memref<!tpu.dma_semaphore, #tpu.memory_space<semaphore_mem>>)
      } else {
      }
      %dma_wait3A_470 = arith.constant 0 : i32
      %dma_wait3A_471 = arith.constant 0 : i32
      %dma_wait3A_472 = tpu.memref_slice %arg3[%dma_wait3A_470, %dma_wait3A_471] : memref<2600000x64xf32, #tpu.memory_space<hbm>> -> memref<640x64xf32, #tpu.memory_space<hbm>>
      %dma_wait3A_473 = arith.constant 0 : i32
      %dma_wait3A_474 = arith.constant 0 : i32
      %dma_wait3A_475 = tpu.memref_slice %arg3[%dma_wait3A_473, %dma_wait3A_474] : memref<2600000x64xf32, #tpu.memory_space<hbm>> -> memref<640x64xf32, #tpu.memory_space<hbm>>
      tpu.wait_dma2 semaphore(%arg13 : memref<!tpu.dma_semaphore, #tpu.memory_space<semaphore_mem>>) src(%dma_wait3A_475 : memref<640x64xf32, #tpu.memory_space<hbm>>) dst(%arg9 : memref<640x64xf32, #tpu.memory_space<vmem>>)
      %add3A_476 = arith.constant 2 : i32
      %add3A_477 = arith.addi %add3A_462, %add3A_476 : i32
      %lt3A_478 = arith.constant 104 : i32
      %lt3A_479 = arith.cmpi slt, %add3A_477, %lt3A_478 : i32
      %convert_element_type3A_480 = arith.extui %lt3A_479 : i1 to i32
      %cond3A_481 = arith.constant 0 : i32
      %cond3A_482 = arith.cmpi ne, %convert_element_type3A_480, %cond3A_481 : i32
      scf.if %cond3A_482 {
        %add3A_522 = arith.constant 2 : i32
        %add3A_523 = arith.addi %add3A_462, %add3A_522 : i32
        %jit3A_524 = arith.constant 4 : i32
        %div3A_525 = arith.divsi %add3A_523, %jit3A_524 : i32
        %sign3A_526 = arith.constant 0 : i32
        %sign3A_527 = arith.cmpi sgt, %add3A_523, %sign3A_526 : i32
        %sign3A_528 = arith.extui %sign3A_527 : i1 to i32
        %sign3A_529 = arith.constant 0 : i32
        %sign3A_530 = arith.cmpi slt, %add3A_523, %sign3A_529 : i32
        %sign3A_531 = arith.extui %sign3A_530 : i1 to i32
        %sign3A_532 = arith.subi %sign3A_528, %sign3A_531 : i32
        %sign3A_533 = arith.constant 0 : i32
        %sign3A_534 = arith.cmpi sgt, %jit3A_524, %sign3A_533 : i32
        %sign3A_535 = arith.extui %sign3A_534 : i1 to i32
        %sign3A_536 = arith.constant 0 : i32
        %sign3A_537 = arith.cmpi slt, %jit3A_524, %sign3A_536 : i32
        %sign3A_538 = arith.extui %sign3A_537 : i1 to i32
        %sign3A_539 = arith.subi %sign3A_535, %sign3A_538 : i32
        %ne3A_540 = arith.cmpi ne, %sign3A_532, %sign3A_539 : i32
        %rem3A_541 = arith.remsi %add3A_523, %jit3A_524 : i32
        %ne3A_542 = arith.constant 0 : i32
        %ne3A_543 = arith.cmpi ne, %rem3A_541, %ne3A_542 : i32
        %and3A_544 = arith.andi %ne3A_540, %ne3A_543 : i1
        %sub3A_545 = arith.constant 1 : i32
        %sub3A_546 = arith.subi %div3A_525, %sub3A_545 : i32
        %select_n3A_547 = arith.select %and3A_544, %sub3A_546, %div3A_525 : i32
        %rem3A_548 = arith.constant 4 : i32
        %rem3A_549 = arith.remsi %add3A_523, %rem3A_548 : i32
        %mul3A_550 = arith.constant 4096 : i32
        %mul3A_551 = arith.muli %select_n3A_547, %mul3A_550 : i32
        %mul3A_552 = arith.constant 128 : i32
        %mul3A_553 = arith.muli %add3A, %mul3A_552 : i32
        %add3A_554 = arith.addi %mul3A_551, %mul3A_553 : i32
        %mul3A_555 = arith.constant 32 : i32
        %mul3A_556 = arith.muli %rem3A_549, %mul3A_555 : i32
        %add3A_557 = arith.addi %add3A_554, %mul3A_556 : i32
        %mul3A_558 = arith.constant 20 : i32
        %mul3A_559 = arith.muli %add3A_557, %mul3A_558 : i32
        %dma_start3A_560 = tpu.memref_slice %arg2[%mul3A_559] : memref<2129920xi32, #tpu.memory_space<hbm>> -> memref<640xi32, #tpu.memory_space<hbm>>
        %dma_start3A_561 = tpu.memref_slice %arg2[%mul3A_559] : memref<2129920xi32, #tpu.memory_space<hbm>> -> memref<640xi32, #tpu.memory_space<hbm>>
        tpu.enqueue_dma source(%dma_start3A_561 : memref<640xi32, #tpu.memory_space<hbm>>) target(%arg7 : memref<640xi32, #tpu.memory_space<vmem>>) target_semaphore(%arg15 : memref<!tpu.dma_semaphore, #tpu.memory_space<semaphore_mem>>)
      } else {
      }
      %jit3A_483 = arith.constant 4 : i32
      %div3A_484 = arith.divsi %add3A_462, %jit3A_483 : i32
      %sign3A_485 = arith.constant 0 : i32
      %sign3A_486 = arith.cmpi sgt, %add3A_462, %sign3A_485 : i32
      %sign3A_487 = arith.extui %sign3A_486 : i1 to i32
      %sign3A_488 = arith.constant 0 : i32
      %sign3A_489 = arith.cmpi slt, %add3A_462, %sign3A_488 : i32
      %sign3A_490 = arith.extui %sign3A_489 : i1 to i32
      %sign3A_491 = arith.subi %sign3A_487, %sign3A_490 : i32
      %sign3A_492 = arith.constant 0 : i32
      %sign3A_493 = arith.cmpi sgt, %jit3A_483, %sign3A_492 : i32
      %sign3A_494 = arith.extui %sign3A_493 : i1 to i32
      %sign3A_495 = arith.constant 0 : i32
      %sign3A_496 = arith.cmpi slt, %jit3A_483, %sign3A_495 : i32
      %sign3A_497 = arith.extui %sign3A_496 : i1 to i32
      %sign3A_498 = arith.subi %sign3A_494, %sign3A_497 : i32
      %ne3A_499 = arith.cmpi ne, %sign3A_491, %sign3A_498 : i32
      %rem3A_500 = arith.remsi %add3A_462, %jit3A_483 : i32
      %ne3A_501 = arith.constant 0 : i32
      %ne3A_502 = arith.cmpi ne, %rem3A_500, %ne3A_501 : i32
      %and3A_503 = arith.andi %ne3A_499, %ne3A_502 : i1
      %sub3A_504 = arith.constant 1 : i32
      %sub3A_505 = arith.subi %div3A_484, %sub3A_504 : i32
      %select_n3A_506 = arith.select %and3A_503, %sub3A_505, %div3A_484 : i32
      %rem3A_507 = arith.constant 4 : i32
      %rem3A_508 = arith.remsi %add3A_462, %rem3A_507 : i32
      %mul3A_509 = arith.constant 4096 : i32
      %mul3A_510 = arith.muli %select_n3A_506, %mul3A_509 : i32
      %mul3A_511 = arith.constant 128 : i32
      %mul3A_512 = arith.muli %add3A, %mul3A_511 : i32
      %add3A_513 = arith.addi %mul3A_510, %mul3A_512 : i32
      %mul3A_514 = arith.constant 32 : i32
      %mul3A_515 = arith.muli %rem3A_508, %mul3A_514 : i32
      %add3A_516 = arith.addi %add3A_513, %mul3A_515 : i32
      %scan3A_517 = arith.constant 0 : i32
      %scan3A_518 = arith.constant 32 : i32
      %scan3A_519 = arith.addi %scan3A_517, %scan3A_518 : i32
      %scan3A_520 = arith.constant 1 : i32
      scf.for %scan3A_522 = %scan3A_517 to %scan3A_519 step %scan3A_520  : i32 {
        %mul3A_523 = arith.constant 1 : i32
        %mul3A_524 = arith.muli %scan3A_522, %mul3A_523 : i32
        %add3A_525 = arith.constant 0 : i32
        %add3A_526 = arith.addi %add3A_525, %mul3A_524 : i32
        %mul3A_527 = arith.constant 20 : i32
        %mul3A_528 = arith.muli %add3A_526, %mul3A_527 : i32
        %add3A_529 = arith.constant 0 : i32
        %add3A_530 = arith.addi %mul3A_528, %add3A_529 : i32
        %get3A_531 = arith.index_cast %add3A_530 : i32 to index
        %get3A_532 = arith.constant 0 : index
        %get3A_533 = tpu.vector_load %arg9[%get3A_531, %get3A_532] {strides = array<i32>} : memref<640x64xf32, #tpu.memory_space<vmem>>, vector<1x16xf32>,
        %get3A_534 = vector.shape_cast %get3A_533 : vector<1x16xf32> to vector<16xf32>
        %add3A_535 = arith.constant 1 : i32
        %add3A_536 = arith.addi %mul3A_528, %add3A_535 : i32
        %get3A_537 = arith.index_cast %add3A_536 : i32 to index
        %get3A_538 = arith.constant 0 : index
        %get3A_539 = tpu.vector_load %arg9[%get3A_537, %get3A_538] {strides = array<i32>} : memref<640x64xf32, #tpu.memory_space<vmem>>, vector<1x16xf32>,
        %get3A_540 = vector.shape_cast %get3A_539 : vector<1x16xf32> to vector<16xf32>
        %add3A_541 = arith.addf %get3A_534, %get3A_540 : vector<16xf32>
        %add3A_542 = arith.constant 2 : i32
        %add3A_543 = arith.addi %mul3A_528, %add3A_542 : i32
        %get3A_544 = arith.index_cast %add3A_543 : i32 to index
        %get3A_545 = arith.constant 0 : index
        %get3A_546 = tpu.vector_load %arg9[%get3A_544, %get3A_545] {strides = array<i32>} : memref<640x64xf32, #tpu.memory_space<vmem>>, vector<1x16xf32>,
        %get3A_547 = vector.shape_cast %get3A_546 : vector<1x16xf32> to vector<16xf32>
        %add3A_548 = arith.constant 3 : i32
        %add3A_549 = arith.addi %mul3A_528, %add3A_548 : i32
        %get3A_550 = arith.index_cast %add3A_549 : i32 to index
        %get3A_551 = arith.constant 0 : index
        %get3A_552 = tpu.vector_load %arg9[%get3A_550, %get3A_551] {strides = array<i32>} : memref<640x64xf32, #tpu.memory_space<vmem>>, vector<1x16xf32>,
        %get3A_553 = vector.shape_cast %get3A_552 : vector<1x16xf32> to vector<16xf32>
        %add3A_554 = arith.addf %get3A_547, %get3A_553 : vector<16xf32>
        %add3A_555 = arith.constant 4 : i32
        %add3A_556 = arith.addi %mul3A_528, %add3A_555 : i32
        %get3A_557 = arith.index_cast %add3A_556 : i32 to index
        %get3A_558 = arith.constant 0 : index
        %get3A_559 = tpu.vector_load %arg9[%get3A_557, %get3A_558] {strides = array<i32>} : memref<640x64xf32, #tpu.memory_space<vmem>>, vector<1x16xf32>,
        %get3A_560 = vector.shape_cast %get3A_559 : vector<1x16xf32> to vector<16xf32>
        %add3A_561 = arith.constant 5 : i32
        %add3A_562 = arith.addi %mul3A_528, %add3A_561 : i32
        %get3A_563 = arith.index_cast %add3A_562 : i32 to index
        %get3A_564 = arith.constant 0 : index
        %get3A_565 = tpu.vector_load %arg9[%get3A_563, %get3A_564] {strides = array<i32>} : memref<640x64xf32, #tpu.memory_space<vmem>>, vector<1x16xf32>,
        %get3A_566 = vector.shape_cast %get3A_565 : vector<1x16xf32> to vector<16xf32>
        %add3A_567 = arith.addf %get3A_560, %get3A_566 : vector<16xf32>
        %add3A_568 = arith.constant 6 : i32
        %add3A_569 = arith.addi %mul3A_528, %add3A_568 : i32
        %get3A_570 = arith.index_cast %add3A_569 : i32 to index
        %get3A_571 = arith.constant 0 : index
        %get3A_572 = tpu.vector_load %arg9[%get3A_570, %get3A_571] {strides = array<i32>} : memref<640x64xf32, #tpu.memory_space<vmem>>, vector<1x16xf32>,
        %get3A_573 = vector.shape_cast %get3A_572 : vector<1x16xf32> to vector<16xf32>
        %add3A_574 = arith.constant 7 : i32
        %add3A_575 = arith.addi %mul3A_528, %add3A_574 : i32
        %get3A_576 = arith.index_cast %add3A_575 : i32 to index
        %get3A_577 = arith.constant 0 : index
        %get3A_578 = tpu.vector_load %arg9[%get3A_576, %get3A_577] {strides = array<i32>} : memref<640x64xf32, #tpu.memory_space<vmem>>, vector<1x16xf32>,
        %get3A_579 = vector.shape_cast %get3A_578 : vector<1x16xf32> to vector<16xf32>
        %add3A_580 = arith.addf %get3A_573, %get3A_579 : vector<16xf32>
        %add3A_581 = arith.constant 8 : i32
        %add3A_582 = arith.addi %mul3A_528, %add3A_581 : i32
        %add3A_583 = arith.constant 0 : i32
        %add3A_584 = arith.addi %add3A_582, %add3A_583 : i32
        %get3A_585 = arith.index_cast %add3A_584 : i32 to index
        %get3A_586 = arith.constant 0 : index
        %get3A_587 = tpu.vector_load %arg9[%get3A_585, %get3A_586] {strides = array<i32>} : memref<640x64xf32, #tpu.memory_space<vmem>>, vector<1x16xf32>,
        %get3A_588 = vector.shape_cast %get3A_587 : vector<1x16xf32> to vector<16xf32>
        %add3A_589 = arith.addf %add3A_541, %get3A_588 : vector<16xf32>
        %add3A_590 = arith.constant 8 : i32
        %add3A_591 = arith.addi %mul3A_528, %add3A_590 : i32
        %add3A_592 = arith.constant 1 : i32
        %add3A_593 = arith.addi %add3A_591, %add3A_592 : i32
        %get3A_594 = arith.index_cast %add3A_593 : i32 to index
        %get3A_595 = arith.constant 0 : index
        %get3A_596 = tpu.vector_load %arg9[%get3A_594, %get3A_595] {strides = array<i32>} : memref<640x64xf32, #tpu.memory_space<vmem>>, vector<1x16xf32>,
        %get3A_597 = vector.shape_cast %get3A_596 : vector<1x16xf32> to vector<16xf32>
        %add3A_598 = arith.addf %add3A_554, %get3A_597 : vector<16xf32>
        %add3A_599 = arith.constant 8 : i32
        %add3A_600 = arith.addi %mul3A_528, %add3A_599 : i32
        %add3A_601 = arith.constant 2 : i32
        %add3A_602 = arith.addi %add3A_600, %add3A_601 : i32
        %get3A_603 = arith.index_cast %add3A_602 : i32 to index
        %get3A_604 = arith.constant 0 : index
        %get3A_605 = tpu.vector_load %arg9[%get3A_603, %get3A_604] {strides = array<i32>} : memref<640x64xf32, #tpu.memory_space<vmem>>, vector<1x16xf32>,
        %get3A_606 = vector.shape_cast %get3A_605 : vector<1x16xf32> to vector<16xf32>
        %add3A_607 = arith.addf %add3A_567, %get3A_606 : vector<16xf32>
        %add3A_608 = arith.constant 8 : i32
        %add3A_609 = arith.addi %mul3A_528, %add3A_608 : i32
        %add3A_610 = arith.constant 3 : i32
        %add3A_611 = arith.addi %add3A_609, %add3A_610 : i32
        %get3A_612 = arith.index_cast %add3A_611 : i32 to index
        %get3A_613 = arith.constant 0 : index
        %get3A_614 = tpu.vector_load %arg9[%get3A_612, %get3A_613] {strides = array<i32>} : memref<640x64xf32, #tpu.memory_space<vmem>>, vector<1x16xf32>,
        %get3A_615 = vector.shape_cast %get3A_614 : vector<1x16xf32> to vector<16xf32>
        %add3A_616 = arith.addf %add3A_580, %get3A_615 : vector<16xf32>
        %add3A_617 = arith.constant 12 : i32
        %add3A_618 = arith.addi %mul3A_528, %add3A_617 : i32
        %add3A_619 = arith.constant 0 : i32
        %add3A_620 = arith.addi %add3A_618, %add3A_619 : i32
        %get3A_621 = arith.index_cast %add3A_620 : i32 to index
        %get3A_622 = arith.constant 0 : index
        %get3A_623 = tpu.vector_load %arg9[%get3A_621, %get3A_622] {strides = array<i32>} : memref<640x64xf32, #tpu.memory_space<vmem>>, vector<1x16xf32>,
        %get3A_624 = vector.shape_cast %get3A_623 : vector<1x16xf32> to vector<16xf32>
        %add3A_625 = arith.addf %add3A_589, %get3A_624 : vector<16xf32>
        %add3A_626 = arith.constant 12 : i32
        %add3A_627 = arith.addi %mul3A_528, %add3A_626 : i32
        %add3A_628 = arith.constant 1 : i32
        %add3A_629 = arith.addi %add3A_627, %add3A_628 : i32
        %get3A_630 = arith.index_cast %add3A_629 : i32 to index
        %get3A_631 = arith.constant 0 : index
        %get3A_632 = tpu.vector_load %arg9[%get3A_630, %get3A_631] {strides = array<i32>} : memref<640x64xf32, #tpu.memory_space<vmem>>, vector<1x16xf32>,
        %get3A_633 = vector.shape_cast %get3A_632 : vector<1x16xf32> to vector<16xf32>
        %add3A_634 = arith.addf %add3A_598, %get3A_633 : vector<16xf32>
        %add3A_635 = arith.constant 12 : i32
        %add3A_636 = arith.addi %mul3A_528, %add3A_635 : i32
        %add3A_637 = arith.constant 2 : i32
        %add3A_638 = arith.addi %add3A_636, %add3A_637 : i32
        %get3A_639 = arith.index_cast %add3A_638 : i32 to index
        %get3A_640 = arith.constant 0 : index
        %get3A_641 = tpu.vector_load %arg9[%get3A_639, %get3A_640] {strides = array<i32>} : memref<640x64xf32, #tpu.memory_space<vmem>>, vector<1x16xf32>,
        %get3A_642 = vector.shape_cast %get3A_641 : vector<1x16xf32> to vector<16xf32>
        %add3A_643 = arith.addf %add3A_607, %get3A_642 : vector<16xf32>
        %add3A_644 = arith.constant 12 : i32
        %add3A_645 = arith.addi %mul3A_528, %add3A_644 : i32
        %add3A_646 = arith.constant 3 : i32
        %add3A_647 = arith.addi %add3A_645, %add3A_646 : i32
        %get3A_648 = arith.index_cast %add3A_647 : i32 to index
        %get3A_649 = arith.constant 0 : index
        %get3A_650 = tpu.vector_load %arg9[%get3A_648, %get3A_649] {strides = array<i32>} : memref<640x64xf32, #tpu.memory_space<vmem>>, vector<1x16xf32>,
        %get3A_651 = vector.shape_cast %get3A_650 : vector<1x16xf32> to vector<16xf32>
        %add3A_652 = arith.addf %add3A_616, %get3A_651 : vector<16xf32>
        %add3A_653 = arith.constant 16 : i32
        %add3A_654 = arith.addi %mul3A_528, %add3A_653 : i32
        %add3A_655 = arith.constant 0 : i32
        %add3A_656 = arith.addi %add3A_654, %add3A_655 : i32
        %get3A_657 = arith.index_cast %add3A_656 : i32 to index
        %get3A_658 = arith.constant 0 : index
        %get3A_659 = tpu.vector_load %arg9[%get3A_657, %get3A_658] {strides = array<i32>} : memref<640x64xf32, #tpu.memory_space<vmem>>, vector<1x16xf32>,
        %get3A_660 = vector.shape_cast %get3A_659 : vector<1x16xf32> to vector<16xf32>
        %add3A_661 = arith.addf %add3A_625, %get3A_660 : vector<16xf32>
        %add3A_662 = arith.constant 16 : i32
        %add3A_663 = arith.addi %mul3A_528, %add3A_662 : i32
        %add3A_664 = arith.constant 1 : i32
        %add3A_665 = arith.addi %add3A_663, %add3A_664 : i32
        %get3A_666 = arith.index_cast %add3A_665 : i32 to index
        %get3A_667 = arith.constant 0 : index
        %get3A_668 = tpu.vector_load %arg9[%get3A_666, %get3A_667] {strides = array<i32>} : memref<640x64xf32, #tpu.memory_space<vmem>>, vector<1x16xf32>,
        %get3A_669 = vector.shape_cast %get3A_668 : vector<1x16xf32> to vector<16xf32>
        %add3A_670 = arith.addf %add3A_634, %get3A_669 : vector<16xf32>
        %add3A_671 = arith.constant 16 : i32
        %add3A_672 = arith.addi %mul3A_528, %add3A_671 : i32
        %add3A_673 = arith.constant 2 : i32
        %add3A_674 = arith.addi %add3A_672, %add3A_673 : i32
        %get3A_675 = arith.index_cast %add3A_674 : i32 to index
        %get3A_676 = arith.constant 0 : index
        %get3A_677 = tpu.vector_load %arg9[%get3A_675, %get3A_676] {strides = array<i32>} : memref<640x64xf32, #tpu.memory_space<vmem>>, vector<1x16xf32>,
        %get3A_678 = vector.shape_cast %get3A_677 : vector<1x16xf32> to vector<16xf32>
        %add3A_679 = arith.addf %add3A_643, %get3A_678 : vector<16xf32>
        %add3A_680 = arith.constant 16 : i32
        %add3A_681 = arith.addi %mul3A_528, %add3A_680 : i32
        %add3A_682 = arith.constant 3 : i32
        %add3A_683 = arith.addi %add3A_681, %add3A_682 : i32
        %get3A_684 = arith.index_cast %add3A_683 : i32 to index
        %get3A_685 = arith.constant 0 : index
        %get3A_686 = tpu.vector_load %arg9[%get3A_684, %get3A_685] {strides = array<i32>} : memref<640x64xf32, #tpu.memory_space<vmem>>, vector<1x16xf32>,
        %get3A_687 = vector.shape_cast %get3A_686 : vector<1x16xf32> to vector<16xf32>
        %add3A_688 = arith.addf %add3A_652, %get3A_687 : vector<16xf32>
        %add3A_689 = arith.addf %add3A_661, %add3A_670 : vector<16xf32>
        %add3A_690 = arith.addf %add3A_679, %add3A_688 : vector<16xf32>
        %add3A_691 = arith.addf %add3A_689, %add3A_690 : vector<16xf32>
        %swap3A_692 = arith.index_cast %add3A_526 : i32 to index
        %swap3A_693 = arith.constant 0 : index
        %swap3A_694 = tpu.vector_load %arg10[%swap3A_692, %swap3A_693] {strides = array<i32>} : memref<32x64xf32, #tpu.memory_space<vmem>>, vector<1x16xf32>,
        %swap3A_695 = vector.shape_cast %swap3A_694 : vector<1x16xf32> to vector<16xf32>
        %swap3A_696 = vector.shape_cast %add3A_691 : vector<16xf32> to vector<1x16xf32>
        tpu.vector_store %arg10[%swap3A_692, %swap3A_693], %swap3A_696 {strides = array<i32>} : memref<32x64xf32, #tpu.memory_space<vmem>>, vector<1x16xf32>,
        %add3A_697 = arith.constant 0 : i32
        %add3A_698 = arith.addi %mul3A_528, %add3A_697 : i32
        %get3A_699 = arith.index_cast %add3A_698 : i32 to index
        %get3A_700 = arith.constant 16 : index
        %get3A_701 = tpu.vector_load %arg9[%get3A_699, %get3A_700] {strides = array<i32>} : memref<640x64xf32, #tpu.memory_space<vmem>>, vector<1x16xf32>,
        %get3A_702 = vector.shape_cast %get3A_701 : vector<1x16xf32> to vector<16xf32>
        %add3A_703 = arith.constant 1 : i32
        %add3A_704 = arith.addi %mul3A_528, %add3A_703 : i32
        %get3A_705 = arith.index_cast %add3A_704 : i32 to index
        %get3A_706 = arith.constant 16 : index
        %get3A_707 = tpu.vector_load %arg9[%get3A_705, %get3A_706] {strides = array<i32>} : memref<640x64xf32, #tpu.memory_space<vmem>>, vector<1x16xf32>,
        %get3A_708 = vector.shape_cast %get3A_707 : vector<1x16xf32> to vector<16xf32>
        %add3A_709 = arith.addf %get3A_702, %get3A_708 : vector<16xf32>
        %add3A_710 = arith.constant 2 : i32
        %add3A_711 = arith.addi %mul3A_528, %add3A_710 : i32
        %get3A_712 = arith.index_cast %add3A_711 : i32 to index
        %get3A_713 = arith.constant 16 : index
        %get3A_714 = tpu.vector_load %arg9[%get3A_712, %get3A_713] {strides = array<i32>} : memref<640x64xf32, #tpu.memory_space<vmem>>, vector<1x16xf32>,
        %get3A_715 = vector.shape_cast %get3A_714 : vector<1x16xf32> to vector<16xf32>
        %add3A_716 = arith.constant 3 : i32
        %add3A_717 = arith.addi %mul3A_528, %add3A_716 : i32
        %get3A_718 = arith.index_cast %add3A_717 : i32 to index
        %get3A_719 = arith.constant 16 : index
        %get3A_720 = tpu.vector_load %arg9[%get3A_718, %get3A_719] {strides = array<i32>} : memref<640x64xf32, #tpu.memory_space<vmem>>, vector<1x16xf32>,
        %get3A_721 = vector.shape_cast %get3A_720 : vector<1x16xf32> to vector<16xf32>
        %add3A_722 = arith.addf %get3A_715, %get3A_721 : vector<16xf32>
        %add3A_723 = arith.constant 4 : i32
        %add3A_724 = arith.addi %mul3A_528, %add3A_723 : i32
        %get3A_725 = arith.index_cast %add3A_724 : i32 to index
        %get3A_726 = arith.constant 16 : index
        %get3A_727 = tpu.vector_load %arg9[%get3A_725, %get3A_726] {strides = array<i32>} : memref<640x64xf32, #tpu.memory_space<vmem>>, vector<1x16xf32>,
        %get3A_728 = vector.shape_cast %get3A_727 : vector<1x16xf32> to vector<16xf32>
        %add3A_729 = arith.constant 5 : i32
        %add3A_730 = arith.addi %mul3A_528, %add3A_729 : i32
        %get3A_731 = arith.index_cast %add3A_730 : i32 to index
        %get3A_732 = arith.constant 16 : index
        %get3A_733 = tpu.vector_load %arg9[%get3A_731, %get3A_732] {strides = array<i32>} : memref<640x64xf32, #tpu.memory_space<vmem>>, vector<1x16xf32>,
        %get3A_734 = vector.shape_cast %get3A_733 : vector<1x16xf32> to vector<16xf32>
        %add3A_735 = arith.addf %get3A_728, %get3A_734 : vector<16xf32>
        %add3A_736 = arith.constant 6 : i32
        %add3A_737 = arith.addi %mul3A_528, %add3A_736 : i32
        %get3A_738 = arith.index_cast %add3A_737 : i32 to index
        %get3A_739 = arith.constant 16 : index
        %get3A_740 = tpu.vector_load %arg9[%get3A_738, %get3A_739] {strides = array<i32>} : memref<640x64xf32, #tpu.memory_space<vmem>>, vector<1x16xf32>,
        %get3A_741 = vector.shape_cast %get3A_740 : vector<1x16xf32> to vector<16xf32>
        %add3A_742 = arith.constant 7 : i32
        %add3A_743 = arith.addi %mul3A_528, %add3A_742 : i32
        %get3A_744 = arith.index_cast %add3A_743 : i32 to index
        %get3A_745 = arith.constant 16 : index
        %get3A_746 = tpu.vector_load %arg9[%get3A_744, %get3A_745] {strides = array<i32>} : memref<640x64xf32, #tpu.memory_space<vmem>>, vector<1x16xf32>,
        %get3A_747 = vector.shape_cast %get3A_746 : vector<1x16xf32> to vector<16xf32>
        %add3A_748 = arith.addf %get3A_741, %get3A_747 : vector<16xf32>
        %add3A_749 = arith.constant 8 : i32
        %add3A_750 = arith.addi %mul3A_528, %add3A_749 : i32
        %add3A_751 = arith.constant 0 : i32
        %add3A_752 = arith.addi %add3A_750, %add3A_751 : i32
        %get3A_753 = arith.index_cast %add3A_752 : i32 to index
        %get3A_754 = arith.constant 16 : index
        %get3A_755 = tpu.vector_load %arg9[%get3A_753, %get3A_754] {strides = array<i32>} : memref<640x64xf32, #tpu.memory_space<vmem>>, vector<1x16xf32>,
        %get3A_756 = vector.shape_cast %get3A_755 : vector<1x16xf32> to vector<16xf32>
        %add3A_757 = arith.addf %add3A_709, %get3A_756 : vector<16xf32>
        %add3A_758 = arith.constant 8 : i32
        %add3A_759 = arith.addi %mul3A_528, %add3A_758 : i32
        %add3A_760 = arith.constant 1 : i32
        %add3A_761 = arith.addi %add3A_759, %add3A_760 : i32
        %get3A_762 = arith.index_cast %add3A_761 : i32 to index
        %get3A_763 = arith.constant 16 : index
        %get3A_764 = tpu.vector_load %arg9[%get3A_762, %get3A_763] {strides = array<i32>} : memref<640x64xf32, #tpu.memory_space<vmem>>, vector<1x16xf32>,
        %get3A_765 = vector.shape_cast %get3A_764 : vector<1x16xf32> to vector<16xf32>
        %add3A_766 = arith.addf %add3A_722, %get3A_765 : vector<16xf32>
        %add3A_767 = arith.constant 8 : i32
        %add3A_768 = arith.addi %mul3A_528, %add3A_767 : i32
        %add3A_769 = arith.constant 2 : i32
        %add3A_770 = arith.addi %add3A_768, %add3A_769 : i32
        %get3A_771 = arith.index_cast %add3A_770 : i32 to index
        %get3A_772 = arith.constant 16 : index
        %get3A_773 = tpu.vector_load %arg9[%get3A_771, %get3A_772] {strides = array<i32>} : memref<640x64xf32, #tpu.memory_space<vmem>>, vector<1x16xf32>,
        %get3A_774 = vector.shape_cast %get3A_773 : vector<1x16xf32> to vector<16xf32>
        %add3A_775 = arith.addf %add3A_735, %get3A_774 : vector<16xf32>
        %add3A_776 = arith.constant 8 : i32
        %add3A_777 = arith.addi %mul3A_528, %add3A_776 : i32
        %add3A_778 = arith.constant 3 : i32
        %add3A_779 = arith.addi %add3A_777, %add3A_778 : i32
        %get3A_780 = arith.index_cast %add3A_779 : i32 to index
        %get3A_781 = arith.constant 16 : index
        %get3A_782 = tpu.vector_load %arg9[%get3A_780, %get3A_781] {strides = array<i32>} : memref<640x64xf32, #tpu.memory_space<vmem>>, vector<1x16xf32>,
        %get3A_783 = vector.shape_cast %get3A_782 : vector<1x16xf32> to vector<16xf32>
        %add3A_784 = arith.addf %add3A_748, %get3A_783 : vector<16xf32>
        %add3A_785 = arith.constant 12 : i32
        %add3A_786 = arith.addi %mul3A_528, %add3A_785 : i32
        %add3A_787 = arith.constant 0 : i32
        %add3A_788 = arith.addi %add3A_786, %add3A_787 : i32
        %get3A_789 = arith.index_cast %add3A_788 : i32 to index
        %get3A_790 = arith.constant 16 : index
        %get3A_791 = tpu.vector_load %arg9[%get3A_789, %get3A_790] {strides = array<i32>} : memref<640x64xf32, #tpu.memory_space<vmem>>, vector<1x16xf32>,
        %get3A_792 = vector.shape_cast %get3A_791 : vector<1x16xf32> to vector<16xf32>
        %add3A_793 = arith.addf %add3A_757, %get3A_792 : vector<16xf32>
        %add3A_794 = arith.constant 12 : i32
        %add3A_795 = arith.addi %mul3A_528, %add3A_794 : i32
        %add3A_796 = arith.constant 1 : i32
        %add3A_797 = arith.addi %add3A_795, %add3A_796 : i32
        %get3A_798 = arith.index_cast %add3A_797 : i32 to index
        %get3A_799 = arith.constant 16 : index
        %get3A_800 = tpu.vector_load %arg9[%get3A_798, %get3A_799] {strides = array<i32>} : memref<640x64xf32, #tpu.memory_space<vmem>>, vector<1x16xf32>,
        %get3A_801 = vector.shape_cast %get3A_800 : vector<1x16xf32> to vector<16xf32>
        %add3A_802 = arith.addf %add3A_766, %get3A_801 : vector<16xf32>
        %add3A_803 = arith.constant 12 : i32
        %add3A_804 = arith.addi %mul3A_528, %add3A_803 : i32
        %add3A_805 = arith.constant 2 : i32
        %add3A_806 = arith.addi %add3A_804, %add3A_805 : i32
        %get3A_807 = arith.index_cast %add3A_806 : i32 to index
        %get3A_808 = arith.constant 16 : index
        %get3A_809 = tpu.vector_load %arg9[%get3A_807, %get3A_808] {strides = array<i32>} : memref<640x64xf32, #tpu.memory_space<vmem>>, vector<1x16xf32>,
        %get3A_810 = vector.shape_cast %get3A_809 : vector<1x16xf32> to vector<16xf32>
        %add3A_811 = arith.addf %add3A_775, %get3A_810 : vector<16xf32>
        %add3A_812 = arith.constant 12 : i32
        %add3A_813 = arith.addi %mul3A_528, %add3A_812 : i32
        %add3A_814 = arith.constant 3 : i32
        %add3A_815 = arith.addi %add3A_813, %add3A_814 : i32
        %get3A_816 = arith.index_cast %add3A_815 : i32 to index
        %get3A_817 = arith.constant 16 : index
        %get3A_818 = tpu.vector_load %arg9[%get3A_816, %get3A_817] {strides = array<i32>} : memref<640x64xf32, #tpu.memory_space<vmem>>, vector<1x16xf32>,
        %get3A_819 = vector.shape_cast %get3A_818 : vector<1x16xf32> to vector<16xf32>
        %add3A_820 = arith.addf %add3A_784, %get3A_819 : vector<16xf32>
        %add3A_821 = arith.constant 16 : i32
        %add3A_822 = arith.addi %mul3A_528, %add3A_821 : i32
        %add3A_823 = arith.constant 0 : i32
        %add3A_824 = arith.addi %add3A_822, %add3A_823 : i32
        %get3A_825 = arith.index_cast %add3A_824 : i32 to index
        %get3A_826 = arith.constant 16 : index
        %get3A_827 = tpu.vector_load %arg9[%get3A_825, %get3A_826] {strides = array<i32>} : memref<640x64xf32, #tpu.memory_space<vmem>>, vector<1x16xf32>,
        %get3A_828 = vector.shape_cast %get3A_827 : vector<1x16xf32> to vector<16xf32>
        %add3A_829 = arith.addf %add3A_793, %get3A_828 : vector<16xf32>
        %add3A_830 = arith.constant 16 : i32
        %add3A_831 = arith.addi %mul3A_528, %add3A_830 : i32
        %add3A_832 = arith.constant 1 : i32
        %add3A_833 = arith.addi %add3A_831, %add3A_832 : i32
        %get3A_834 = arith.index_cast %add3A_833 : i32 to index
        %get3A_835 = arith.constant 16 : index
        %get3A_836 = tpu.vector_load %arg9[%get3A_834, %get3A_835] {strides = array<i32>} : memref<640x64xf32, #tpu.memory_space<vmem>>, vector<1x16xf32>,
        %get3A_837 = vector.shape_cast %get3A_836 : vector<1x16xf32> to vector<16xf32>
        %add3A_838 = arith.addf %add3A_802, %get3A_837 : vector<16xf32>
        %add3A_839 = arith.constant 16 : i32
        %add3A_840 = arith.addi %mul3A_528, %add3A_839 : i32
        %add3A_841 = arith.constant 2 : i32
        %add3A_842 = arith.addi %add3A_840, %add3A_841 : i32
        %get3A_843 = arith.index_cast %add3A_842 : i32 to index
        %get3A_844 = arith.constant 16 : index
        %get3A_845 = tpu.vector_load %arg9[%get3A_843, %get3A_844] {strides = array<i32>} : memref<640x64xf32, #tpu.memory_space<vmem>>, vector<1x16xf32>,
        %get3A_846 = vector.shape_cast %get3A_845 : vector<1x16xf32> to vector<16xf32>
        %add3A_847 = arith.addf %add3A_811, %get3A_846 : vector<16xf32>
        %add3A_848 = arith.constant 16 : i32
        %add3A_849 = arith.addi %mul3A_528, %add3A_848 : i32
        %add3A_850 = arith.constant 3 : i32
        %add3A_851 = arith.addi %add3A_849, %add3A_850 : i32
        %get3A_852 = arith.index_cast %add3A_851 : i32 to index
        %get3A_853 = arith.constant 16 : index
        %get3A_854 = tpu.vector_load %arg9[%get3A_852, %get3A_853] {strides = array<i32>} : memref<640x64xf32, #tpu.memory_space<vmem>>, vector<1x16xf32>,
        %get3A_855 = vector.shape_cast %get3A_854 : vector<1x16xf32> to vector<16xf32>
        %add3A_856 = arith.addf %add3A_820, %get3A_855 : vector<16xf32>
        %add3A_857 = arith.addf %add3A_829, %add3A_838 : vector<16xf32>
        %add3A_858 = arith.addf %add3A_847, %add3A_856 : vector<16xf32>
        %add3A_859 = arith.addf %add3A_857, %add3A_858 : vector<16xf32>
        %swap3A_860 = arith.index_cast %add3A_526 : i32 to index
        %swap3A_861 = arith.constant 16 : index
        %swap3A_862 = tpu.vector_load %arg10[%swap3A_860, %swap3A_861] {strides = array<i32>} : memref<32x64xf32, #tpu.memory_space<vmem>>, vector<1x16xf32>,
        %swap3A_863 = vector.shape_cast %swap3A_862 : vector<1x16xf32> to vector<16xf32>
        %swap3A_864 = vector.shape_cast %add3A_859 : vector<16xf32> to vector<1x16xf32>
        tpu.vector_store %arg10[%swap3A_860, %swap3A_861], %swap3A_864 {strides = array<i32>} : memref<32x64xf32, #tpu.memory_space<vmem>>, vector<1x16xf32>,
        %add3A_865 = arith.constant 0 : i32
        %add3A_866 = arith.addi %mul3A_528, %add3A_865 : i32
        %get3A_867 = arith.index_cast %add3A_866 : i32 to index
        %get3A_868 = arith.constant 32 : index
        %get3A_869 = tpu.vector_load %arg9[%get3A_867, %get3A_868] {strides = array<i32>} : memref<640x64xf32, #tpu.memory_space<vmem>>, vector<1x16xf32>,
        %get3A_870 = vector.shape_cast %get3A_869 : vector<1x16xf32> to vector<16xf32>
        %add3A_871 = arith.constant 1 : i32
        %add3A_872 = arith.addi %mul3A_528, %add3A_871 : i32
        %get3A_873 = arith.index_cast %add3A_872 : i32 to index
        %get3A_874 = arith.constant 32 : index
        %get3A_875 = tpu.vector_load %arg9[%get3A_873, %get3A_874] {strides = array<i32>} : memref<640x64xf32, #tpu.memory_space<vmem>>, vector<1x16xf32>,
        %get3A_876 = vector.shape_cast %get3A_875 : vector<1x16xf32> to vector<16xf32>
        %add3A_877 = arith.addf %get3A_870, %get3A_876 : vector<16xf32>
        %add3A_878 = arith.constant 2 : i32
        %add3A_879 = arith.addi %mul3A_528, %add3A_878 : i32
        %get3A_880 = arith.index_cast %add3A_879 : i32 to index
        %get3A_881 = arith.constant 32 : index
        %get3A_882 = tpu.vector_load %arg9[%get3A_880, %get3A_881] {strides = array<i32>} : memref<640x64xf32, #tpu.memory_space<vmem>>, vector<1x16xf32>,
        %get3A_883 = vector.shape_cast %get3A_882 : vector<1x16xf32> to vector<16xf32>
        %add3A_884 = arith.constant 3 : i32
        %add3A_885 = arith.addi %mul3A_528, %add3A_884 : i32
        %get3A_886 = arith.index_cast %add3A_885 : i32 to index
        %get3A_887 = arith.constant 32 : index
        %get3A_888 = tpu.vector_load %arg9[%get3A_886, %get3A_887] {strides = array<i32>} : memref<640x64xf32, #tpu.memory_space<vmem>>, vector<1x16xf32>,
        %get3A_889 = vector.shape_cast %get3A_888 : vector<1x16xf32> to vector<16xf32>
        %add3A_890 = arith.addf %get3A_883, %get3A_889 : vector<16xf32>
        %add3A_891 = arith.constant 4 : i32
        %add3A_892 = arith.addi %mul3A_528, %add3A_891 : i32
        %get3A_893 = arith.index_cast %add3A_892 : i32 to index
        %get3A_894 = arith.constant 32 : index
        %get3A_895 = tpu.vector_load %arg9[%get3A_893, %get3A_894] {strides = array<i32>} : memref<640x64xf32, #tpu.memory_space<vmem>>, vector<1x16xf32>,
        %get3A_896 = vector.shape_cast %get3A_895 : vector<1x16xf32> to vector<16xf32>
        %add3A_897 = arith.constant 5 : i32
        %add3A_898 = arith.addi %mul3A_528, %add3A_897 : i32
        %get3A_899 = arith.index_cast %add3A_898 : i32 to index
        %get3A_900 = arith.constant 32 : index
        %get3A_901 = tpu.vector_load %arg9[%get3A_899, %get3A_900] {strides = array<i32>} : memref<640x64xf32, #tpu.memory_space<vmem>>, vector<1x16xf32>,
        %get3A_902 = vector.shape_cast %get3A_901 : vector<1x16xf32> to vector<16xf32>
        %add3A_903 = arith.addf %get3A_896, %get3A_902 : vector<16xf32>
        %add3A_904 = arith.constant 6 : i32
        %add3A_905 = arith.addi %mul3A_528, %add3A_904 : i32
        %get3A_906 = arith.index_cast %add3A_905 : i32 to index
        %get3A_907 = arith.constant 32 : index
        %get3A_908 = tpu.vector_load %arg9[%get3A_906, %get3A_907] {strides = array<i32>} : memref<640x64xf32, #tpu.memory_space<vmem>>, vector<1x16xf32>,
        %get3A_909 = vector.shape_cast %get3A_908 : vector<1x16xf32> to vector<16xf32>
        %add3A_910 = arith.constant 7 : i32
        %add3A_911 = arith.addi %mul3A_528, %add3A_910 : i32
        %get3A_912 = arith.index_cast %add3A_911 : i32 to index
        %get3A_913 = arith.constant 32 : index
        %get3A_914 = tpu.vector_load %arg9[%get3A_912, %get3A_913] {strides = array<i32>} : memref<640x64xf32, #tpu.memory_space<vmem>>, vector<1x16xf32>,
        %get3A_915 = vector.shape_cast %get3A_914 : vector<1x16xf32> to vector<16xf32>
        %add3A_916 = arith.addf %get3A_909, %get3A_915 : vector<16xf32>
        %add3A_917 = arith.constant 8 : i32
        %add3A_918 = arith.addi %mul3A_528, %add3A_917 : i32
        %add3A_919 = arith.constant 0 : i32
        %add3A_920 = arith.addi %add3A_918, %add3A_919 : i32
        %get3A_921 = arith.index_cast %add3A_920 : i32 to index
        %get3A_922 = arith.constant 32 : index
        %get3A_923 = tpu.vector_load %arg9[%get3A_921, %get3A_922] {strides = array<i32>} : memref<640x64xf32, #tpu.memory_space<vmem>>, vector<1x16xf32>,
        %get3A_924 = vector.shape_cast %get3A_923 : vector<1x16xf32> to vector<16xf32>
        %add3A_925 = arith.addf %add3A_877, %get3A_924 : vector<16xf32>
        %add3A_926 = arith.constant 8 : i32
        %add3A_927 = arith.addi %mul3A_528, %add3A_926 : i32
        %add3A_928 = arith.constant 1 : i32
        %add3A_929 = arith.addi %add3A_927, %add3A_928 : i32
        %get3A_930 = arith.index_cast %add3A_929 : i32 to index
        %get3A_931 = arith.constant 32 : index
        %get3A_932 = tpu.vector_load %arg9[%get3A_930, %get3A_931] {strides = array<i32>} : memref<640x64xf32, #tpu.memory_space<vmem>>, vector<1x16xf32>,
        %get3A_933 = vector.shape_cast %get3A_932 : vector<1x16xf32> to vector<16xf32>
        %add3A_934 = arith.addf %add3A_890, %get3A_933 : vector<16xf32>
        %add3A_935 = arith.constant 8 : i32
        %add3A_936 = arith.addi %mul3A_528, %add3A_935 : i32
        %add3A_937 = arith.constant 2 : i32
        %add3A_938 = arith.addi %add3A_936, %add3A_937 : i32
        %get3A_939 = arith.index_cast %add3A_938 : i32 to index
        %get3A_940 = arith.constant 32 : index
        %get3A_941 = tpu.vector_load %arg9[%get3A_939, %get3A_940] {strides = array<i32>} : memref<640x64xf32, #tpu.memory_space<vmem>>, vector<1x16xf32>,
        %get3A_942 = vector.shape_cast %get3A_941 : vector<1x16xf32> to vector<16xf32>
        %add3A_943 = arith.addf %add3A_903, %get3A_942 : vector<16xf32>
        %add3A_944 = arith.constant 8 : i32
        %add3A_945 = arith.addi %mul3A_528, %add3A_944 : i32
        %add3A_946 = arith.constant 3 : i32
        %add3A_947 = arith.addi %add3A_945, %add3A_946 : i32
        %get3A_948 = arith.index_cast %add3A_947 : i32 to index
        %get3A_949 = arith.constant 32 : index
        %get3A_950 = tpu.vector_load %arg9[%get3A_948, %get3A_949] {strides = array<i32>} : memref<640x64xf32, #tpu.memory_space<vmem>>, vector<1x16xf32>,
        %get3A_951 = vector.shape_cast %get3A_950 : vector<1x16xf32> to vector<16xf32>
        %add3A_952 = arith.addf %add3A_916, %get3A_951 : vector<16xf32>
        %add3A_953 = arith.constant 12 : i32
        %add3A_954 = arith.addi %mul3A_528, %add3A_953 : i32
        %add3A_955 = arith.constant 0 : i32
        %add3A_956 = arith.addi %add3A_954, %add3A_955 : i32
        %get3A_957 = arith.index_cast %add3A_956 : i32 to index
        %get3A_958 = arith.constant 32 : index
        %get3A_959 = tpu.vector_load %arg9[%get3A_957, %get3A_958] {strides = array<i32>} : memref<640x64xf32, #tpu.memory_space<vmem>>, vector<1x16xf32>,
        %get3A_960 = vector.shape_cast %get3A_959 : vector<1x16xf32> to vector<16xf32>
        %add3A_961 = arith.addf %add3A_925, %get3A_960 : vector<16xf32>
        %add3A_962 = arith.constant 12 : i32
        %add3A_963 = arith.addi %mul3A_528, %add3A_962 : i32
        %add3A_964 = arith.constant 1 : i32
        %add3A_965 = arith.addi %add3A_963, %add3A_964 : i32
        %get3A_966 = arith.index_cast %add3A_965 : i32 to index
        %get3A_967 = arith.constant 32 : index
        %get3A_968 = tpu.vector_load %arg9[%get3A_966, %get3A_967] {strides = array<i32>} : memref<640x64xf32, #tpu.memory_space<vmem>>, vector<1x16xf32>,
        %get3A_969 = vector.shape_cast %get3A_968 : vector<1x16xf32> to vector<16xf32>
        %add3A_970 = arith.addf %add3A_934, %get3A_969 : vector<16xf32>
        %add3A_971 = arith.constant 12 : i32
        %add3A_972 = arith.addi %mul3A_528, %add3A_971 : i32
        %add3A_973 = arith.constant 2 : i32
        %add3A_974 = arith.addi %add3A_972, %add3A_973 : i32
        %get3A_975 = arith.index_cast %add3A_974 : i32 to index
        %get3A_976 = arith.constant 32 : index
        %get3A_977 = tpu.vector_load %arg9[%get3A_975, %get3A_976] {strides = array<i32>} : memref<640x64xf32, #tpu.memory_space<vmem>>, vector<1x16xf32>,
        %get3A_978 = vector.shape_cast %get3A_977 : vector<1x16xf32> to vector<16xf32>
        %add3A_979 = arith.addf %add3A_943, %get3A_978 : vector<16xf32>
        %add3A_980 = arith.constant 12 : i32
        %add3A_981 = arith.addi %mul3A_528, %add3A_980 : i32
        %add3A_982 = arith.constant 3 : i32
        %add3A_983 = arith.addi %add3A_981, %add3A_982 : i32
        %get3A_984 = arith.index_cast %add3A_983 : i32 to index
        %get3A_985 = arith.constant 32 : index
        %get3A_986 = tpu.vector_load %arg9[%get3A_984, %get3A_985] {strides = array<i32>} : memref<640x64xf32, #tpu.memory_space<vmem>>, vector<1x16xf32>,
        %get3A_987 = vector.shape_cast %get3A_986 : vector<1x16xf32> to vector<16xf32>
        %add3A_988 = arith.addf %add3A_952, %get3A_987 : vector<16xf32>
        %add3A_989 = arith.constant 16 : i32
        %add3A_990 = arith.addi %mul3A_528, %add3A_989 : i32
        %add3A_991 = arith.constant 0 : i32
        %add3A_992 = arith.addi %add3A_990, %add3A_991 : i32
        %get3A_993 = arith.index_cast %add3A_992 : i32 to index
        %get3A_994 = arith.constant 32 : index
        %get3A_995 = tpu.vector_load %arg9[%get3A_993, %get3A_994] {strides = array<i32>} : memref<640x64xf32, #tpu.memory_space<vmem>>, vector<1x16xf32>,
        %get3A_996 = vector.shape_cast %get3A_995 : vector<1x16xf32> to vector<16xf32>
        %add3A_997 = arith.addf %add3A_961, %get3A_996 : vector<16xf32>
        %add3A_998 = arith.constant 16 : i32
        %add3A_999 = arith.addi %mul3A_528, %add3A_998 : i32
        %add3A_1000 = arith.constant 1 : i32
        %add3A_1001 = arith.addi %add3A_999, %add3A_1000 : i32
        %get3A_1002 = arith.index_cast %add3A_1001 : i32 to index
        %get3A_1003 = arith.constant 32 : index
        %get3A_1004 = tpu.vector_load %arg9[%get3A_1002, %get3A_1003] {strides = array<i32>} : memref<640x64xf32, #tpu.memory_space<vmem>>, vector<1x16xf32>,
        %get3A_1005 = vector.shape_cast %get3A_1004 : vector<1x16xf32> to vector<16xf32>
        %add3A_1006 = arith.addf %add3A_970, %get3A_1005 : vector<16xf32>
        %add3A_1007 = arith.constant 16 : i32
        %add3A_1008 = arith.addi %mul3A_528, %add3A_1007 : i32
        %add3A_1009 = arith.constant 2 : i32
        %add3A_1010 = arith.addi %add3A_1008, %add3A_1009 : i32
        %get3A_1011 = arith.index_cast %add3A_1010 : i32 to index
        %get3A_1012 = arith.constant 32 : index
        %get3A_1013 = tpu.vector_load %arg9[%get3A_1011, %get3A_1012] {strides = array<i32>} : memref<640x64xf32, #tpu.memory_space<vmem>>, vector<1x16xf32>,
        %get3A_1014 = vector.shape_cast %get3A_1013 : vector<1x16xf32> to vector<16xf32>
        %add3A_1015 = arith.addf %add3A_979, %get3A_1014 : vector<16xf32>
        %add3A_1016 = arith.constant 16 : i32
        %add3A_1017 = arith.addi %mul3A_528, %add3A_1016 : i32
        %add3A_1018 = arith.constant 3 : i32
        %add3A_1019 = arith.addi %add3A_1017, %add3A_1018 : i32
        %get3A_1020 = arith.index_cast %add3A_1019 : i32 to index
        %get3A_1021 = arith.constant 32 : index
        %get3A_1022 = tpu.vector_load %arg9[%get3A_1020, %get3A_1021] {strides = array<i32>} : memref<640x64xf32, #tpu.memory_space<vmem>>, vector<1x16xf32>,
        %get3A_1023 = vector.shape_cast %get3A_1022 : vector<1x16xf32> to vector<16xf32>
        %add3A_1024 = arith.addf %add3A_988, %get3A_1023 : vector<16xf32>
        %add3A_1025 = arith.addf %add3A_997, %add3A_1006 : vector<16xf32>
        %add3A_1026 = arith.addf %add3A_1015, %add3A_1024 : vector<16xf32>
        %add3A_1027 = arith.addf %add3A_1025, %add3A_1026 : vector<16xf32>
        %swap3A_1028 = arith.index_cast %add3A_526 : i32 to index
        %swap3A_1029 = arith.constant 32 : index
        %swap3A_1030 = tpu.vector_load %arg10[%swap3A_1028, %swap3A_1029] {strides = array<i32>} : memref<32x64xf32, #tpu.memory_space<vmem>>, vector<1x16xf32>,
        %swap3A_1031 = vector.shape_cast %swap3A_1030 : vector<1x16xf32> to vector<16xf32>
        %swap3A_1032 = vector.shape_cast %add3A_1027 : vector<16xf32> to vector<1x16xf32>
        tpu.vector_store %arg10[%swap3A_1028, %swap3A_1029], %swap3A_1032 {strides = array<i32>} : memref<32x64xf32, #tpu.memory_space<vmem>>, vector<1x16xf32>,
        %add3A_1033 = arith.constant 0 : i32
        %add3A_1034 = arith.addi %mul3A_528, %add3A_1033 : i32
        %get3A_1035 = arith.index_cast %add3A_1034 : i32 to index
        %get3A_1036 = arith.constant 48 : index
        %get3A_1037 = tpu.vector_load %arg9[%get3A_1035, %get3A_1036] {strides = array<i32>} : memref<640x64xf32, #tpu.memory_space<vmem>>, vector<1x16xf32>,
        %get3A_1038 = vector.shape_cast %get3A_1037 : vector<1x16xf32> to vector<16xf32>
        %add3A_1039 = arith.constant 1 : i32
        %add3A_1040 = arith.addi %mul3A_528, %add3A_1039 : i32
        %get3A_1041 = arith.index_cast %add3A_1040 : i32 to index
        %get3A_1042 = arith.constant 48 : index
        %get3A_1043 = tpu.vector_load %arg9[%get3A_1041, %get3A_1042] {strides = array<i32>} : memref<640x64xf32, #tpu.memory_space<vmem>>, vector<1x16xf32>,
        %get3A_1044 = vector.shape_cast %get3A_1043 : vector<1x16xf32> to vector<16xf32>
        %add3A_1045 = arith.addf %get3A_1038, %get3A_1044 : vector<16xf32>
        %add3A_1046 = arith.constant 2 : i32
        %add3A_1047 = arith.addi %mul3A_528, %add3A_1046 : i32
        %get3A_1048 = arith.index_cast %add3A_1047 : i32 to index
        %get3A_1049 = arith.constant 48 : index
        %get3A_1050 = tpu.vector_load %arg9[%get3A_1048, %get3A_1049] {strides = array<i32>} : memref<640x64xf32, #tpu.memory_space<vmem>>, vector<1x16xf32>,
        %get3A_1051 = vector.shape_cast %get3A_1050 : vector<1x16xf32> to vector<16xf32>
        %add3A_1052 = arith.constant 3 : i32
        %add3A_1053 = arith.addi %mul3A_528, %add3A_1052 : i32
        %get3A_1054 = arith.index_cast %add3A_1053 : i32 to index
        %get3A_1055 = arith.constant 48 : index
        %get3A_1056 = tpu.vector_load %arg9[%get3A_1054, %get3A_1055] {strides = array<i32>} : memref<640x64xf32, #tpu.memory_space<vmem>>, vector<1x16xf32>,
        %get3A_1057 = vector.shape_cast %get3A_1056 : vector<1x16xf32> to vector<16xf32>
        %add3A_1058 = arith.addf %get3A_1051, %get3A_1057 : vector<16xf32>
        %add3A_1059 = arith.constant 4 : i32
        %add3A_1060 = arith.addi %mul3A_528, %add3A_1059 : i32
        %get3A_1061 = arith.index_cast %add3A_1060 : i32 to index
        %get3A_1062 = arith.constant 48 : index
        %get3A_1063 = tpu.vector_load %arg9[%get3A_1061, %get3A_1062] {strides = array<i32>} : memref<640x64xf32, #tpu.memory_space<vmem>>, vector<1x16xf32>,
        %get3A_1064 = vector.shape_cast %get3A_1063 : vector<1x16xf32> to vector<16xf32>
        %add3A_1065 = arith.constant 5 : i32
        %add3A_1066 = arith.addi %mul3A_528, %add3A_1065 : i32
        %get3A_1067 = arith.index_cast %add3A_1066 : i32 to index
        %get3A_1068 = arith.constant 48 : index
        %get3A_1069 = tpu.vector_load %arg9[%get3A_1067, %get3A_1068] {strides = array<i32>} : memref<640x64xf32, #tpu.memory_space<vmem>>, vector<1x16xf32>,
        %get3A_1070 = vector.shape_cast %get3A_1069 : vector<1x16xf32> to vector<16xf32>
        %add3A_1071 = arith.addf %get3A_1064, %get3A_1070 : vector<16xf32>
        %add3A_1072 = arith.constant 6 : i32
        %add3A_1073 = arith.addi %mul3A_528, %add3A_1072 : i32
        %get3A_1074 = arith.index_cast %add3A_1073 : i32 to index
        %get3A_1075 = arith.constant 48 : index
        %get3A_1076 = tpu.vector_load %arg9[%get3A_1074, %get3A_1075] {strides = array<i32>} : memref<640x64xf32, #tpu.memory_space<vmem>>, vector<1x16xf32>,
        %get3A_1077 = vector.shape_cast %get3A_1076 : vector<1x16xf32> to vector<16xf32>
        %add3A_1078 = arith.constant 7 : i32
        %add3A_1079 = arith.addi %mul3A_528, %add3A_1078 : i32
        %get3A_1080 = arith.index_cast %add3A_1079 : i32 to index
        %get3A_1081 = arith.constant 48 : index
        %get3A_1082 = tpu.vector_load %arg9[%get3A_1080, %get3A_1081] {strides = array<i32>} : memref<640x64xf32, #tpu.memory_space<vmem>>, vector<1x16xf32>,
        %get3A_1083 = vector.shape_cast %get3A_1082 : vector<1x16xf32> to vector<16xf32>
        %add3A_1084 = arith.addf %get3A_1077, %get3A_1083 : vector<16xf32>
        %add3A_1085 = arith.constant 8 : i32
        %add3A_1086 = arith.addi %mul3A_528, %add3A_1085 : i32
        %add3A_1087 = arith.constant 0 : i32
        %add3A_1088 = arith.addi %add3A_1086, %add3A_1087 : i32
        %get3A_1089 = arith.index_cast %add3A_1088 : i32 to index
        %get3A_1090 = arith.constant 48 : index
        %get3A_1091 = tpu.vector_load %arg9[%get3A_1089, %get3A_1090] {strides = array<i32>} : memref<640x64xf32, #tpu.memory_space<vmem>>, vector<1x16xf32>,
        %get3A_1092 = vector.shape_cast %get3A_1091 : vector<1x16xf32> to vector<16xf32>
        %add3A_1093 = arith.addf %add3A_1045, %get3A_1092 : vector<16xf32>
        %add3A_1094 = arith.constant 8 : i32
        %add3A_1095 = arith.addi %mul3A_528, %add3A_1094 : i32
        %add3A_1096 = arith.constant 1 : i32
        %add3A_1097 = arith.addi %add3A_1095, %add3A_1096 : i32
        %get3A_1098 = arith.index_cast %add3A_1097 : i32 to index
        %get3A_1099 = arith.constant 48 : index
        %get3A_1100 = tpu.vector_load %arg9[%get3A_1098, %get3A_1099] {strides = array<i32>} : memref<640x64xf32, #tpu.memory_space<vmem>>, vector<1x16xf32>,
        %get3A_1101 = vector.shape_cast %get3A_1100 : vector<1x16xf32> to vector<16xf32>
        %add3A_1102 = arith.addf %add3A_1058, %get3A_1101 : vector<16xf32>
        %add3A_1103 = arith.constant 8 : i32
        %add3A_1104 = arith.addi %mul3A_528, %add3A_1103 : i32
        %add3A_1105 = arith.constant 2 : i32
        %add3A_1106 = arith.addi %add3A_1104, %add3A_1105 : i32
        %get3A_1107 = arith.index_cast %add3A_1106 : i32 to index
        %get3A_1108 = arith.constant 48 : index
        %get3A_1109 = tpu.vector_load %arg9[%get3A_1107, %get3A_1108] {strides = array<i32>} : memref<640x64xf32, #tpu.memory_space<vmem>>, vector<1x16xf32>,
        %get3A_1110 = vector.shape_cast %get3A_1109 : vector<1x16xf32> to vector<16xf32>
        %add3A_1111 = arith.addf %add3A_1071, %get3A_1110 : vector<16xf32>
        %add3A_1112 = arith.constant 8 : i32
        %add3A_1113 = arith.addi %mul3A_528, %add3A_1112 : i32
        %add3A_1114 = arith.constant 3 : i32
        %add3A_1115 = arith.addi %add3A_1113, %add3A_1114 : i32
        %get3A_1116 = arith.index_cast %add3A_1115 : i32 to index
        %get3A_1117 = arith.constant 48 : index
        %get3A_1118 = tpu.vector_load %arg9[%get3A_1116, %get3A_1117] {strides = array<i32>} : memref<640x64xf32, #tpu.memory_space<vmem>>, vector<1x16xf32>,
        %get3A_1119 = vector.shape_cast %get3A_1118 : vector<1x16xf32> to vector<16xf32>
        %add3A_1120 = arith.addf %add3A_1084, %get3A_1119 : vector<16xf32>
        %add3A_1121 = arith.constant 12 : i32
        %add3A_1122 = arith.addi %mul3A_528, %add3A_1121 : i32
        %add3A_1123 = arith.constant 0 : i32
        %add3A_1124 = arith.addi %add3A_1122, %add3A_1123 : i32
        %get3A_1125 = arith.index_cast %add3A_1124 : i32 to index
        %get3A_1126 = arith.constant 48 : index
        %get3A_1127 = tpu.vector_load %arg9[%get3A_1125, %get3A_1126] {strides = array<i32>} : memref<640x64xf32, #tpu.memory_space<vmem>>, vector<1x16xf32>,
        %get3A_1128 = vector.shape_cast %get3A_1127 : vector<1x16xf32> to vector<16xf32>
        %add3A_1129 = arith.addf %add3A_1093, %get3A_1128 : vector<16xf32>
        %add3A_1130 = arith.constant 12 : i32
        %add3A_1131 = arith.addi %mul3A_528, %add3A_1130 : i32
        %add3A_1132 = arith.constant 1 : i32
        %add3A_1133 = arith.addi %add3A_1131, %add3A_1132 : i32
        %get3A_1134 = arith.index_cast %add3A_1133 : i32 to index
        %get3A_1135 = arith.constant 48 : index
        %get3A_1136 = tpu.vector_load %arg9[%get3A_1134, %get3A_1135] {strides = array<i32>} : memref<640x64xf32, #tpu.memory_space<vmem>>, vector<1x16xf32>,
        %get3A_1137 = vector.shape_cast %get3A_1136 : vector<1x16xf32> to vector<16xf32>
        %add3A_1138 = arith.addf %add3A_1102, %get3A_1137 : vector<16xf32>
        %add3A_1139 = arith.constant 12 : i32
        %add3A_1140 = arith.addi %mul3A_528, %add3A_1139 : i32
        %add3A_1141 = arith.constant 2 : i32
        %add3A_1142 = arith.addi %add3A_1140, %add3A_1141 : i32
        %get3A_1143 = arith.index_cast %add3A_1142 : i32 to index
        %get3A_1144 = arith.constant 48 : index
        %get3A_1145 = tpu.vector_load %arg9[%get3A_1143, %get3A_1144] {strides = array<i32>} : memref<640x64xf32, #tpu.memory_space<vmem>>, vector<1x16xf32>,
        %get3A_1146 = vector.shape_cast %get3A_1145 : vector<1x16xf32> to vector<16xf32>
        %add3A_1147 = arith.addf %add3A_1111, %get3A_1146 : vector<16xf32>
        %add3A_1148 = arith.constant 12 : i32
        %add3A_1149 = arith.addi %mul3A_528, %add3A_1148 : i32
        %add3A_1150 = arith.constant 3 : i32
        %add3A_1151 = arith.addi %add3A_1149, %add3A_1150 : i32
        %get3A_1152 = arith.index_cast %add3A_1151 : i32 to index
        %get3A_1153 = arith.constant 48 : index
        %get3A_1154 = tpu.vector_load %arg9[%get3A_1152, %get3A_1153] {strides = array<i32>} : memref<640x64xf32, #tpu.memory_space<vmem>>, vector<1x16xf32>,
        %get3A_1155 = vector.shape_cast %get3A_1154 : vector<1x16xf32> to vector<16xf32>
        %add3A_1156 = arith.addf %add3A_1120, %get3A_1155 : vector<16xf32>
        %add3A_1157 = arith.constant 16 : i32
        %add3A_1158 = arith.addi %mul3A_528, %add3A_1157 : i32
        %add3A_1159 = arith.constant 0 : i32
        %add3A_1160 = arith.addi %add3A_1158, %add3A_1159 : i32
        %get3A_1161 = arith.index_cast %add3A_1160 : i32 to index
        %get3A_1162 = arith.constant 48 : index
        %get3A_1163 = tpu.vector_load %arg9[%get3A_1161, %get3A_1162] {strides = array<i32>} : memref<640x64xf32, #tpu.memory_space<vmem>>, vector<1x16xf32>,
        %get3A_1164 = vector.shape_cast %get3A_1163 : vector<1x16xf32> to vector<16xf32>
        %add3A_1165 = arith.addf %add3A_1129, %get3A_1164 : vector<16xf32>
        %add3A_1166 = arith.constant 16 : i32
        %add3A_1167 = arith.addi %mul3A_528, %add3A_1166 : i32
        %add3A_1168 = arith.constant 1 : i32
        %add3A_1169 = arith.addi %add3A_1167, %add3A_1168 : i32
        %get3A_1170 = arith.index_cast %add3A_1169 : i32 to index
        %get3A_1171 = arith.constant 48 : index
        %get3A_1172 = tpu.vector_load %arg9[%get3A_1170, %get3A_1171] {strides = array<i32>} : memref<640x64xf32, #tpu.memory_space<vmem>>, vector<1x16xf32>,
        %get3A_1173 = vector.shape_cast %get3A_1172 : vector<1x16xf32> to vector<16xf32>
        %add3A_1174 = arith.addf %add3A_1138, %get3A_1173 : vector<16xf32>
        %add3A_1175 = arith.constant 16 : i32
        %add3A_1176 = arith.addi %mul3A_528, %add3A_1175 : i32
        %add3A_1177 = arith.constant 2 : i32
        %add3A_1178 = arith.addi %add3A_1176, %add3A_1177 : i32
        %get3A_1179 = arith.index_cast %add3A_1178 : i32 to index
        %get3A_1180 = arith.constant 48 : index
        %get3A_1181 = tpu.vector_load %arg9[%get3A_1179, %get3A_1180] {strides = array<i32>} : memref<640x64xf32, #tpu.memory_space<vmem>>, vector<1x16xf32>,
        %get3A_1182 = vector.shape_cast %get3A_1181 : vector<1x16xf32> to vector<16xf32>
        %add3A_1183 = arith.addf %add3A_1147, %get3A_1182 : vector<16xf32>
        %add3A_1184 = arith.constant 16 : i32
        %add3A_1185 = arith.addi %mul3A_528, %add3A_1184 : i32
        %add3A_1186 = arith.constant 3 : i32
        %add3A_1187 = arith.addi %add3A_1185, %add3A_1186 : i32
        %get3A_1188 = arith.index_cast %add3A_1187 : i32 to index
        %get3A_1189 = arith.constant 48 : index
        %get3A_1190 = tpu.vector_load %arg9[%get3A_1188, %get3A_1189] {strides = array<i32>} : memref<640x64xf32, #tpu.memory_space<vmem>>, vector<1x16xf32>,
        %get3A_1191 = vector.shape_cast %get3A_1190 : vector<1x16xf32> to vector<16xf32>
        %add3A_1192 = arith.addf %add3A_1156, %get3A_1191 : vector<16xf32>
        %add3A_1193 = arith.addf %add3A_1165, %add3A_1174 : vector<16xf32>
        %add3A_1194 = arith.addf %add3A_1183, %add3A_1192 : vector<16xf32>
        %add3A_1195 = arith.addf %add3A_1193, %add3A_1194 : vector<16xf32>
        %swap3A_1196 = arith.index_cast %add3A_526 : i32 to index
        %swap3A_1197 = arith.constant 48 : index
        %swap3A_1198 = tpu.vector_load %arg10[%swap3A_1196, %swap3A_1197] {strides = array<i32>} : memref<32x64xf32, #tpu.memory_space<vmem>>, vector<1x16xf32>,
        %swap3A_1199 = vector.shape_cast %swap3A_1198 : vector<1x16xf32> to vector<16xf32>
        %swap3A_1200 = vector.shape_cast %add3A_1195 : vector<16xf32> to vector<1x16xf32>
        tpu.vector_store %arg10[%swap3A_1196, %swap3A_1197], %swap3A_1200 {strides = array<i32>} : memref<32x64xf32, #tpu.memory_space<vmem>>, vector<1x16xf32>,
      }
      %scan3A_521 = arith.constant 32 : i32
      "tpu.region"() ({
        %run_scoped3A = tpu.sem_alloc : memref<!tpu.dma_semaphore, #tpu.memory_space<semaphore_mem>>
        %dma_start3A_522 = arith.constant 0 : i32
        %dma_start3A_523 = tpu.memref_slice %arg5[%add3A_516, %dma_start3A_522] : memref<106496x64xf32, #tpu.memory_space<hbm>> -> memref<32x64xf32, #tpu.memory_space<hbm>>
        %dma_start3A_524 = arith.constant 0 : i32
        %dma_start3A_525 = tpu.memref_slice %arg5[%add3A_516, %dma_start3A_524] : memref<106496x64xf32, #tpu.memory_space<hbm>> -> memref<32x64xf32, #tpu.memory_space<hbm>>
        tpu.enqueue_dma source(%arg10 : memref<32x64xf32, #tpu.memory_space<vmem>>) target(%dma_start3A_525 : memref<32x64xf32, #tpu.memory_space<hbm>>) target_semaphore(%run_scoped3A : memref<!tpu.dma_semaphore, #tpu.memory_space<semaphore_mem>>)
        %dma_wait3A_526 = arith.constant 0 : i32
        %dma_wait3A_527 = tpu.memref_slice %arg5[%add3A_516, %dma_wait3A_526] : memref<106496x64xf32, #tpu.memory_space<hbm>> -> memref<32x64xf32, #tpu.memory_space<hbm>>
        %dma_wait3A_528 = arith.constant 0 : i32
        %dma_wait3A_529 = tpu.memref_slice %arg5[%add3A_516, %dma_wait3A_528] : memref<106496x64xf32, #tpu.memory_space<hbm>> -> memref<32x64xf32, #tpu.memory_space<hbm>>
        tpu.wait_dma2 semaphore(%run_scoped3A : memref<!tpu.dma_semaphore, #tpu.memory_space<semaphore_mem>>) src(%arg10 : memref<32x64xf32, #tpu.memory_space<vmem>>) dst(%dma_wait3A_529 : memref<32x64xf32, #tpu.memory_space<hbm>>)
        tpu.yield
      }) : () -> ()
    }
    %scan3A_404 = arith.constant 52 : i32
    return
  }
}

</mosaic_0001>

<sc_bundles>
// kernel: _fused_bag_sum.3.cloned.1.call-start
scs
__scs_entry_jumppad:
0x0: {  	(pc) =	sbr.rel $0x88, $3  }
0x1: {  	(tag) =	ssettag $0x0;
	lr =	simm.s32 $0x1  }
0x2: {  	[smem:$0x3F9E] =	sst lr;
	_ =	strace $0xD0000000  }
0x3: {  	_ = 	snop  }
0x4: {  	_ = 	snop  }
0x5: {  	_ = 	snop  }
0x6: {  	_ = 	snop  }
0x7: {  	_ = 	snop  }
__scs_overlays_trampoline_lowered:
0x8: {  	[smem:$0x3FAD] =	sst s0  }
0x9: {  	[smem:$0x3FAE] =	sst s1  }
0xa: {  	[smem:$0x3FAF] =	sst s2  }
0xb: {  	[smem:$0x3FB0] =	sst s3  }
0xc: {  	[smem:$0x3FB1] =	sst s4  }
0xd: {  	[smem:$0x3FB2] =	sst s5  }
0xe: {  	[smem:$0x3FB3] =	sst s6  }
0xf: {  	[smem:$0x3FB4] =	sst s7  }
0x10: {  	[smem:$0x3FB5] =	sst s8  }
0x11: {  	[smem:$0x3FB6] =	sst s9;
	s0 =	simm.s32 @!p0 $0x0  }
0x12: {  	s1 =	sld [smem:$0x3F9C];
	s0 =	simm.s32 @p0 $0x1  }
0x13: {  	[smem:$0x3FB7] =	sst s0;
	s0 =	simm.s32 @!p1 $0x0  }
0x14: {  	s2 =	sld [smem:$0x3F9B];
	s0 =	simm.s32 @p1 $0x1  }
0x15: {  	[smem:$0x3FB8] =	sst s0;
	s0 =	simm.s32 @!p2 $0x0  }
0x16: {  	s3 =	sld [smem:$0x3FDB];
	s0 =	simm.s32 @p2 $0x1  }
0x17: {  	s4 =	simm.s32 $0x1BF5;
	[smem:$0x3FBA] =	sst s0  }
0x18: {  	s0 =	sld [smem:$0x3F9D];
	_ =	swait.ge [sflag:s4], $0x0  }
0x19: {  	s7 =	sld [smem:$0x3F9E]  }
0x1a: {  	s8 =	sadd.s32 $0xFFFFE003, lr  }
0x1b: {  	s9 =	sadd.s32 $0xFFFFFEF7, lr;
	s5 =	simm.s32 $0xFFFFFFFF;
	p2 =	slt.u32 s8, $0xFFFFF086  }
0x1c: {  	p1 =	slt.u32 s9, $0xF7A;
	s5 =	simm.s32 @!p2 $0x0  }
0x1d: {  	s5 =	simm.s32 @p1 $0x1;
	p0 =	seq.s32 s7, s2  }
0x1e: {  	s7 =	smul.u32 @!p0 $0xF7A, s2;
	p2 =	seq.s32 @!p0 s5, $0x0  }
0x1f: {  	s9 =	smul.u32 $0xF7A, s1;
	s8 =	simm.s32 @!p0 $0x1BF5;
	p2 =	por !p2, p0  }
0x20: {  	[sflag:s8] =	ssyncset.s32 @!p0 $0xFFFFF086;
	s6 =	sadd.s32 @!p0 s3, s7;
	s7 =	simm.s32 @!p0 $0x108  }
0x21: {  	s3 =	sadd.s32 s3, s9;
	s6 =	sadd.s32 @!p0 $0x88, s6;
	s7 =	simm.s32 @p2 $0x1082  }
0x22: {  	[simem:s7], [sflag:s8] =	dma.local @!p0 [hbm:s6], $0xF7A  }
0x23: {  	s9 =	sor.u32 $0xD0000000, s2;
	s6 =	simm.s32 $0x108;
	_ =	swait.ge @!p0 [sflag:s8], $0x0  }
0x24: {  	s3 =	sadd.s32 $0x88, s3;
	s6 =	simm.s32 @!p1 $0x1082;
	[sflag:s4] =	ssyncset.s32 $0xFFFFF086  }
0x25: {  	[simem:s6], [sflag:s4] =	dma.local [hbm:s3], $0xF7A  }
0x26: {  	[smem:$0x3F9E] =	sst s1;
	(tag) =	ssettag s2;
	_ =	strace s9  }
0x27: {  	s1 =	sld [smem:$0x3FAE]  }
0x28: {  	s2 =	sld [smem:$0x3FAF]  }
0x29: {  	s4 =	sld [smem:$0x3FB1]  }
0x2a: {  	p0 =	seq.s32 s5, $0x0;
	s5 =	sld [smem:$0x3FB2]  }
0x2b: {  	s6 =	sld [smem:$0x3FB3]  }
0x2c: {  	s7 =	sld [smem:$0x3FB4]  }
0x2d: {  	s3 =	simm.s32 $0x108;
	s8 =	sld [smem:$0x3FB5]  }
0x2e: {  	s3 =	simm.s32 @!p0 $0x1082;
	s9 =	sld [smem:$0x3FB6]  }
0x2f: {  	lr =	sadd.s32 s0, s3;
	s0 =	sld [smem:$0x3FAD]  }
0x30: {  	s3 =	sld [smem:$0x3FB0]  }
0x31: {  	[smem:$0x3FB9] =	sst s10  }
0x32: {  	s10 =	sld [smem:$0x3FB7];
	_ =	sdelay $0x3  }
0x33: {  	p0 =	seq.s32 s10, $0x1;
	s10 =	sld [smem:$0x3FB9];
	_ =	sdelay $0x3  }
0x34: {  	[smem:$0x3FB9] =	sst s10  }
0x35: {  	s10 =	sld [smem:$0x3FB8];
	_ =	sdelay $0x3  }
0x36: {  	p1 =	seq.s32 s10, $0x1;
	s10 =	sld [smem:$0x3FB9];
	_ =	sdelay $0x3  }
0x37: {  	[smem:$0x3FB9] =	sst s10  }
0x38: {  	s10 =	sld [smem:$0x3FBA]  }
0x39: {  	_ = 	snop;
	(pc) =	sbr.ind lr, $3  }
0x3a: {  	_ = 	snop  }
0x3b: {  	_ = 	snop  }
0x3c: {  	p2 =	seq.s32 s10, $0x1;
	s10 =	sld [smem:$0x3FB9]  }
0x3d: {  	_ =	shalt  }
0x3e: {  	_ =	shalt  }
0x3f: {  	_ =	shalt  }
0x40: {  	_ =	shalt  }
0x41: {  	_ =	shalt  }
0x42: {  	_ =	shalt  }
0x43: {  	_ =	shalt  }
0x44: {  	_ =	shalt  }
0x45: {  	_ =	shalt  }
0x46: {  	_ =	shalt  }
0x47: {  	_ =	shalt  }
0x48: {  	_ =	shalt  }
0x49: {  	_ =	shalt  }
0x4a: {  	_ =	shalt  }
0x4b: {  	_ =	shalt  }
0x4c: {  	_ =	shalt  }
0x4d: {  	_ =	shalt  }
0x4e: {  	_ =	shalt  }
0x4f: {  	_ =	shalt  }
0x50: {  	_ =	shalt  }
0x51: {  	_ =	shalt  }
0x52: {  	_ =	shalt  }
0x53: {  	_ =	shalt  }
0x54: {  	_ =	shalt  }
0x55: {  	_ =	shalt  }
0x56: {  	_ =	shalt  }
0x57: {  	_ =	shalt  }
0x58: {  	_ =	shalt  }
0x59: {  	_ =	shalt  }
0x5a: {  	_ =	shalt  }
0x5b: {  	_ =	shalt  }
0x5c: {  	_ =	shalt  }
0x5d: {  	_ =	shalt  }
0x5e: {  	_ =	shalt  }
0x5f: {  	_ =	shalt  }
0x60: {  	_ =	shalt  }
0x61: {  	_ =	shalt  }
0x62: {  	_ =	shalt  }
0x63: {  	_ =	shalt  }
0x64: {  	_ =	shalt  }
0x65: {  	_ =	shalt  }
0x66: {  	_ =	shalt  }
0x67: {  	_ =	shalt  }
0x68: {  	_ =	shalt  }
0x69: {  	_ =	shalt  }
0x6a: {  	_ =	shalt  }
0x6b: {  	_ =	shalt  }
0x6c: {  	_ =	shalt  }
0x6d: {  	_ =	shalt  }
0x6e: {  	_ =	shalt  }
0x6f: {  	_ =	shalt  }
0x70: {  	_ =	shalt  }
0x71: {  	_ =	shalt  }
0x72: {  	_ =	shalt  }
0x73: {  	_ =	shalt  }
0x74: {  	_ =	shalt  }
0x75: {  	_ =	shalt  }
0x76: {  	_ =	shalt  }
0x77: {  	_ =	shalt  }
0x78: {  	_ =	shalt  }
0x79: {  	_ =	shalt  }
0x7a: {  	_ =	shalt  }
0x7b: {  	_ =	shalt  }
0x7c: {  	_ =	shalt  }
0x7d: {  	_ =	shalt  }
0x7e: {  	_ =	shalt  }
0x7f: {  	_ =	shalt  }
0x80: {  	_ =	shalt  }
0x81: {  	_ =	shalt  }
0x82: {  	_ =	shalt  }
0x83: {  	_ =	shalt  }
0x84: {  	_ =	shalt  }
0x85: {  	_ =	shalt  }
0x86: {  	_ =	shalt  }
0x87: {  	_ =	shalt  }
.Lfunc_end0:
.L_simem_size_0:
called_computation_lowered:
.L_overlay_start_0:
0x88: {  	s2 =	sld [smem:$0x3FD9]  }
0x89: {  	s3 =	sld [smem:$0x3FFE];
	_ =	sdelay $0x1  }
0x8a: {  	s1 =	srdreg.scid  }
0x8b: {  	s0 =	sand.u32 $0x1, s1  }
0x8c: {  	s17 =	sshll.u32 s0, $0xA;
	s2 =	sadd.s32 s3, s2  }
0x8d: {  	s2 =	sadd.s32 s2, s17  }
0x8e: {  	[smem:$0x3FC5] =	sst s2  }
0x8f: {  	_ = 	snop  }
0x90: {  	s2 =	sld [smem:$0x3FC9]  }
0x91: {  	s18 =	sld [smem:$0x3FC7]  }
0x92: {  	s4 =	sld [smem:$0x3FD0];
	(tm) =	ssettm $0x1  }
0x93: {  	s5 =	sld [smem:$0x3FFB];
	_ =	sdelay $0x3  }
0x94: {  	_ =	strace s5  }
0x95: {  	s5 =	sld [smem:$0x3FFC];
	_ =	sdelay $0x3  }
0x96: {  	_ =	strace s5  }
0x97: {  	s5 =	sld [smem:$0x3FFD];
	_ =	sdelay $0x3  }
0x98: {  	_ =	strace s5  }
0x99: {  	_ =	strace $0x8FFFFFFF  }
0x9a: {  	s19 =	sld [smem:$0x3FDB];
	_ =	sdelay $0x1  }
0x9b: {  	s6 =	simm.s32 $_scs_section_size  }
0x9c: {  	s7 =	simm.s32 $_size__tile_overlayer_lowered;
	s8 =	simm.s32 $_tile_overlayer_lowered  }
0x9d: {  	s22 =	simm.s32 $0x1BFF;
	s21 =	sshll.u32 s8, $0x1;
	s5 =	sadd.s32 s6, s19  }
0x9e: {  	s9 =	simm.s32 $0x0;
	s20 =	sshll.u32 s7, $0x1;
	s7 =	sadd.s32 s21, s5  }
0x9f: {  	[timem:s9], [sflag:s22] =	dma.local [hbm:s7], s20  }
0xa0: {  	_ =	swait.ge [sflag:s22], s20  }
0xa1: {  	s6 =	ssub.s32 $0x0, s20;
	[sflag:s22] =	ssyncset.done $0x0  }
0xa2: {  	[sflag:s22] =	ssyncadd.s32 s6;
	_ =	sdelay $0x1  }
0xa3: {  	s23 =	simm.s32 $0x1B8B  }
0xa4: {  	_ =	swait.ge [sflag:s23], $0x1  }
0xa5: {  	[sflag:s23] =	ssyncset.done $0x0  }
0xa6: {  	s25 =	simm.s32 $0x1B8E;
	s24 =	sld [smem:$0x3FFE];
	[sflag:s23] =	ssyncadd.s32 $0xFFFFFFFF  }
0xa7: {  	s26 =	simm.s32 $execute0_lowered;
	[smem:$0x3FD2] =	sst s25  }
0xa8: {  	s7 =	sshll.u32 s26, $0x1;
	_ =	strace $0x80000046;
	[dreg:$0x1] =	wrdreg $0xFFFFFFFF  }
0xa9: {  	s28 =	simm.s32 $_size_execute0_lowered;
	s5 =	sadd.s32 s5, s7;
	[dreg:$0x0] =	wrdreg $0x0  }
0xaa: {  	s7 =	sshll.u32 s28, $0x1;
	[dreg:$0x2] =	wrdreg s5  }
0xab: {  	[dreg:$0x3] =	wrdreg s7  }
0xac: {  	[dreg:$0x4] =	wrdreg $0xC0  }
0xad: {  	_ =	task [dreg:s9], $0x5FFFF  }
0xae: {  	[dreg:$0x1] =	wrdreg $0xFFFFFFFF  }
0xaf: {  	[dreg:$0x0] =	wrdreg $0x60  }
0xb0: {  	[dreg:$0x2] =	wrdreg s2  }
0xb1: {  	[dreg:$0x3] =	wrdreg s24  }
0xb2: {  	[dreg:$0x4] =	wrdreg s18  }
0xb3: {  	[dreg:$0x5] =	wrdreg s4  }
0xb4: {  	[dreg:$0x6] =	wrdreg $0x9  }
0xb5: {  	_ =	task.clear_ibuf [dreg:s9], $0x7FFFF;
	_ =	strace $0x90000046  }
0xb6: {  	s29 =	simm.s32 $0x9;
	_ =	strace $0x80000048  }
0xb7: {  	_ =	swait.ge [sflag:s29], $0x1  }
0xb8: {  	[sflag:s29] =	ssyncadd.s32 $0xFFFFFFFF  }
0xb9: {  	_ =	strace $0x90000048  }
0xba: {  	_ =	sfence  }
0xbb: {  	s30 =	sld [smem:$0x0];
	_ =	sdelay $0x2  }
0xbc: {  	s31 =	sshll.u32 s1, $0xD;
	s1 =	sshrl.u32 s1, $0x2  }
0xbd: {  	s3 =	sand.u32 $0x4000, s31;
	s1 =	sadd.s32 s1, s30  }
0xbe: {  	s0 =	sor.u32 s3, s0;
	s1 =	sshll.u32 s1, $0x11  }
0xbf: {  	s0 =	sor.u32 s1, s0  }
0xc0: {  	s0 =	sadd.s32 $0x8F2B, s0  }
0xc1: {  	[sflag:s0] =	ssyncadd.remote.s32 $0x1  }
0xc2: {  	_ =	sfence.sel $0xFFFF  }
0xc3: {  	[dreg:$0x0] =	wrdreg $0xFFFFFFFF;
	(pc) =	sbr.abs _section_cstart, $3  }
0xc4: {  	[dreg:$0x1] =	wrdreg $0xFFFFFFFF  }
0xc5: {  	_ =	task.clear_ibuf [dreg:s9], $0x2FFFF;
	_ =	strace $0x9FFFFFFF  }
0xc6: {  	(tm) =	ssettm $0x7FFFFFFF  }
0xc7: {  	_ =	shalt  }
tec
execute0_lowered:
.L_overlay_start_1:
0x0: {  	(tag) =	ssettag $0x1  }
0x1: {  	s1 =	rddreg [dreg:$0x0]  }
0x2: {  	s0 =	rddreg [dreg:$0x1];
	s2 =	srdreg.scid  }
0x3: {  	s3 =	stileid.u32;
	s4 =	rddreg [dreg:$0x3]  }
0x4: {  	s5 =	simm.s32 $0x0;
	s14 =	simm.s32 $0x5;
	s15 =	simm.s32 $0x3  }
0x5: {  	s16 =	simm.s32 $0x80;
	s28 =	simm.s32 $0xA500;
	s29 =	simm.s32 $0x300  }
0x6: {  	s30 =	simm.s32 $0xC500;
	s31 =	simm.s32 $0x380;
	s13 =	simm.s32 $0x480  }
0x7: {  	s12 =	simm.s32 $0x14500;
	s17 =	simm.s32 $0x2;
	s19 =	simm.s32 $0x0  }
0x8: {  	s2 =	sand.u32 $0x1, s2;
	s3 =	sshll.u32 s3, $0x1;
	[smem:$0x7FF] =	sst s5  }
0x9: {  	s11 =	sadd.s32 $0x100, s4;
	s3 =	sor.u32 s2, s3;
	s2 =	ssub.s32 $0x2, s2  }
0xa: {  	_ =	strace $0x80000047;
	s6 =	smul.u32 $0xA00, s3;
	s7 =	sshrl.u32 s2, $0x1  }
0xb: {  	s8 =	smul.u32 $0x140, s3;
	s10 =	sshll.u32 s3, $0xA;
	s24 =	ssub.s32 s2, s7  }
0xc: {  	s7 =	simm.s32 $0x12500;
	s9 =	sshrl.u32 s6, $0x3;
	s6 =	sadd.s32 $0x27AC800, s0  }
0xd: {  	s26 =	sadd.s32 s1, s8;
	s8 =	sshll.u32 s3, $0x7;
	s0 =	smax.u32 s24, $0x1  }
0xe: {  	s24 =	simm.s32 $0x8500;
	s3 =	simm.s32 $0x10500;
	[dreg:$0x5] =	wrdreg s26  }
0xf: {  	s25 =	sadd.s32 s1, s9;
	[dreg:$0x7] =	wrdreg s0;
	s26 =	simm.s32 $0x4  }
0x10: {  	s0 =	simm.s32 $0x400;
	s9 =	simm.s32 $0x1;
	s2 =	sadd.s32 $0x50, s25  }
0x11: {  	s25 =	simm.s32 $0x280;
	[dreg:$0x6] =	wrdreg s2;
	s2 =	simm.s32 $0xE500  }
.LBB2_1:
0x12: {  	[dreg:$0x8] =	wrdreg s19  }
0x13: {  	s18 =	rddreg [dreg:$0x2];
	s23 =	simm.s32 $0x14D00  }
0x14: {  	[tilespmem:s23], [sflag:$0x5] =	stream.linear.gather [hbm4b:s18+s5], $0x200, $0x38;
	[tilespmem:$0x14F00] =	vst v63  }
0x15: {  	_ =	swait.ge [sflag:s14], $0x200  }
0x16: {  	[sflag:s14] =	ssyncset.done $0x0  }
0x17: {  	s19 =	rddreg [dreg:$0x5];
	[sflag:s14] =	ssyncadd.s32 $0xFFFFFE00  }
0x18: {  	[tilespmem:s5], [sflag:$0x3] =	stream.linear.gather [hbm4b:s19+s5], $0x280, $0x38;
	[tilespmem:$0x14F00] =	vst v63  }
0x19: {  	_ =	swait.ge [sflag:s15], $0x280  }
0x1a: {  	[sflag:s15] =	ssyncset.done $0x0  }
0x1b: {  	[sflag:s15] =	ssyncadd.s32 $0xFFFFFD80  }
0x1c: {  	v0 =	vld [tilespmem:$0x14D00]  }
0x1d: {  	v1 =	vld [tilespmem:$0x0]  }
0x1e: {  	v2 =	vld [tilespmem:$0x10]  }
0x1f: {  	v3 =	vld [tilespmem:$0x20]  }
0x20: {  	v4 =	vld [tilespmem:$0x30]  }
0x21: {  	v5 =	vld [tilespmem:$0x40]  }
0x22: {  	v6 =	vld [tilespmem:$0x50];
	v1 =	vadd.s32 v0, v1  }
0x23: {  	v49 =	vld [tilespmem:$0x60];
	v48 =	vadd.s32 v0, v2;
	[tilespmem:$0x0] =	vst v1  }
0x24: {  	v51 =	vld [tilespmem:$0x70];
	v50 =	vadd.s32 v0, v3;
	[tilespmem:$0x10] =	vst v48  }
0x25: {  	v53 =	vld [tilespmem:$0x80];
	v52 =	vadd.s32 v0, v4;
	[tilespmem:$0x20] =	vst v50  }
0x26: {  	v55 =	vld [tilespmem:$0x90];
	v54 =	vadd.s32 v0, v5;
	[tilespmem:$0x30] =	vst v52  }
0x27: {  	v57 =	vld [tilespmem:$0xA0];
	v56 =	vadd.s32 v0, v6;
	[tilespmem:$0x40] =	vst v54  }
0x28: {  	v59 =	vld [tilespmem:$0xB0];
	v58 =	vadd.s32 v0, v49;
	[tilespmem:$0x50] =	vst v56  }
0x29: {  	v61 =	vld [tilespmem:$0xC0];
	v60 =	vadd.s32 v0, v51;
	[tilespmem:$0x60] =	vst v58  }
0x2a: {  	v63 =	vld [tilespmem:$0xD0];
	v62 =	vadd.s32 v0, v53;
	[tilespmem:$0x70] =	vst v60  }
0x2b: {  	v9 =	vld [tilespmem:$0xE0];
	v8 =	vadd.s32 v0, v55;
	[tilespmem:$0x80] =	vst v62  }
0x2c: {  	v11 =	vld [tilespmem:$0xF0];
	v10 =	vadd.s32 v0, v57;
	[tilespmem:$0x90] =	vst v8  }
0x2d: {  	v13 =	vld [tilespmem:$0x100];
	v12 =	vadd.s32 v0, v59;
	[tilespmem:$0xA0] =	vst v10  }
0x2e: {  	v15 =	vld [tilespmem:$0x110];
	v14 =	vadd.s32 v0, v61;
	[tilespmem:$0xB0] =	vst v12  }
0x2f: {  	v17 =	vld [tilespmem:$0x120];
	v16 =	vadd.s32 v0, v63;
	[tilespmem:$0xC0] =	vst v14  }
0x30: {  	v19 =	vld [tilespmem:$0x130];
	v18 =	vadd.s32 v0, v9;
	[tilespmem:$0xD0] =	vst v16  }
0x31: {  	v21 =	vld [tilespmem:$0x140];
	v20 =	vadd.s32 v0, v11;
	[tilespmem:$0xE0] =	vst v18  }
0x32: {  	v23 =	vld [tilespmem:$0x150];
	v22 =	vadd.s32 v0, v13;
	[tilespmem:$0xF0] =	vst v20  }
0x33: {  	v25 =	vld [tilespmem:$0x160];
	v24 =	vadd.s32 v0, v15;
	[tilespmem:$0x100] =	vst v22  }
0x34: {  	v27 =	vld [tilespmem:$0x170];
	v26 =	vadd.s32 v0, v17;
	[tilespmem:$0x110] =	vst v24  }
0x35: {  	v29 =	vld [tilespmem:$0x180];
	v28 =	vadd.s32 v0, v19;
	[tilespmem:$0x120] =	vst v26  }
0x36: {  	v31 =	vld [tilespmem:$0x190];
	v30 =	vadd.s32 v0, v21;
	[tilespmem:$0x130] =	vst v28  }
0x37: {  	v33 =	vld [tilespmem:$0x1A0];
	v32 =	vadd.s32 v0, v23;
	[tilespmem:$0x140] =	vst v30  }
0x38: {  	v35 =	vld [tilespmem:$0x1B0];
	v34 =	vadd.s32 v0, v25;
	[tilespmem:$0x150] =	vst v32  }
0x39: {  	v37 =	vld [tilespmem:$0x1C0];
	v36 =	vadd.s32 v0, v27;
	[tilespmem:$0x160] =	vst v34  }
0x3a: {  	v39 =	vld [tilespmem:$0x1D0];
	v38 =	vadd.s32 v0, v29;
	[tilespmem:$0x170] =	vst v36  }
0x3b: {  	v41 =	vld [tilespmem:$0x1E0];
	v40 =	vadd.s32 v0, v31;
	[tilespmem:$0x180] =	vst v38  }
0x3c: {  	v43 =	vld [tilespmem:$0x1F0];
	v42 =	vadd.s32 v0, v33;
	[tilespmem:$0x190] =	vst v40  }
0x3d: {  	v45 =	vld [tilespmem:$0x200];
	v44 =	vadd.s32 v0, v35;
	[tilespmem:$0x1A0] =	vst v42  }
0x3e: {  	v47 =	vld [tilespmem:$0x210];
	v46 =	vadd.s32 v0, v37;
	[tilespmem:$0x1B0] =	vst v44  }
0x3f: {  	v49 =	vld [tilespmem:$0x220];
	[tilespmem:$0x1C0] =	vst v46;
	v48 =	vadd.s32 v0, v39  }
0x40: {  	v51 =	vld [tilespmem:$0x230];
	v50 =	vadd.s32 v0, v41;
	[tilespmem:$0x1D0] =	vst v48  }
0x41: {  	v53 =	vld [tilespmem:$0x240];
	v52 =	vadd.s32 v0, v43;
	[tilespmem:$0x1E0] =	vst v50  }
0x42: {  	v55 =	vld [tilespmem:$0x250];
	v54 =	vadd.s32 v0, v45;
	[tilespmem:$0x1F0] =	vst v52  }
0x43: {  	v57 =	vld [tilespmem:$0x260];
	v56 =	vadd.s32 v0, v47;
	[tilespmem:$0x200] =	vst v54  }
0x44: {  	v59 =	vld [tilespmem:$0x270];
	[tilespmem:$0x210] =	vst v56;
	v58 =	vadd.s32 v0, v49  }
0x45: {  	v60 =	vadd.s32 v0, v51;
	[tilespmem:$0x220] =	vst v58  }
0x46: {  	v61 =	vadd.s32 v0, v53;
	[tilespmem:$0x230] =	vst v60  }
0x47: {  	v62 =	vadd.s32 v0, v55;
	[tilespmem:$0x240] =	vst v61  }
0x48: {  	v63 =	vadd.s32 v0, v57;
	[tilespmem:$0x250] =	vst v62  }
0x49: {  	v0 =	vadd.s32 v0, v59;
	[tilespmem:$0x260] =	vst v63  }
0x4a: {  	s20 =	simm.s32 $0x500;
	[tilespmem:$0x270] =	vst v0  }
0x4b: {  	[tilespmem:s20], [sflag:$0x1] =	stream.indirect.gather [hbm4b:s6+s16], $0x40, s5, s16, $0xb8;
	[tilespmem:$0x14F00] =	vst v63  }
0x4c: {  	s21 =	simm.s32 $0x2500  }
0x4d: {  	[tilespmem:s21], [sflag:$0x1] =	stream.indirect.gather [hbm4b:s6+s16], $0x40, s16, s16, $0xb8;
	[tilespmem:$0x14F00] =	vst v63  }
0x4e: {  	s22 =	simm.s32 $0x100;
	s23 =	simm.s32 $0x4500  }
0x4f: {  	[tilespmem:s23], [sflag:$0x1] =	stream.indirect.gather [hbm4b:s6+s16], $0x40, s22, s16, $0xb8;
	[tilespmem:$0x14F00] =	vst v63  }
0x50: {  	s20 =	simm.s32 $0x180;
	s21 =	simm.s32 $0x6500  }
0x51: {  	[tilespmem:s21], [sflag:$0x1] =	stream.indirect.gather [hbm4b:s6+s16], $0x40, s20, s16, $0xb8;
	[tilespmem:$0x14F00] =	vst v63  }
0x52: {  	s22 =	simm.s32 $0x200  }
0x53: {  	[tilespmem:s24], [sflag:$0x1] =	stream.indirect.gather [hbm4b:s6+s16], $0x40, s22, s16, $0xb8;
	[tilespmem:$0x14F00] =	vst v63  }
0x54: {  	s18 =	simm.s32 $0x0;
	s23 =	rddreg [dreg:$0x6]  }
0x55: {  	[tilespmem:s25], [sflag:$0x4] =	stream.linear.gather [hbm4b:s23+s5], $0x280, $0x38;
	[tilespmem:$0x14F00] =	vst v63  }
.LBB2_2:
0x56: {  	_ =	swait.ge [sflag:s26], $0x280  }
0x57: {  	s19 =	sshll.u32 s18, $0x3;
	[sflag:s26] =	ssyncset.done $0x0  }
0x58: {  	s19 =	sand.u32 $0x1F0, s19;
	[sflag:s26] =	ssyncadd.s32 $0xFFFFFD80  }
0x59: {  	v0 =	vld [tilespmem:s19+$0x14D00]  }
0x5a: {  	v1 =	vld [tilespmem:$0x280]  }
0x5b: {  	v2 =	vld [tilespmem:$0x290]  }
0x5c: {  	v3 =	vld [tilespmem:$0x2A0]  }
0x5d: {  	v4 =	vld [tilespmem:$0x2B0]  }
0x5e: {  	v5 =	vld [tilespmem:$0x2C0]  }
0x5f: {  	v6 =	vld [tilespmem:$0x2D0];
	v1 =	vadd.s32 v0, v1  }
0x60: {  	v49 =	vld [tilespmem:$0x2E0];
	v48 =	vadd.s32 v0, v2;
	[tilespmem:$0x280] =	vst v1  }
0x61: {  	v51 =	vld [tilespmem:$0x2F0];
	v50 =	vadd.s32 v0, v3;
	[tilespmem:$0x290] =	vst v48  }
0x62: {  	v53 =	vld [tilespmem:$0x300];
	v52 =	vadd.s32 v0, v4;
	[tilespmem:$0x2A0] =	vst v50  }
0x63: {  	v55 =	vld [tilespmem:$0x310];
	v54 =	vadd.s32 v0, v5;
	[tilespmem:$0x2B0] =	vst v52  }
0x64: {  	v57 =	vld [tilespmem:$0x320];
	v56 =	vadd.s32 v0, v6;
	[tilespmem:$0x2C0] =	vst v54  }
0x65: {  	v59 =	vld [tilespmem:$0x330];
	v58 =	vadd.s32 v0, v49;
	[tilespmem:$0x2D0] =	vst v56  }
0x66: {  	v61 =	vld [tilespmem:$0x340];
	v60 =	vadd.s32 v0, v51;
	[tilespmem:$0x2E0] =	vst v58  }
0x67: {  	v63 =	vld [tilespmem:$0x350];
	v62 =	vadd.s32 v0, v53;
	[tilespmem:$0x2F0] =	vst v60  }
0x68: {  	v9 =	vld [tilespmem:$0x360];
	v8 =	vadd.s32 v0, v55;
	[tilespmem:$0x300] =	vst v62  }
0x69: {  	v11 =	vld [tilespmem:$0x370];
	v10 =	vadd.s32 v0, v57;
	[tilespmem:$0x310] =	vst v8  }
0x6a: {  	v13 =	vld [tilespmem:$0x380];
	v12 =	vadd.s32 v0, v59;
	[tilespmem:$0x320] =	vst v10  }
0x6b: {  	v15 =	vld [tilespmem:$0x390];
	v14 =	vadd.s32 v0, v61;
	[tilespmem:$0x330] =	vst v12  }
0x6c: {  	v17 =	vld [tilespmem:$0x3A0];
	v16 =	vadd.s32 v0, v63;
	[tilespmem:$0x340] =	vst v14  }
0x6d: {  	v19 =	vld [tilespmem:$0x3B0];
	v18 =	vadd.s32 v0, v9;
	[tilespmem:$0x350] =	vst v16  }
0x6e: {  	v21 =	vld [tilespmem:$0x3C0];
	v20 =	vadd.s32 v0, v11;
	[tilespmem:$0x360] =	vst v18  }
0x6f: {  	v23 =	vld [tilespmem:$0x3D0];
	v22 =	vadd.s32 v0, v13;
	[tilespmem:$0x370] =	vst v20  }
0x70: {  	v25 =	vld [tilespmem:$0x3E0];
	v24 =	vadd.s32 v0, v15;
	[tilespmem:$0x380] =	vst v22  }
0x71: {  	v27 =	vld [tilespmem:$0x3F0];
	v26 =	vadd.s32 v0, v17;
	[tilespmem:$0x390] =	vst v24  }
0x72: {  	v29 =	vld [tilespmem:$0x400];
	v28 =	vadd.s32 v0, v19;
	[tilespmem:$0x3A0] =	vst v26  }
0x73: {  	v31 =	vld [tilespmem:$0x410];
	v30 =	vadd.s32 v0, v21;
	[tilespmem:$0x3B0] =	vst v28  }
0x74: {  	v33 =	vld [tilespmem:$0x420];
	v32 =	vadd.s32 v0, v23;
	[tilespmem:$0x3C0] =	vst v30  }
0x75: {  	v35 =	vld [tilespmem:$0x430];
	v34 =	vadd.s32 v0, v25;
	[tilespmem:$0x3D0] =	vst v32  }
0x76: {  	v37 =	vld [tilespmem:$0x440];
	v36 =	vadd.s32 v0, v27;
	[tilespmem:$0x3E0] =	vst v34  }
0x77: {  	v39 =	vld [tilespmem:$0x450];
	v38 =	vadd.s32 v0, v29;
	[tilespmem:$0x3F0] =	vst v36  }
0x78: {  	v41 =	vld [tilespmem:$0x460];
	v40 =	vadd.s32 v0, v31;
	[tilespmem:$0x400] =	vst v38  }
0x79: {  	v43 =	vld [tilespmem:$0x470];
	v42 =	vadd.s32 v0, v33;
	[tilespmem:$0x410] =	vst v40  }
0x7a: {  	v45 =	vld [tilespmem:$0x480];
	v44 =	vadd.s32 v0, v35;
	[tilespmem:$0x420] =	vst v42  }
0x7b: {  	v47 =	vld [tilespmem:$0x490];
	v46 =	vadd.s32 v0, v37;
	[tilespmem:$0x430] =	vst v44  }
0x7c: {  	v49 =	vld [tilespmem:$0x4A0];
	[tilespmem:$0x440] =	vst v46;
	v48 =	vadd.s32 v0, v39  }
0x7d: {  	v51 =	vld [tilespmem:$0x4B0];
	v50 =	vadd.s32 v0, v41;
	[tilespmem:$0x450] =	vst v48  }
0x7e: {  	v53 =	vld [tilespmem:$0x4C0];
	v52 =	vadd.s32 v0, v43;
	[tilespmem:$0x460] =	vst v50  }
0x7f: {  	v55 =	vld [tilespmem:$0x4D0];
	v54 =	vadd.s32 v0, v45;
	[tilespmem:$0x470] =	vst v52  }
0x80: {  	v57 =	vld [tilespmem:$0x4E0];
	v56 =	vadd.s32 v0, v47;
	[tilespmem:$0x480] =	vst v54  }
0x81: {  	v59 =	vld [tilespmem:$0x4F0];
	[tilespmem:$0x490] =	vst v56;
	v58 =	vadd.s32 v0, v49  }
0x82: {  	v60 =	vadd.s32 v0, v51;
	[tilespmem:$0x4A0] =	vst v58  }
0x83: {  	v61 =	vadd.s32 v0, v53;
	[tilespmem:$0x4B0] =	vst v60  }
0x84: {  	v62 =	vadd.s32 v0, v55;
	[tilespmem:$0x4C0] =	vst v61  }
0x85: {  	s19 =	sshll.u32 s18, $0x1;
	v63 =	vadd.s32 v0, v57;
	[tilespmem:$0x4D0] =	vst v62  }
0x86: {  	p0 =	seq.s32 s18, $0x33;
	s21 =	sadd.s32 $0x2, s19;
	v0 =	vadd.s32 v0, v59;
	[tilespmem:$0x4E0] =	vst v63  }
0x87: {  	s20 =	sshll.u32 @!p0 s21, $0xA;
	s22 =	sshll.u32 @!p0 s21, $0x5;
	[tilespmem:$0x4F0] =	vst v0  }
0x88: {  	[tilespmem:s28], [sflag:$0x2] =	stream.indirect.gather [hbm4b:s6+s16], $0x40, s25, s16, $0xb8;
	[tilespmem:$0x14F00] =	vst v63  }
0x89: {  	s20 =	sand.u32 @!p0 $0x3F000, s20;
	s22 =	sand.u32 @!p0 $0x40, s22  }
0x8a: {  	[tilespmem:s30], [sflag:$0x2] =	stream.indirect.gather [hbm4b:s6+s16], $0x40, s29, s16, $0xb8;
	[tilespmem:$0x14F00] =	vst v63  }
0x8b: {  	s20 =	sor.u32 @!p0 s22, s20  }
0x8c: {  	[tilespmem:s2], [sflag:$0x2] =	stream.indirect.gather [hbm4b:s6+s16], $0x40, s31, s16, $0xb8;
	[tilespmem:$0x14F00] =	vst v63  }
0x8d: {  	s20 =	sor.u32 @!p0 s8, s20  }
0x8e: {  	[tilespmem:s3], [sflag:$0x2] =	stream.indirect.gather [hbm4b:s6+s16], $0x40, s0, s16, $0xb8;
	[tilespmem:$0x14F00] =	vst v63  }
0x8f: {  	s20 =	smul.u32 @!p0 $0x14, s20  }
0x90: {  	[tilespmem:s7], [sflag:$0x2] =	stream.indirect.gather [hbm4b:s6+s16], $0x40, s13, s16, $0xb8;
	[tilespmem:$0x14F00] =	vst v63  }
0x91: {  	_ =	swait.ge [sflag:s9], $0xA000  }
0x92: {  	s20 =	sshrl.u32 @!p0 s20, $0x3;
	[sflag:s9] =	ssyncset.done $0x0  }
0x93: {  	s22 =	simm.s32 @!p0 $0x0;
	s20 =	sadd.s32 @!p0 s1, s20;
	[sflag:s9] =	ssyncadd.s32 $0xFFFF6000  }
0x94: {  	[tilespmem:s22], [sflag:$0x3] =	stream.linear.gather @!p0 [hbm4b:s20+s22], $0x280, $0x38;
	[tilespmem:$0x14F00] =	vst v63  }
0x95: {  	s20 =	simm.s32 $0x0;
	s22 =	simm.s32 $0x780  }
.LBB2_3:
0x96: {  	v0 =	vld [tilespmem:s22+$0xFFFFFD80]  }
0x97: {  	v1 =	vld [tilespmem:s22+$0xFFFFFDC0]  }
0x98: {  	v2 =	vld [tilespmem:s22+$0xFFFFFE00]  }
0x99: {  	v3 =	vld [tilespmem:s22+$0xFFFFFE40]  }
0x9a: {  	v4 =	vld [tilespmem:s22+$0xFFFFFE80]  }
0x9b: {  	v5 =	vld [tilespmem:s22+$0xFFFFFEC0]  }
0x9c: {  	v6 =	vld [tilespmem:s22+$0xFFFFFF00]  }
0x9d: {  	v7 =	vld [tilespmem:s22+$0xFFFFFF40]  }
0x9e: {  	v8 =	vld [tilespmem:s22+$0xFFFFFF80]  }
0x9f: {  	v9 =	vld [tilespmem:s22+$0xFFFFFFC0]  }
0xa0: {  	v10 =	vld [tilespmem:s22+$0x0]  }
0xa1: {  	v11 =	vld [tilespmem:s22+$0x40]  }
0xa2: {  	v12 =	vld [tilespmem:s22+$0x80]  }
0xa3: {  	v13 =	vld [tilespmem:s22+$0xC0]  }
0xa4: {  	v14 =	vld [tilespmem:s22+$0x100]  }
0xa5: {  	v15 =	vld [tilespmem:s22+$0x140]  }
0xa6: {  	v16 =	vld [tilespmem:s22+$0x180]  }
0xa7: {  	v25 =	vld [tilespmem:s22+$0x1C0];
	v0 =	vadd.f32 v1, v0;
	v24 =	vadd.f32 v3, v2  }
0xa8: {  	v28 =	vld [tilespmem:s22+$0x200];
	v26 =	vadd.f32 v5, v4;
	v27 =	vadd.f32 v7, v6  }
0xa9: {  	v29 =	vld [tilespmem:s22+$0x240];
	v0 =	vadd.f32 v8, v0;
	v1 =	vadd.f32 v9, v24  }
0xaa: {  	v3 =	vadd.f32 v10, v26;
	v4 =	vadd.f32 v11, v27  }
0xab: {  	v0 =	vadd.f32 v12, v0;
	v1 =	vadd.f32 v13, v1  }
0xac: {  	v3 =	vadd.f32 v14, v3;
	v4 =	vadd.f32 v15, v4  }
0xad: {  	v0 =	vadd.f32 v16, v0;
	v1 =	vadd.f32 v25, v1  }
0xae: {  	v30 =	vadd.f32 v28, v3;
	v31 =	vadd.f32 v29, v4;
	_ =	sdelay $0x1  }
0xaf: {  	v0 =	vadd.f32 v1, v0;
	v32 =	vadd.f32 v31, v30;
	_ =	sdelay $0x1  }
0xb0: {  	v0 =	vadd.f32 v32, v0  }
0xb1: {  	s23 =	sshra.s32 s20, $0x2  }
0xb2: {  	[tilespmem:s23+$0x14500] =	vst v0  }
0xb3: {  	v0 =	vld [tilespmem:s22+$0xFFFFFD90]  }
0xb4: {  	v33 =	vld [tilespmem:s22+$0xFFFFFDD0]  }
0xb5: {  	v34 =	vld [tilespmem:s22+$0xFFFFFE10]  }
0xb6: {  	v35 =	vld [tilespmem:s22+$0xFFFFFE50]  }
0xb7: {  	v36 =	vld [tilespmem:s22+$0xFFFFFE90]  }
0xb8: {  	v37 =	vld [tilespmem:s22+$0xFFFFFED0]  }
0xb9: {  	v38 =	vld [tilespmem:s22+$0xFFFFFF10]  }
0xba: {  	v39 =	vld [tilespmem:s22+$0xFFFFFF50]  }
0xbb: {  	v40 =	vld [tilespmem:s22+$0xFFFFFF90]  }
0xbc: {  	v41 =	vld [tilespmem:s22+$0xFFFFFFD0]  }
0xbd: {  	v42 =	vld [tilespmem:s22+$0x10]  }
0xbe: {  	v43 =	vld [tilespmem:s22+$0x50]  }
0xbf: {  	v44 =	vld [tilespmem:s22+$0x90]  }
0xc0: {  	v45 =	vld [tilespmem:s22+$0xD0]  }
0xc1: {  	v46 =	vld [tilespmem:s22+$0x110]  }
0xc2: {  	v47 =	vld [tilespmem:s22+$0x150]  }
0xc3: {  	v48 =	vld [tilespmem:s22+$0x190]  }
0xc4: {  	v50 =	vld [tilespmem:s22+$0x1D0];
	v0 =	vadd.f32 v33, v0;
	v49 =	vadd.f32 v35, v34  }
0xc5: {  	v53 =	vld [tilespmem:s22+$0x210];
	v51 =	vadd.f32 v37, v36;
	v52 =	vadd.f32 v39, v38  }
0xc6: {  	v54 =	vld [tilespmem:s22+$0x250];
	v0 =	vadd.f32 v40, v0;
	v1 =	vadd.f32 v41, v49  }
0xc7: {  	v3 =	vadd.f32 v42, v51;
	v4 =	vadd.f32 v43, v52  }
0xc8: {  	v0 =	vadd.f32 v44, v0;
	v1 =	vadd.f32 v45, v1  }
0xc9: {  	v3 =	vadd.f32 v46, v3;
	v4 =	vadd.f32 v47, v4  }
0xca: {  	v0 =	vadd.f32 v48, v0;
	v1 =	vadd.f32 v50, v1  }
0xcb: {  	v55 =	vadd.f32 v53, v3;
	v56 =	vadd.f32 v54, v4;
	_ =	sdelay $0x1  }
0xcc: {  	v0 =	vadd.f32 v1, v0;
	v57 =	vadd.f32 v56, v55;
	_ =	sdelay $0x1  }
0xcd: {  	v0 =	vadd.f32 v57, v0;
	_ =	sdelay $0x1  }
0xce: {  	[tilespmem:s23+$0x14510] =	vst v0  }
0xcf: {  	v0 =	vld [tilespmem:s22+$0xFFFFFDA0]  }
0xd0: {  	v58 =	vld [tilespmem:s22+$0xFFFFFDE0]  }
0xd1: {  	v59 =	vld [tilespmem:s22+$0xFFFFFE20]  }
0xd2: {  	v60 =	vld [tilespmem:s22+$0xFFFFFE60]  }
0xd3: {  	v61 =	vld [tilespmem:s22+$0xFFFFFEA0]  }
0xd4: {  	v62 =	vld [tilespmem:s22+$0xFFFFFEE0]  }
0xd5: {  	v63 =	vld [tilespmem:s22+$0xFFFFFF20]  }
0xd6: {  	v20 =	vld [tilespmem:s22+$0xFFFFFF60]  }
0xd7: {  	v21 =	vld [tilespmem:s22+$0xFFFFFFA0]  }
0xd8: {  	v22 =	vld [tilespmem:s22+$0xFFFFFFE0]  }
0xd9: {  	v23 =	vld [tilespmem:s22+$0x20]  }
0xda: {  	v24 =	vld [tilespmem:s22+$0x60]  }
0xdb: {  	v25 =	vld [tilespmem:s22+$0xA0]  }
0xdc: {  	v26 =	vld [tilespmem:s22+$0xE0]  }
0xdd: {  	v27 =	vld [tilespmem:s22+$0x120]  }
0xde: {  	v28 =	vld [tilespmem:s22+$0x160]  }
0xdf: {  	v29 =	vld [tilespmem:s22+$0x1A0]  }
0xe0: {  	v31 =	vld [tilespmem:s22+$0x1E0];
	v0 =	vadd.f32 v58, v0;
	v30 =	vadd.f32 v60, v59  }
0xe1: {  	v34 =	vld [tilespmem:s22+$0x220];
	v32 =	vadd.f32 v62, v61;
	v33 =	vadd.f32 v20, v63  }
0xe2: {  	v35 =	vld [tilespmem:s22+$0x260];
	v0 =	vadd.f32 v21, v0;
	v1 =	vadd.f32 v22, v30  }
0xe3: {  	v3 =	vadd.f32 v23, v32;
	v4 =	vadd.f32 v24, v33  }
0xe4: {  	v0 =	vadd.f32 v25, v0;
	v1 =	vadd.f32 v26, v1  }
0xe5: {  	v3 =	vadd.f32 v27, v3;
	v4 =	vadd.f32 v28, v4  }
0xe6: {  	v0 =	vadd.f32 v29, v0;
	v1 =	vadd.f32 v31, v1  }
0xe7: {  	v36 =	vadd.f32 v34, v3;
	v37 =	vadd.f32 v35, v4;
	_ =	sdelay $0x1  }
0xe8: {  	v0 =	vadd.f32 v1, v0;
	v38 =	vadd.f32 v37, v36;
	_ =	sdelay $0x1  }
0xe9: {  	v0 =	vadd.f32 v38, v0;
	_ =	sdelay $0x1  }
0xea: {  	[tilespmem:s23+$0x14520] =	vst v0  }
0xeb: {  	v0 =	vld [tilespmem:s22+$0xFFFFFDB0]  }
0xec: {  	v39 =	vld [tilespmem:s22+$0xFFFFFDF0]  }
0xed: {  	v40 =	vld [tilespmem:s22+$0xFFFFFE30]  }
0xee: {  	v41 =	vld [tilespmem:s22+$0xFFFFFE70]  }
0xef: {  	v42 =	vld [tilespmem:s22+$0xFFFFFEB0]  }
0xf0: {  	v43 =	vld [tilespmem:s22+$0xFFFFFEF0]  }
0xf1: {  	v44 =	vld [tilespmem:s22+$0xFFFFFF30]  }
0xf2: {  	v45 =	vld [tilespmem:s22+$0xFFFFFF70]  }
0xf3: {  	v46 =	vld [tilespmem:s22+$0xFFFFFFB0]  }
0xf4: {  	v47 =	vld [tilespmem:s22+$0xFFFFFFF0]  }
0xf5: {  	v48 =	vld [tilespmem:s22+$0x30]  }
0xf6: {  	v49 =	vld [tilespmem:s22+$0x70]  }
0xf7: {  	v50 =	vld [tilespmem:s22+$0xB0]  }
0xf8: {  	v51 =	vld [tilespmem:s22+$0xF0]  }
0xf9: {  	v52 =	vld [tilespmem:s22+$0x130]  }
0xfa: {  	v53 =	vld [tilespmem:s22+$0x170]  }
0xfb: {  	v54 =	vld [tilespmem:s22+$0x1B0]  }
0xfc: {  	v56 =	vld [tilespmem:s22+$0x1F0];
	v0 =	vadd.f32 v39, v0;
	v55 =	vadd.f32 v41, v40  }
0xfd: {  	v59 =	vld [tilespmem:s22+$0x230];
	v57 =	vadd.f32 v43, v42;
	v58 =	vadd.f32 v45, v44  }
0xfe: {  	v60 =	vld [tilespmem:s22+$0x270];
	v0 =	vadd.f32 v46, v0;
	v1 =	vadd.f32 v47, v55  }
0xff: {  	v3 =	vadd.f32 v48, v57;
	v4 =	vadd.f32 v49, v58  }
0x100: {  	v0 =	vadd.f32 v50, v0;
	v1 =	vadd.f32 v51, v1  }
0x101: {  	v3 =	vadd.f32 v52, v3;
	v4 =	vadd.f32 v53, v4  }
0x102: {  	v0 =	vadd.f32 v54, v0;
	v1 =	vadd.f32 v56, v1  }
0x103: {  	v61 =	vadd.f32 v59, v3;
	v62 =	vadd.f32 v60, v4  }
0x104: {  	p0 =	sne.s32 s20, $0x1F00  }
.Ltmp0:
0x105: {  	v0 =	vadd.f32 v1, v0;
	v63 =	vadd.f32 v62, v61;
	(pc) =	sbr.rel @p0 .LBB2_3-.Ltmp0, $3  }
0x106: {  	_ = 	snop  }
0x107: {  	v0 =	vadd.f32 v63, v0;
	_ =	sdelay $0x1  }
0x108: {  	s20 =	sadd.s32 $0x100, s20;
	s22 =	sadd.s32 $0x500, s22;
	[tilespmem:s23+$0x14530] =	vst v0  }
0x109: {  	s20 =	sshll.u32 s18, $0xE  }
0x10a: {  	s22 =	sshll.u32 s18, $0x9;
	s20 =	sand.u32 $0xF8000, s20  }
0x10b: {  	s22 =	sand.u32 $0x200, s22;
	s20 =	sor.u32 s10, s20  }
0x10c: {  	p0 =	sne.s32 s18, $0x33;
	s20 =	sor.u32 s22, s20  }
.Ltmp1:
0x10d: {  	s22 =	sadd.s32 s4, s20;
	(pc) =	sbr.rel @p0 .LBB2_6-.Ltmp1, $4  }
0x10e: {  	[hbm4b:s22+s5] =	stream.linear.scatter [tilespmem:s12], [sflag:$0x5], $0x800, $0x38;
	[tilespmem:$0x14F00] =	vst v63  }
0x10f: {  	_ =	swait.ge [sflag:s14], $0x800  }
0x110: {  	[sflag:s14] =	ssyncset.done $0x0  }
0x111: {  	[sflag:s14] =	ssyncadd.s32 $0xFFFFF800  }
.Ltmp2:
0x112: {  	(pc) =	sbr.rel .LBB2_7-.Ltmp2, $4  }
0x113: {  	_ = 	snop  }
0x114: {  	_ =	swait.ge [sflag:s17], $0xA000  }
0x115: {  	[sflag:s17] =	ssyncset.done $0x0  }
0x116: {  	[sflag:s17] =	ssyncadd.s32 $0xFFFF6000  }
.LBB2_6:
0x117: {  	_ =	swait.ge [sflag:s15], $0x280  }
0x118: {  	s21 =	sshll.u32 s21, $0x2;
	[sflag:s15] =	ssyncset.done $0x0  }
0x119: {  	s21 =	sand.u32 $0x3F0, s21;
	[sflag:s15] =	ssyncadd.s32 $0xFFFFFD80  }
0x11a: {  	v0 =	vld [tilespmem:s21+$0x14D00]  }
0x11b: {  	v1 =	vld [tilespmem:$0x0]  }
0x11c: {  	v2 =	vld [tilespmem:$0x10]  }
0x11d: {  	v3 =	vld [tilespmem:$0x20]  }
0x11e: {  	v4 =	vld [tilespmem:$0x30]  }
0x11f: {  	v5 =	vld [tilespmem:$0x40]  }
0x120: {  	v6 =	vld [tilespmem:$0x50];
	v1 =	vadd.s32 v0, v1  }
0x121: {  	v49 =	vld [tilespmem:$0x60];
	v48 =	vadd.s32 v0, v2;
	[tilespmem:$0x0] =	vst v1  }
0x122: {  	v51 =	vld [tilespmem:$0x70];
	v50 =	vadd.s32 v0, v3;
	[tilespmem:$0x10] =	vst v48  }
0x123: {  	v53 =	vld [tilespmem:$0x80];
	v52 =	vadd.s32 v0, v4;
	[tilespmem:$0x20] =	vst v50  }
0x124: {  	v55 =	vld [tilespmem:$0x90];
	v54 =	vadd.s32 v0, v5;
	[tilespmem:$0x30] =	vst v52  }
0x125: {  	v57 =	vld [tilespmem:$0xA0];
	v56 =	vadd.s32 v0, v6;
	[tilespmem:$0x40] =	vst v54  }
0x126: {  	v59 =	vld [tilespmem:$0xB0];
	v58 =	vadd.s32 v0, v49;
	[tilespmem:$0x50] =	vst v56  }
0x127: {  	v61 =	vld [tilespmem:$0xC0];
	v60 =	vadd.s32 v0, v51;
	[tilespmem:$0x60] =	vst v58  }
0x128: {  	v63 =	vld [tilespmem:$0xD0];
	v62 =	vadd.s32 v0, v53;
	[tilespmem:$0x70] =	vst v60  }
0x129: {  	v9 =	vld [tilespmem:$0xE0];
	v8 =	vadd.s32 v0, v55;
	[tilespmem:$0x80] =	vst v62  }
0x12a: {  	v11 =	vld [tilespmem:$0xF0];
	v10 =	vadd.s32 v0, v57;
	[tilespmem:$0x90] =	vst v8  }
0x12b: {  	v13 =	vld [tilespmem:$0x100];
	v12 =	vadd.s32 v0, v59;
	[tilespmem:$0xA0] =	vst v10  }
0x12c: {  	v15 =	vld [tilespmem:$0x110];
	v14 =	vadd.s32 v0, v61;
	[tilespmem:$0xB0] =	vst v12  }
0x12d: {  	v17 =	vld [tilespmem:$0x120];
	v16 =	vadd.s32 v0, v63;
	[tilespmem:$0xC0] =	vst v14  }
0x12e: {  	v19 =	vld [tilespmem:$0x130];
	v18 =	vadd.s32 v0, v9;
	[tilespmem:$0xD0] =	vst v16  }
0x12f: {  	v21 =	vld [tilespmem:$0x140];
	v20 =	vadd.s32 v0, v11;
	[tilespmem:$0xE0] =	vst v18  }
0x130: {  	v23 =	vld [tilespmem:$0x150];
	v22 =	vadd.s32 v0, v13;
	[tilespmem:$0xF0] =	vst v20  }
0x131: {  	v25 =	vld [tilespmem:$0x160];
	v24 =	vadd.s32 v0, v15;
	[tilespmem:$0x100] =	vst v22  }
0x132: {  	v27 =	vld [tilespmem:$0x170];
	v26 =	vadd.s32 v0, v17;
	[tilespmem:$0x110] =	vst v24  }
0x133: {  	v29 =	vld [tilespmem:$0x180];
	v28 =	vadd.s32 v0, v19;
	[tilespmem:$0x120] =	vst v26  }
0x134: {  	v31 =	vld [tilespmem:$0x190];
	v30 =	vadd.s32 v0, v21;
	[tilespmem:$0x130] =	vst v28  }
0x135: {  	v33 =	vld [tilespmem:$0x1A0];
	v32 =	vadd.s32 v0, v23;
	[tilespmem:$0x140] =	vst v30  }
0x136: {  	v35 =	vld [tilespmem:$0x1B0];
	v34 =	vadd.s32 v0, v25;
	[tilespmem:$0x150] =	vst v32  }
0x137: {  	v37 =	vld [tilespmem:$0x1C0];
	v36 =	vadd.s32 v0, v27;
	[tilespmem:$0x160] =	vst v34  }
0x138: {  	v39 =	vld [tilespmem:$0x1D0];
	v38 =	vadd.s32 v0, v29;
	[tilespmem:$0x170] =	vst v36  }
0x139: {  	v41 =	vld [tilespmem:$0x1E0];
	v40 =	vadd.s32 v0, v31;
	[tilespmem:$0x180] =	vst v38  }
0x13a: {  	v43 =	vld [tilespmem:$0x1F0];
	v42 =	vadd.s32 v0, v33;
	[tilespmem:$0x190] =	vst v40  }
0x13b: {  	v45 =	vld [tilespmem:$0x200];
	v44 =	vadd.s32 v0, v35;
	[tilespmem:$0x1A0] =	vst v42  }
0x13c: {  	v47 =	vld [tilespmem:$0x210];
	v46 =	vadd.s32 v0, v37;
	[tilespmem:$0x1B0] =	vst v44  }
0x13d: {  	v49 =	vld [tilespmem:$0x220];
	[tilespmem:$0x1C0] =	vst v46;
	v48 =	vadd.s32 v0, v39  }
0x13e: {  	v51 =	vld [tilespmem:$0x230];
	v50 =	vadd.s32 v0, v41;
	[tilespmem:$0x1D0] =	vst v48  }
0x13f: {  	v53 =	vld [tilespmem:$0x240];
	v52 =	vadd.s32 v0, v43;
	[tilespmem:$0x1E0] =	vst v50  }
0x140: {  	v55 =	vld [tilespmem:$0x250];
	v54 =	vadd.s32 v0, v45;
	[tilespmem:$0x1F0] =	vst v52  }
0x141: {  	v57 =	vld [tilespmem:$0x260];
	v56 =	vadd.s32 v0, v47;
	[tilespmem:$0x200] =	vst v54  }
0x142: {  	v59 =	vld [tilespmem:$0x270];
	[tilespmem:$0x210] =	vst v56;
	v58 =	vadd.s32 v0, v49  }
0x143: {  	v60 =	vadd.s32 v0, v51;
	[tilespmem:$0x220] =	vst v58  }
0x144: {  	v61 =	vadd.s32 v0, v53;
	[tilespmem:$0x230] =	vst v60  }
0x145: {  	v62 =	vadd.s32 v0, v55;
	[tilespmem:$0x240] =	vst v61  }
0x146: {  	v63 =	vadd.s32 v0, v57;
	[tilespmem:$0x250] =	vst v62  }
0x147: {  	v0 =	vadd.s32 v0, v59;
	[tilespmem:$0x260] =	vst v63  }
0x148: {  	s23 =	simm.s32 $0x500;
	[tilespmem:$0x270] =	vst v0  }
0x149: {  	[tilespmem:s23], [sflag:$0x1] =	stream.indirect.gather [hbm4b:s6+s16], $0x40, s5, s16, $0xb8;
	[tilespmem:$0x14F00] =	vst v63  }
0x14a: {  	s22 =	simm.s32 $0x2500  }
0x14b: {  	[tilespmem:s22], [sflag:$0x1] =	stream.indirect.gather [hbm4b:s6+s16], $0x40, s16, s16, $0xb8;
	[tilespmem:$0x14F00] =	vst v63  }
0x14c: {  	s23 =	simm.s32 $0x100;
	s22 =	simm.s32 $0x4500  }
0x14d: {  	[tilespmem:s22], [sflag:$0x1] =	stream.indirect.gather [hbm4b:s6+s16], $0x40, s23, s16, $0xb8;
	[tilespmem:$0x14F00] =	vst v63  }
0x14e: {  	s19 =	sadd.s32 $0x3, s19;
	s22 =	simm.s32 $0x180;
	s23 =	simm.s32 $0x6500  }
0x14f: {  	[tilespmem:s23], [sflag:$0x1] =	stream.indirect.gather [hbm4b:s6+s16], $0x40, s22, s16, $0xb8;
	[tilespmem:$0x14F00] =	vst v63  }
0x150: {  	s23 =	sshll.u32 s19, $0xA;
	s19 =	sshll.u32 s19, $0x5  }
0x151: {  	s22 =	simm.s32 $0x200;
	s21 =	sand.u32 $0x3F000, s23;
	s19 =	sand.u32 $0x60, s19  }
0x152: {  	[tilespmem:s24], [sflag:$0x1] =	stream.indirect.gather [hbm4b:s6+s16], $0x40, s22, s16, $0xb8;
	[tilespmem:$0x14F00] =	vst v63  }
0x153: {  	s19 =	sor.u32 s19, s21  }
0x154: {  	s19 =	sor.u32 s8, s19  }
0x155: {  	s19 =	smul.u32 $0x14, s19  }
0x156: {  	_ =	swait.ge [sflag:s17], $0xA000  }
0x157: {  	[sflag:s17] =	ssyncset.done $0x0;
	s19 =	sshrl.u32 s19, $0x3  }
0x158: {  	[sflag:s17] =	ssyncadd.s32 $0xFFFF6000;
	s19 =	sadd.s32 s1, s19  }
0x159: {  	[tilespmem:s25], [sflag:$0x4] =	stream.linear.gather [hbm4b:s19+s5], $0x280, $0x38;
	[tilespmem:$0x14F00] =	vst v63  }
.LBB2_7:
0x15a: {  	s19 =	simm.s32 $0x0;
	s21 =	simm.s32 $0xA780  }
.LBB2_8:
0x15b: {  	v0 =	vld [tilespmem:s21+$0xFFFFFD80]  }
0x15c: {  	v1 =	vld [tilespmem:s21+$0xFFFFFDC0]  }
0x15d: {  	v2 =	vld [tilespmem:s21+$0xFFFFFE00]  }
0x15e: {  	v3 =	vld [tilespmem:s21+$0xFFFFFE40]  }
0x15f: {  	v4 =	vld [tilespmem:s21+$0xFFFFFE80]  }
0x160: {  	v5 =	vld [tilespmem:s21+$0xFFFFFEC0]  }
0x161: {  	v6 =	vld [tilespmem:s21+$0xFFFFFF00]  }
0x162: {  	v7 =	vld [tilespmem:s21+$0xFFFFFF40]  }
0x163: {  	v8 =	vld [tilespmem:s21+$0xFFFFFF80]  }
0x164: {  	v9 =	vld [tilespmem:s21+$0xFFFFFFC0]  }
0x165: {  	v10 =	vld [tilespmem:s21+$0x0]  }
0x166: {  	v11 =	vld [tilespmem:s21+$0x40]  }
0x167: {  	v12 =	vld [tilespmem:s21+$0x80]  }
0x168: {  	v13 =	vld [tilespmem:s21+$0xC0]  }
0x169: {  	v14 =	vld [tilespmem:s21+$0x100]  }
0x16a: {  	v15 =	vld [tilespmem:s21+$0x140]  }
0x16b: {  	v16 =	vld [tilespmem:s21+$0x180]  }
0x16c: {  	v25 =	vld [tilespmem:s21+$0x1C0];
	v0 =	vadd.f32 v1, v0;
	v24 =	vadd.f32 v3, v2  }
0x16d: {  	v28 =	vld [tilespmem:s21+$0x200];
	v26 =	vadd.f32 v5, v4;
	v27 =	vadd.f32 v7, v6  }
0x16e: {  	v29 =	vld [tilespmem:s21+$0x240];
	v0 =	vadd.f32 v8, v0;
	v1 =	vadd.f32 v9, v24  }
0x16f: {  	v3 =	vadd.f32 v10, v26;
	v4 =	vadd.f32 v11, v27  }
0x170: {  	v0 =	vadd.f32 v12, v0;
	v1 =	vadd.f32 v13, v1  }
0x171: {  	v3 =	vadd.f32 v14, v3;
	v4 =	vadd.f32 v15, v4  }
0x172: {  	v0 =	vadd.f32 v16, v0;
	v1 =	vadd.f32 v25, v1  }
0x173: {  	v30 =	vadd.f32 v28, v3;
	v31 =	vadd.f32 v29, v4;
	_ =	sdelay $0x1  }
0x174: {  	v0 =	vadd.f32 v1, v0;
	v32 =	vadd.f32 v31, v30;
	_ =	sdelay $0x1  }
0x175: {  	v0 =	vadd.f32 v32, v0  }
0x176: {  	s22 =	sshra.s32 s19, $0x2  }
0x177: {  	[tilespmem:s22+$0x14500] =	vst v0  }
0x178: {  	v0 =	vld [tilespmem:s21+$0xFFFFFD90]  }
0x179: {  	v33 =	vld [tilespmem:s21+$0xFFFFFDD0]  }
0x17a: {  	v34 =	vld [tilespmem:s21+$0xFFFFFE10]  }
0x17b: {  	v35 =	vld [tilespmem:s21+$0xFFFFFE50]  }
0x17c: {  	v36 =	vld [tilespmem:s21+$0xFFFFFE90]  }
0x17d: {  	v37 =	vld [tilespmem:s21+$0xFFFFFED0]  }
0x17e: {  	v38 =	vld [tilespmem:s21+$0xFFFFFF10]  }
0x17f: {  	v39 =	vld [tilespmem:s21+$0xFFFFFF50]  }
0x180: {  	v40 =	vld [tilespmem:s21+$0xFFFFFF90]  }
0x181: {  	v41 =	vld [tilespmem:s21+$0xFFFFFFD0]  }
0x182: {  	v42 =	vld [tilespmem:s21+$0x10]  }
0x183: {  	v43 =	vld [tilespmem:s21+$0x50]  }
0x184: {  	v44 =	vld [tilespmem:s21+$0x90]  }
0x185: {  	v45 =	vld [tilespmem:s21+$0xD0]  }
0x186: {  	v46 =	vld [tilespmem:s21+$0x110]  }
0x187: {  	v47 =	vld [tilespmem:s21+$0x150]  }
0x188: {  	v48 =	vld [tilespmem:s21+$0x190]  }
0x189: {  	v50 =	vld [tilespmem:s21+$0x1D0];
	v0 =	vadd.f32 v33, v0;
	v49 =	vadd.f32 v35, v34  }
0x18a: {  	v53 =	vld [tilespmem:s21+$0x210];
	v51 =	vadd.f32 v37, v36;
	v52 =	vadd.f32 v39, v38  }
0x18b: {  	v54 =	vld [tilespmem:s21+$0x250];
	v0 =	vadd.f32 v40, v0;
	v1 =	vadd.f32 v41, v49  }
0x18c: {  	v3 =	vadd.f32 v42, v51;
	v4 =	vadd.f32 v43, v52  }
0x18d: {  	v0 =	vadd.f32 v44, v0;
	v1 =	vadd.f32 v45, v1  }
0x18e: {  	v3 =	vadd.f32 v46, v3;
	v4 =	vadd.f32 v47, v4  }
0x18f: {  	v0 =	vadd.f32 v48, v0;
	v1 =	vadd.f32 v50, v1  }
0x190: {  	v55 =	vadd.f32 v53, v3;
	v56 =	vadd.f32 v54, v4;
	_ =	sdelay $0x1  }
0x191: {  	v0 =	vadd.f32 v1, v0;
	v57 =	vadd.f32 v56, v55;
	_ =	sdelay $0x1  }
0x192: {  	v0 =	vadd.f32 v57, v0;
	_ =	sdelay $0x1  }
0x193: {  	[tilespmem:s22+$0x14510] =	vst v0  }
0x194: {  	v0 =	vld [tilespmem:s21+$0xFFFFFDA0]  }
0x195: {  	v58 =	vld [tilespmem:s21+$0xFFFFFDE0]  }
0x196: {  	v59 =	vld [tilespmem:s21+$0xFFFFFE20]  }
0x197: {  	v60 =	vld [tilespmem:s21+$0xFFFFFE60]  }
0x198: {  	v61 =	vld [tilespmem:s21+$0xFFFFFEA0]  }
0x199: {  	v62 =	vld [tilespmem:s21+$0xFFFFFEE0]  }
0x19a: {  	v63 =	vld [tilespmem:s21+$0xFFFFFF20]  }
0x19b: {  	v20 =	vld [tilespmem:s21+$0xFFFFFF60]  }
0x19c: {  	v21 =	vld [tilespmem:s21+$0xFFFFFFA0]  }
0x19d: {  	v22 =	vld [tilespmem:s21+$0xFFFFFFE0]  }
0x19e: {  	v23 =	vld [tilespmem:s21+$0x20]  }
0x19f: {  	v24 =	vld [tilespmem:s21+$0x60]  }
0x1a0: {  	v25 =	vld [tilespmem:s21+$0xA0]  }
0x1a1: {  	v26 =	vld [tilespmem:s21+$0xE0]  }
0x1a2: {  	v27 =	vld [tilespmem:s21+$0x120]  }
0x1a3: {  	v28 =	vld [tilespmem:s21+$0x160]  }
0x1a4: {  	v29 =	vld [tilespmem:s21+$0x1A0]  }
0x1a5: {  	v31 =	vld [tilespmem:s21+$0x1E0];
	v0 =	vadd.f32 v58, v0;
	v30 =	vadd.f32 v60, v59  }
0x1a6: {  	v34 =	vld [tilespmem:s21+$0x220];
	v32 =	vadd.f32 v62, v61;
	v33 =	vadd.f32 v20, v63  }
0x1a7: {  	v35 =	vld [tilespmem:s21+$0x260];
	v0 =	vadd.f32 v21, v0;
	v1 =	vadd.f32 v22, v30  }
0x1a8: {  	v3 =	vadd.f32 v23, v32;
	v4 =	vadd.f32 v24, v33  }
0x1a9: {  	v0 =	vadd.f32 v25, v0;
	v1 =	vadd.f32 v26, v1  }
0x1aa: {  	v3 =	vadd.f32 v27, v3;
	v4 =	vadd.f32 v28, v4  }
0x1ab: {  	v0 =	vadd.f32 v29, v0;
	v1 =	vadd.f32 v31, v1  }
0x1ac: {  	v36 =	vadd.f32 v34, v3;
	v37 =	vadd.f32 v35, v4;
	_ =	sdelay $0x1  }
0x1ad: {  	v0 =	vadd.f32 v1, v0;
	v38 =	vadd.f32 v37, v36;
	_ =	sdelay $0x1  }
0x1ae: {  	v0 =	vadd.f32 v38, v0;
	_ =	sdelay $0x1  }
0x1af: {  	[tilespmem:s22+$0x14520] =	vst v0  }
0x1b0: {  	v0 =	vld [tilespmem:s21+$0xFFFFFDB0]  }
0x1b1: {  	v39 =	vld [tilespmem:s21+$0xFFFFFDF0]  }
0x1b2: {  	v40 =	vld [tilespmem:s21+$0xFFFFFE30]  }
0x1b3: {  	v41 =	vld [tilespmem:s21+$0xFFFFFE70]  }
0x1b4: {  	v42 =	vld [tilespmem:s21+$0xFFFFFEB0]  }
0x1b5: {  	v43 =	vld [tilespmem:s21+$0xFFFFFEF0]  }
0x1b6: {  	v44 =	vld [tilespmem:s21+$0xFFFFFF30]  }
0x1b7: {  	v45 =	vld [tilespmem:s21+$0xFFFFFF70]  }
0x1b8: {  	v46 =	vld [tilespmem:s21+$0xFFFFFFB0]  }
0x1b9: {  	v47 =	vld [tilespmem:s21+$0xFFFFFFF0]  }
0x1ba: {  	v48 =	vld [tilespmem:s21+$0x30]  }
0x1bb: {  	v49 =	vld [tilespmem:s21+$0x70]  }
0x1bc: {  	v50 =	vld [tilespmem:s21+$0xB0]  }
0x1bd: {  	v51 =	vld [tilespmem:s21+$0xF0]  }
0x1be: {  	v52 =	vld [tilespmem:s21+$0x130]  }
0x1bf: {  	v53 =	vld [tilespmem:s21+$0x170]  }
0x1c0: {  	v54 =	vld [tilespmem:s21+$0x1B0]  }
0x1c1: {  	v56 =	vld [tilespmem:s21+$0x1F0];
	v0 =	vadd.f32 v39, v0;
	v55 =	vadd.f32 v41, v40  }
0x1c2: {  	v59 =	vld [tilespmem:s21+$0x230];
	v57 =	vadd.f32 v43, v42;
	v58 =	vadd.f32 v45, v44  }
0x1c3: {  	v60 =	vld [tilespmem:s21+$0x270];
	v0 =	vadd.f32 v46, v0;
	v1 =	vadd.f32 v47, v55  }
0x1c4: {  	v3 =	vadd.f32 v48, v57;
	v4 =	vadd.f32 v49, v58  }
0x1c5: {  	v0 =	vadd.f32 v50, v0;
	v1 =	vadd.f32 v51, v1  }
0x1c6: {  	v3 =	vadd.f32 v52, v3;
	v4 =	vadd.f32 v53, v4  }
0x1c7: {  	v0 =	vadd.f32 v54, v0;
	v1 =	vadd.f32 v56, v1  }
0x1c8: {  	v61 =	vadd.f32 v59, v3;
	v62 =	vadd.f32 v60, v4  }
0x1c9: {  	p0 =	sne.s32 s19, $0x1F00  }
.Ltmp3:
0x1ca: {  	v0 =	vadd.f32 v1, v0;
	v63 =	vadd.f32 v62, v61;
	(pc) =	sbr.rel @p0 .LBB2_8-.Ltmp3, $3  }
0x1cb: {  	_ = 	snop  }
0x1cc: {  	v0 =	vadd.f32 v63, v0;
	_ =	sdelay $0x1  }
0x1cd: {  	s19 =	sadd.s32 $0x100, s19;
	s21 =	sadd.s32 $0x500, s21;
	[tilespmem:s22+$0x14530] =	vst v0  }
0x1ce: {  	s18 =	sadd.s32 $0x1, s18  }
0x1cf: {  	p0 =	sne.s32 s18, $0x34  }
.Ltmp4:
0x1d0: {  	s19 =	sadd.s32 s20, s11;
	(pc) =	sbr.rel @p0 .LBB2_2-.Ltmp4, $4  }
0x1d1: {  	[hbm4b:s19+s5] =	stream.linear.scatter [tilespmem:s12], [sflag:$0x5], $0x800, $0x38;
	[tilespmem:$0x14F00] =	vst v63  }
0x1d2: {  	_ =	swait.ge [sflag:s14], $0x800  }
0x1d3: {  	[sflag:s14] =	ssyncset.done $0x0  }
0x1d4: {  	[sflag:s14] =	ssyncadd.s32 $0xFFFFF800  }
0x1d5: {  	s19 =	rddreg [dreg:$0x8]  }
0x1d6: {  	s18 =	rddreg [dreg:$0x7];
	s19 =	sadd.s32 $0x1, s19  }
0x1d7: {  	p0 =	sne.s32 s19, s18  }
.Ltmp5:
0x1d8: {  	_ = 	snop;
	(pc) =	sbr.rel @p0 .LBB2_1-.Ltmp5, $1  }
0x1d9: {  	_ =	sdelay $0x3  }
0x1da: {  	_ =	sfence.sel $0x180000  }
0x1db: {  	[bflag:$0x0] =	sbarrier.arrive $0xFFFF  }
0x1dc: {  	_ =	strace $0x90000047  }
0x1dd: {  	s0 =	stileid.u32;
	[bflag:$0x2] =	sbarrier.arrive $0xFFFF  }
0x1de: {  	p0 =	sne.s32 s0, $0x0;
	s0 =	rddreg [dreg:$0x4]  }
0x1df: {  	s0 =	sadd.s32 @!p0 $0x100000, s0  }
0x1e0: {  	[sflag:s0] =	ssyncadd.tile.s32 @!p0 $0x1;
	_ =	shalt  }
.Lfunc_end2:
_tile_overlayer_lowered:
.L_overlay_start_2:
0x1e1: {  	(tag) =	ssettag $0x2  }
0x1e2: {  	s0 =	rddreg [dreg:$0x0];
	s2 =	stileid.u32  }
0x1e3: {  	s1 =	rddreg [dreg:$0x1];
	p0 =	sne.s32 s2, $0x0  }
0x1e4: {  	s3 =	rddreg [dreg:$0x2];
	[bflag:$0x3] =	sbarrier.arrive $0xFFFF;
	s2 =	simm.s32 @!p0 $0x1C05  }
0x1e5: {  	[timem:s3], [sflag:s2] =	dma.local @!p0 [hbm:s0], s1  }
0x1e6: {  	s0 =	simm.s32 @!p0 $0x5  }
0x1e7: {  	_ =	swait.ge @!p0 [sflag:s0], s1  }
0x1e8: {  	s1 =	ssub.s32 @!p0 $0x0, s1;
	[sflag:s0] =	ssyncset.done @!p0 $0x0  }
0x1e9: {  	[sflag:s0] =	ssyncadd.s32 @!p0 s1  }
0x1ea: {  	[bflag:$0x3] =	sbarrier.arrive $0xFFFF  }
0x1eb: {  	_ =	shalt  }

</sc_bundles>
